<compile_context>
chip_gen: v7x
topology: tpu7x:2x2x1
jax: 0.10.2.dev20260603
libtpu: 0.0.44.dev20260713+nightly
codegen_flags: <defaults>
</compile_context>

<pallas_src>
import functools

import jax
import jax.numpy as jnp
from jax import lax
from jax.experimental import pallas as pl
from jax.experimental.pallas import tpu as pltpu
from jax.experimental.pallas import tpu_sc as plsc


_NSEG = 16
_L = 2048
_BI = 256
_NIB = _L // _BI
_CH = 512
_SUB = 128
_NSUB = _CH // _SUB
_NCH = _L // _CH
_LANES = 16


def _sc_partition_kernel(x_hbm, lab_hbm, xs_hbm, bm_hbm, aux_hbm, b_hbm,
                         w_hbm, lab_v, x_v, out_v, bm_v, aux_v, b_buf, w_buf):
    core = lax.axis_index("c")
    sub = lax.axis_index("s")

    @pl.when(sub < _NSEG // 2)
    def _body():
        seg = core * (_NSEG // 2) + sub
        pltpu.sync_copy(lab_hbm.at[seg], lab_v)
        pltpu.sync_copy(x_hbm.at[seg], x_v)

        i32 = jnp.int32
        f32 = jnp.float32
        nchunks = _L // _LANES
        zv = jnp.zeros((_LANES,), i32)
        onev = jnp.full((_LANES,), 1, i32)
        zf = jnp.zeros((_LANES,), f32)
        onef = jnp.full((_LANES,), 1.0, f32)
        io = lax.iota(i32, _LANES)

        def hist_body(i, carry):
            a0, a1, a2, a3 = carry
            lv = lab_v[pl.ds(i * _LANES, _LANES)]
            a0 = a0 + plsc.all_reduce_population_count(lv == 0)
            a1 = a1 + plsc.all_reduce_population_count(lv == 1)
            a2 = a2 + plsc.all_reduce_population_count(lv == 2)
            a3 = a3 + plsc.all_reduce_population_count(lv == 3)
            return a0, a1, a2, a3

        c0v, c1v, c2v, c3v = lax.fori_loop(0, nchunks, hist_body,
                                           (zv, zv, zv, zv))
        o1v = c0v
        o2v = c0v + c1v
        o3v = o2v + c2v
        o4v = o3v + c3v

        def part_body(i, carry):
            r0, r1, r2, r3, r4, s1, s2, s3, mx = carry
            lv = lab_v[pl.ds(i * _LANES, _LANES)]
            xv = x_v[pl.ds(i * _LANES, _LANES)]
            outs = []
            for a, r in ((0, r0), (1, r1), (2, r2), (3, r3), (4, r4)):
                m = lv == a
                mi = jnp.where(m, onev, zv)
                pos = plsc.cumsum(mi)
                idx = r + pos - onev
                plsc.store_scatter(out_v, [idx], xv, mask=m)
                cnt = plsc.all_reduce_population_count(m)
                outs.append(r + cnt)
            s1 = s1 + jnp.where(lv == 1, xv, zf)
            s2 = s2 + jnp.where(lv == 2, xv, zf)
            s3 = s3 + jnp.where(lv == 3, xv, zf)
            mx = jnp.maximum(mx, xv)
            return (*outs, s1, s2, s3, mx)

        neg_big = jnp.full((_LANES,), -3.0e38, f32)
        init = (zv, o1v, o2v, o3v, o4v, zf, zf, zf, neg_big)
        (_, _, _, _, _, s1v, s2v, s3v, mxv) = lax.fori_loop(
            0, nchunks, part_body, init)

        mv = jnp.full((_LANES,), jnp.max(mxv), f32)
        s1sv = jnp.full((_LANES,), jnp.sum(s1v), f32)
        s2sv = jnp.full((_LANES,), jnp.sum(s2v), f32)
        s3sv = jnp.full((_LANES,), jnp.sum(s3v), f32)
        c1f = c1v.astype(f32)
        c2f = c2v.astype(f32)
        c3f = c3v.astype(f32)
        n1f = o1v.astype(f32)
        n2f = o2v.astype(f32)
        n3f = o3v.astype(f32)
        inc1 = jnp.where((c1v > zv) & (o1v > zv), onef, zf)
        inc2 = jnp.where((c2v > zv) & (o2v > zv), onef, zf)
        inc3 = jnp.where((c3v > zv) & (o3v > zv), onef, zf)
        nsegf = jnp.full((_LANES,), float(_NSEG), f32)
        scalev = onef / (jnp.maximum(inc1 + inc2 + inc3, onef) * nsegf)
        r1f = scalev * inc1 / jnp.maximum(c1f * n1f, onef)
        r2f = scalev * inc2 / jnp.maximum(c2f * n2f, onef)
        r3f = scalev * inc3 / jnp.maximum(c3f * n3f, onef)
        v1f = inc1 / jnp.maximum(c1f, onef)
        v2f = inc2 / jnp.maximum(c2f, onef)
        v3f = inc3 / jnp.maximum(c3f, onef)
        linv = scalev * (v1f * (s1sv - c1f * mv)
                         + v2f * (s2sv - c2f * mv)
                         + v3f * (s3sv - c3f * mv))

        def fill_body(i, carry):
            gidx = io + i * _LANES
            m1 = gidx < o1v
            m2 = gidx < o2v
            m3 = gidx < o3v
            m4 = gidx < o4v
            b = jnp.where(m1, zv, jnp.where(m2, o1v, jnp.where(
                m3, o2v, jnp.where(m4, o3v, zv))))
            w = jnp.where(m1, zf, jnp.where(m2, r1f, jnp.where(
                m3, r2f, jnp.where(m4, r3f, zf))))
            b_buf[pl.ds(i * _LANES, _LANES)] = b
            w_buf[pl.ds(i * _LANES, _LANES)] = w
            return carry

        lax.fori_loop(0, nchunks, fill_body, 0)

        blkid = jnp.where(io < 8, io, io - 8)
        blk_lo = blkid * _BI
        blk_hi = blk_lo + _BI
        bigv = jnp.full((_LANES,), 1 << 30, i32)
        bmv = zv
        bminv = bigv
        for ov, ovn in ((o1v, o2v), (o2v, o3v), (o3v, o4v)):
            cond = (ov < blk_hi) & (ovn > blk_lo)
            bmv = jnp.maximum(bmv, jnp.where(cond, ov, zv))
            bminv = jnp.minimum(bminv, jnp.where(cond, ov, bigv))
        chm1 = jnp.full((_LANES,), _CH - 1, i32)
        sh = _CH.bit_length() - 1
        ntot = jnp.right_shift(bmv + chm1, sh)
        nfull = jnp.minimum(jnp.right_shift(bminv, sh), ntot)
        bm_v[...] = jnp.where(io < 8, ntot, nfull)

        aux_v[...] = (jnp.where(io == 0, linv, zf)
                      + jnp.where(io == 1, mv, zf))

        pltpu.sync_copy(out_v, xs_hbm.at[seg])
        pltpu.sync_copy(bm_v, bm_hbm.at[seg])
        pltpu.sync_copy(aux_v, aux_hbm.at[seg])
        pltpu.sync_copy(b_buf, b_hbm.at[seg])
        pltpu.sync_copy(w_buf, w_hbm.at[seg])


@functools.cache
def _get_sc_partition():
    return pl.kernel(
        _sc_partition_kernel,
        out_type=(
            jax.ShapeDtypeStruct((_NSEG, _L), jnp.float32),
            jax.ShapeDtypeStruct((_NSEG, _LANES), jnp.int32),
            jax.ShapeDtypeStruct((_NSEG, _LANES), jnp.float32),
            jax.ShapeDtypeStruct((_NSEG, _L), jnp.int32),
            jax.ShapeDtypeStruct((_NSEG, _L), jnp.float32),
        ),
        mesh=plsc.VectorSubcoreMesh(core_axis_name="c", subcore_axis_name="s"),
        compiler_params=pltpu.CompilerParams(needs_layout_passes=False),
        scratch_types=[
            pltpu.VMEM((_L,), jnp.int32),
            pltpu.VMEM((_L,), jnp.float32),
            pltpu.VMEM((_L,), jnp.float32),
            pltpu.VMEM((_LANES,), jnp.int32),
            pltpu.VMEM((_LANES,), jnp.float32),
            pltpu.VMEM((_L,), jnp.int32),
            pltpu.VMEM((_L,), jnp.float32),
        ],
    )


def _tc_kernel(bm_ref, aux_ref, xs_ch_ref, xs_col_ref, b_col_ref, w_col_ref,
               out_ref, acc_ref, e_ref, eib_ref, bib_ref, wib_ref):
    s = pl.program_id(0)

    f32 = jnp.float32
    one = jnp.float32(1.0)

    @pl.when(s == 0)
    def _init():
        acc_ref[...] = jnp.zeros((2, _BI, _SUB), f32)

    m = aux_ref[s, 1]
    e_ref[...] = jnp.exp(xs_ch_ref[0] - m)
    jio = lax.broadcasted_iota(jnp.int32, (1, _SUB), 1)

    for ib in range(_NIB):
        sl = pl.ds(ib * _BI, _BI)
        b_i = b_col_ref[0, sl]
        w_i = w_col_ref[0, sl]
        xi = xs_col_ref[0, sl]
        eib_ref[...] = jnp.broadcast_to(jnp.exp(xi - m), (_BI, _SUB))
        bib_ref[...] = jnp.broadcast_to(b_i, (_BI, _SUB))
        wib_ref[...] = jnp.broadcast_to(w_i, (_BI, _SUB))
        ntot = bm_ref[s, ib]
        nfull = bm_ref[s, 8 + ib]

        def full_body(c, carry):
            ec = e_ref[c]
            ei = eib_ref[...]
            prod = ei + ec[:, 0:_SUB]
            for k in range(1, _NSUB):
                prod = prod * (ei + ec[:, k * _SUB:(k + 1) * _SUB])
            bank = c & 1
            acc_ref[bank] += jnp.log(prod) * wib_ref[...]
            return carry

        lax.fori_loop(0, nfull, full_body, 0)

        def chunk_body(c, carry):
            ec = e_ref[c]
            ei = eib_ref[...]
            bb = bib_ref[...]
            prod = jnp.full((_BI, _SUB), one, f32)
            for k in range(_NSUB):
                eck = ec[:, k * _SUB:(k + 1) * _SUB]
                mask = (jio + (c * _CH + k * _SUB)) < bb
                prod = prod * jnp.where(mask, ei + eck, one)
            bank = c & 1
            acc_ref[bank] += jnp.log(prod) * wib_ref[...]
            return carry

        lax.fori_loop(nfull, ntot, chunk_body, 0)

    @pl.when(s == _NSEG - 1)
    def _final():
        lin_total = aux_ref[0, 0]
        for q in range(1, _NSEG):
            lin_total = lin_total + aux_ref[q, 0]
        total = jnp.sum(acc_ref[...]) - lin_total
        out_ref[...] = jnp.broadcast_to(total, (1, 1))


def _tc_loss(xs, bm, aux, b, w):
    xs_ch = xs.reshape(_NSEG, _NCH, 1, _CH)
    xs_col = xs.reshape(_NSEG, _L, 1)
    b_col = b.reshape(_NSEG, _L, 1)
    w_col = w.reshape(_NSEG, _L, 1)
    col_spec = pl.BlockSpec((1, _L, 1), lambda s: (s, 0, 0))
    out = pl.pallas_call(
        _tc_kernel,
        grid=(_NSEG,),
        in_specs=[
            pl.BlockSpec(memory_space=pltpu.SMEM),
            pl.BlockSpec(memory_space=pltpu.SMEM),
            pl.BlockSpec((1, _NCH, 1, _CH), lambda s: (s, 0, 0, 0)),
            col_spec,
            col_spec,
            col_spec,
        ],
        out_specs=pl.BlockSpec((1, 1), lambda s: (0, 0)),
        out_shape=jax.ShapeDtypeStruct((1, 1), jnp.float32),
        scratch_shapes=[
            pltpu.VMEM((2, _BI, _SUB), jnp.float32),
            pltpu.VMEM((_NCH, 1, _CH), jnp.float32),
            pltpu.VMEM((_BI, _SUB), jnp.float32),
            pltpu.VMEM((_BI, _SUB), jnp.int32),
            pltpu.VMEM((_BI, _SUB), jnp.float32),
        ],
    )(bm, aux, xs_ch, xs_col, b_col, w_col)
    return out[0, 0]


@jax.jit
def _bpr_loss(logits, labels):
    x2d = logits.reshape(_NSEG, _L)
    lab2d = labels.reshape(_NSEG, _L)
    xs, bm, aux, b, w = _get_sc_partition()(x2d, lab2d)
    return _tc_loss(xs, bm, aux, b, w)


def kernel(s_num, logits, labels):
    return _bpr_loss(logits, labels)

# --- scband reference (transcript-rebuilt; emitter-appended) ---
"""Pipeline reference for scband-bpr-loss-11347303596571 (READ-ONLY COPY).

The authoritative reference and input builder live on the scoring server;
editing this copy changes nothing except your own understanding.
"""

import jax, jax.numpy as jnp
import numpy as np


def setup_inputs(seed: int = 0) -> dict:
    key = jax.random.key(seed)
    k1, k2 = jax.random.split(key)
    batch_size = 16
    seg_len = 2048
    total = batch_size * seg_len  # 32768
    # graph_batch.s_num: per-graph segment sizes (uniform so cumsum matches total)
    s_num = jnp.full((batch_size,), seg_len, dtype=jnp.int32)
    logits = jax.random.normal(k1, (total,), dtype=jnp.float32)
    # soft labels in {0,1,2,3,4}; loss uses soft_label_idx in 1..3
    labels = jax.random.randint(k2, (total,), 0, 5, dtype=jnp.int32)
    return {"s_num": s_num, "logits": logits, "labels": labels}


def reference(s_num, logits, labels):
    # Faithful translation of BPR_LOSS.forward. graph_batch is represented by
    # s_num (per-graph sentence counts); num_graphs = s_num.shape[0].
    batch_size = s_num.shape[0]
    seg_len = logits.shape[0] // batch_size
    batch_cumsum_snum = jnp.cumsum(s_num)
    batch_starts = batch_cumsum_snum - s_num
    soft_label_num = 4
    loss_list = []
    for i in range(batch_size):
        start_i = batch_starts[i]
        labels_i = jax.lax.dynamic_slice(labels, (start_i,), (seg_len,))
        logits_i = jax.lax.dynamic_slice(logits, (start_i,), (seg_len,))
        log_sig_i = jax.nn.log_sigmoid(logits_i[:, None] - logits_i[None, :])
        term_sum = jnp.zeros((), dtype=logits.dtype)
        term_cnt = jnp.zeros((), dtype=logits.dtype)
        for soft_label_idx in range(1, soft_label_num):
            pos_mask = (labels_i == soft_label_idx).astype(logits.dtype)
            neg_mask = (labels_i < soft_label_idx).astype(logits.dtype)
            pos_cnt = pos_mask.sum()
            neg_cnt = neg_mask.sum()
            include = (pos_cnt > 0) & (neg_cnt > 0)
            pair_mask = pos_mask[:, None] * neg_mask[None, :]
            denom = jnp.where(include, pos_cnt * neg_cnt, jnp.ones((), dtype=logits.dtype))
            term = (log_sig_i * pair_mask).sum() / denom
            inc = include.astype(logits.dtype)
            term_sum = term_sum + term * inc
            term_cnt = term_cnt + inc
        if seg_len == 1:
            continue
        else:
            graph_mean = term_sum / jnp.maximum(term_cnt, jnp.ones((), dtype=logits.dtype))
            loss_list.append(graph_mean[None])
    loss = -jnp.concatenate(loss_list, axis=-1)
    loss = loss.mean()
    return loss

if __name__ == "__main__":
    import jax
    _d = setup_inputs()
    print(jax.jit(kernel)(*tuple(_d.values())))

</pallas_src>

<mosaic_0001>
#map = affine_map<(d0, d1) -> (0, 0)>
module attributes {stable_mosaic.version = 14 : i64} {
  func.func @_sc_partition_kernel(%arg0: i32, %arg1: i32, %arg2: memref<16x2048xf32, #tpu.memory_space<hbm>>, %arg3: memref<16x2048xi32, #tpu.memory_space<hbm>>, %arg4: memref<16x2048xf32, #tpu.memory_space<hbm>>, %arg5: memref<16x16xi32, #tpu.memory_space<hbm>>, %arg6: memref<16x16xf32, #tpu.memory_space<hbm>>, %arg7: memref<16x2048xi32, #tpu.memory_space<hbm>>, %arg8: memref<16x2048xf32, #tpu.memory_space<hbm>>, %arg9: memref<2048xi32, #tpu.memory_space<vmem>>, %arg10: memref<2048xf32, #tpu.memory_space<vmem>>, %arg11: memref<2048xf32, #tpu.memory_space<vmem>>, %arg12: memref<16xi32, #tpu.memory_space<vmem>>, %arg13: memref<16xf32, #tpu.memory_space<vmem>>, %arg14: memref<2048xi32, #tpu.memory_space<vmem>>, %arg15: memref<2048xf32, #tpu.memory_space<vmem>>) attributes {dimension_semantics = [#tpu.dimension_semantics<core_parallel>, #tpu.dimension_semantics<subcore_parallel>], iteration_bounds = array<i64: 2, 16>, scalar_prefetch = 0 : i64, scratch_operands = 7 : i64, tpu.core_type = #tpu.core_type<sc_vector_subcore>, window_params = [{transform_indices = #map}, {transform_indices = #map}, {transform_indices = #map}, {transform_indices = #map}, {transform_indices = #map}, {transform_indices = #map}, {transform_indices = #map}]} {
    %lt3A = arith.constant 8 : i32
    %lt3A_0 = arith.cmpi slt, %arg1, %lt3A : i32
    %convert_element_type3A = arith.extui %lt3A_0 : i1 to i32
    %cond3A = arith.constant 0 : i32
    %cond3A_1 = arith.cmpi ne, %convert_element_type3A, %cond3A : i32
    scf.if %cond3A_1 {
      %mul3A = arith.constant 8 : i32
      %mul3A_2 = arith.muli %arg0, %mul3A : i32
      %add3A = arith.addi %mul3A_2, %arg1 : i32
      "tpu.region"() ({
        %run_scoped3A = tpu.sem_alloc : memref<!tpu.dma_semaphore, #tpu.memory_space<semaphore_mem>>
        %dma_start3A = arith.constant 0 : i32
        %dma_start3A_158 = tpu.memref_slice %arg3[%add3A, %dma_start3A] : memref<16x2048xi32, #tpu.memory_space<hbm>> -> memref<1x2048xi32, #tpu.memory_space<hbm>>
        %dma_start3A_159 = tpu.memref_squeeze %dma_start3A_158 : memref<1x2048xi32, #tpu.memory_space<hbm>> -> memref<2048xi32, #tpu.memory_space<hbm>>
        %dma_start3A_160 = arith.constant 0 : i32
        %dma_start3A_161 = tpu.memref_slice %arg3[%add3A, %dma_start3A_160] : memref<16x2048xi32, #tpu.memory_space<hbm>> -> memref<1x2048xi32, #tpu.memory_space<hbm>>
        %dma_start3A_162 = tpu.memref_squeeze %dma_start3A_161 : memref<1x2048xi32, #tpu.memory_space<hbm>> -> memref<2048xi32, #tpu.memory_space<hbm>>
        tpu.enqueue_dma source(%dma_start3A_162 : memref<2048xi32, #tpu.memory_space<hbm>>) target(%arg9 : memref<2048xi32, #tpu.memory_space<vmem>>) target_semaphore(%run_scoped3A : memref<!tpu.dma_semaphore, #tpu.memory_space<semaphore_mem>>)
        %dma_wait3A = arith.constant 0 : i32
        %dma_wait3A_163 = tpu.memref_slice %arg3[%add3A, %dma_wait3A] : memref<16x2048xi32, #tpu.memory_space<hbm>> -> memref<1x2048xi32, #tpu.memory_space<hbm>>
        %dma_wait3A_164 = tpu.memref_squeeze %dma_wait3A_163 : memref<1x2048xi32, #tpu.memory_space<hbm>> -> memref<2048xi32, #tpu.memory_space<hbm>>
        %dma_wait3A_165 = arith.constant 0 : i32
        %dma_wait3A_166 = tpu.memref_slice %arg3[%add3A, %dma_wait3A_165] : memref<16x2048xi32, #tpu.memory_space<hbm>> -> memref<1x2048xi32, #tpu.memory_space<hbm>>
        %dma_wait3A_167 = tpu.memref_squeeze %dma_wait3A_166 : memref<1x2048xi32, #tpu.memory_space<hbm>> -> memref<2048xi32, #tpu.memory_space<hbm>>
        tpu.wait_dma2 semaphore(%run_scoped3A : memref<!tpu.dma_semaphore, #tpu.memory_space<semaphore_mem>>) src(%dma_wait3A_167 : memref<2048xi32, #tpu.memory_space<hbm>>) dst(%arg9 : memref<2048xi32, #tpu.memory_space<vmem>>)
        tpu.yield
      }) : () -> ()
      "tpu.region"() ({
        %run_scoped3A = tpu.sem_alloc : memref<!tpu.dma_semaphore, #tpu.memory_space<semaphore_mem>>
        %dma_start3A = arith.constant 0 : i32
        %dma_start3A_158 = tpu.memref_slice %arg2[%add3A, %dma_start3A] : memref<16x2048xf32, #tpu.memory_space<hbm>> -> memref<1x2048xf32, #tpu.memory_space<hbm>>
        %dma_start3A_159 = tpu.memref_squeeze %dma_start3A_158 : memref<1x2048xf32, #tpu.memory_space<hbm>> -> memref<2048xf32, #tpu.memory_space<hbm>>
        %dma_start3A_160 = arith.constant 0 : i32
        %dma_start3A_161 = tpu.memref_slice %arg2[%add3A, %dma_start3A_160] : memref<16x2048xf32, #tpu.memory_space<hbm>> -> memref<1x2048xf32, #tpu.memory_space<hbm>>
        %dma_start3A_162 = tpu.memref_squeeze %dma_start3A_161 : memref<1x2048xf32, #tpu.memory_space<hbm>> -> memref<2048xf32, #tpu.memory_space<hbm>>
        tpu.enqueue_dma source(%dma_start3A_162 : memref<2048xf32, #tpu.memory_space<hbm>>) target(%arg10 : memref<2048xf32, #tpu.memory_space<vmem>>) target_semaphore(%run_scoped3A : memref<!tpu.dma_semaphore, #tpu.memory_space<semaphore_mem>>)
        %dma_wait3A = arith.constant 0 : i32
        %dma_wait3A_163 = tpu.memref_slice %arg2[%add3A, %dma_wait3A] : memref<16x2048xf32, #tpu.memory_space<hbm>> -> memref<1x2048xf32, #tpu.memory_space<hbm>>
        %dma_wait3A_164 = tpu.memref_squeeze %dma_wait3A_163 : memref<1x2048xf32, #tpu.memory_space<hbm>> -> memref<2048xf32, #tpu.memory_space<hbm>>
        %dma_wait3A_165 = arith.constant 0 : i32
        %dma_wait3A_166 = tpu.memref_slice %arg2[%add3A, %dma_wait3A_165] : memref<16x2048xf32, #tpu.memory_space<hbm>> -> memref<1x2048xf32, #tpu.memory_space<hbm>>
        %dma_wait3A_167 = tpu.memref_squeeze %dma_wait3A_166 : memref<1x2048xf32, #tpu.memory_space<hbm>> -> memref<2048xf32, #tpu.memory_space<hbm>>
        tpu.wait_dma2 semaphore(%run_scoped3A : memref<!tpu.dma_semaphore, #tpu.memory_space<semaphore_mem>>) src(%dma_wait3A_167 : memref<2048xf32, #tpu.memory_space<hbm>>) dst(%arg10 : memref<2048xf32, #tpu.memory_space<vmem>>)
        tpu.yield
      }) : () -> ()
      %broadcast_in_dim3A = arith.constant 0 : i32
      %broadcast_in_dim3A_3 = vector.broadcast %broadcast_in_dim3A : i32 to vector<16xi32>
      %broadcast_in_dim3A_4 = arith.constant 1 : i32
      %broadcast_in_dim3A_5 = vector.broadcast %broadcast_in_dim3A_4 : i32 to vector<16xi32>
      %broadcast_in_dim3A_6 = arith.constant 0.000000e+00 : f32
      %broadcast_in_dim3A_7 = vector.broadcast %broadcast_in_dim3A_6 : f32 to vector<16xf32>
      %broadcast_in_dim3A_8 = arith.constant 1.000000e+00 : f32
      %broadcast_in_dim3A_9 = vector.broadcast %broadcast_in_dim3A_8 : f32 to vector<16xf32>
      %iota3A = tpu.iota {dimensions = array<i32: 0>} : vector<16xi32>
      %scan3A = arith.constant 0 : i32
      %scan3A_10 = arith.constant 128 : i32
      %scan3A_11 = arith.addi %scan3A, %scan3A_10 : i32
      %scan3A_12 = arith.constant 1 : i32
      %scan3A_13:4 = scf.for %scan3A_158 = %scan3A to %scan3A_11 step %scan3A_12 iter_args(%scan3A_159 = %broadcast_in_dim3A_3, %scan3A_160 = %broadcast_in_dim3A_3, %scan3A_161 = %broadcast_in_dim3A_3, %scan3A_162 = %broadcast_in_dim3A_3) -> (vector<16xi32>, vector<16xi32>, vector<16xi32>, vector<16xi32>)  : i32 {
        %mul3A_163 = arith.constant 16 : i32
        %mul3A_164 = arith.muli %scan3A_158, %mul3A_163 : i32
        %get3A = arith.index_cast %mul3A_164 : i32 to index
        %get3A_165 = tpu.vector_load %arg9[%get3A] {strides = array<i32>} : memref<2048xi32, #tpu.memory_space<vmem>>, vector<16xi32>,
        %eq3A_166 = arith.constant 0 : i32
        %eq3A_167 = vector.broadcast %eq3A_166 : i32 to vector<16xi32>
        %eq3A_168 = arith.cmpi eq, %get3A_165, %eq3A_167 : vector<16xi32>
        %all_reduce_population_count3A = tpu.all_reduce %eq3A_168 {dim = 0 : i64, kind = #tpu.reduction_kind<sum>} : vector<16xi1> -> vector<16xi32>
        %add3A_169 = arith.addi %scan3A_159, %all_reduce_population_count3A : vector<16xi32>
        %eq3A_170 = arith.constant 1 : i32
        %eq3A_171 = vector.broadcast %eq3A_170 : i32 to vector<16xi32>
        %eq3A_172 = arith.cmpi eq, %get3A_165, %eq3A_171 : vector<16xi32>
        %all_reduce_population_count3A_173 = tpu.all_reduce %eq3A_172 {dim = 0 : i64, kind = #tpu.reduction_kind<sum>} : vector<16xi1> -> vector<16xi32>
        %add3A_174 = arith.addi %scan3A_160, %all_reduce_population_count3A_173 : vector<16xi32>
        %eq3A_175 = arith.constant 2 : i32
        %eq3A_176 = vector.broadcast %eq3A_175 : i32 to vector<16xi32>
        %eq3A_177 = arith.cmpi eq, %get3A_165, %eq3A_176 : vector<16xi32>
        %all_reduce_population_count3A_178 = tpu.all_reduce %eq3A_177 {dim = 0 : i64, kind = #tpu.reduction_kind<sum>} : vector<16xi1> -> vector<16xi32>
        %add3A_179 = arith.addi %scan3A_161, %all_reduce_population_count3A_178 : vector<16xi32>
        %eq3A_180 = arith.constant 3 : i32
        %eq3A_181 = vector.broadcast %eq3A_180 : i32 to vector<16xi32>
        %eq3A_182 = arith.cmpi eq, %get3A_165, %eq3A_181 : vector<16xi32>
        %all_reduce_population_count3A_183 = tpu.all_reduce %eq3A_182 {dim = 0 : i64, kind = #tpu.reduction_kind<sum>} : vector<16xi1> -> vector<16xi32>
        %add3A_184 = arith.addi %scan3A_162, %all_reduce_population_count3A_183 : vector<16xi32>
        scf.yield %add3A_169, %add3A_174, %add3A_179, %add3A_184 : vector<16xi32>, vector<16xi32>, vector<16xi32>, vector<16xi32>
      }
      %scan3A_14 = arith.constant 128 : i32
      %add3A_15 = arith.addi %scan3A_13#0, %scan3A_13#1 : vector<16xi32>
      %add3A_16 = arith.addi %add3A_15, %scan3A_13#2 : vector<16xi32>
      %add3A_17 = arith.addi %add3A_16, %scan3A_13#3 : vector<16xi32>
      %broadcast_in_dim3A_18 = arith.constant -3.000000e+38 : f32
      %broadcast_in_dim3A_19 = vector.broadcast %broadcast_in_dim3A_18 : f32 to vector<16xf32>
      %scan3A_20 = arith.constant 0 : i32
      %scan3A_21 = arith.constant 128 : i32
      %scan3A_22 = arith.addi %scan3A_20, %scan3A_21 : i32
      %scan3A_23 = arith.constant 1 : i32
      %scan3A_24:9 = scf.for %scan3A_158 = %scan3A_20 to %scan3A_22 step %scan3A_23 iter_args(%scan3A_159 = %broadcast_in_dim3A_3, %scan3A_160 = %scan3A_13#0, %scan3A_161 = %add3A_15, %scan3A_162 = %add3A_16, %scan3A_163 = %add3A_17, %scan3A_164 = %broadcast_in_dim3A_7, %scan3A_165 = %broadcast_in_dim3A_7, %scan3A_166 = %broadcast_in_dim3A_7, %scan3A_167 = %broadcast_in_dim3A_19) -> (vector<16xi32>, vector<16xi32>, vector<16xi32>, vector<16xi32>, vector<16xi32>, vector<16xf32>, vector<16xf32>, vector<16xf32>, vector<16xf32>)  : i32 {
        %mul3A_168 = arith.constant 16 : i32
        %mul3A_169 = arith.muli %scan3A_158, %mul3A_168 : i32
        %get3A = arith.index_cast %mul3A_169 : i32 to index
        %get3A_170 = tpu.vector_load %arg9[%get3A] {strides = array<i32>} : memref<2048xi32, #tpu.memory_space<vmem>>, vector<16xi32>,
        %mul3A_171 = arith.constant 16 : i32
        %mul3A_172 = arith.muli %scan3A_158, %mul3A_171 : i32
        %get3A_173 = arith.index_cast %mul3A_172 : i32 to index
        %get3A_174 = tpu.vector_load %arg10[%get3A_173] {strides = array<i32>} : memref<2048xf32, #tpu.memory_space<vmem>>, vector<16xf32>,
        %eq3A_175 = arith.constant 0 : i32
        %eq3A_176 = vector.broadcast %eq3A_175 : i32 to vector<16xi32>
        %eq3A_177 = arith.cmpi eq, %get3A_170, %eq3A_176 : vector<16xi32>
        %select_n3A_178 = arith.select %eq3A_177, %broadcast_in_dim3A_5, %broadcast_in_dim3A_3 : vector<16xi1>, vector<16xi32>
        %broadcast_in_dim3A_179 = arith.constant true
        %broadcast_in_dim3A_180 = vector.broadcast %broadcast_in_dim3A_179 : i1 to vector<16xi1>
        %masked_cumsum3A = tpu.scan <sum>, %select_n3A_178 masked %broadcast_in_dim3A_180 : vector<16xi32>, vector<16xi1> -> vector<16xi32>
        %add3A_181 = arith.addi %scan3A_159, %masked_cumsum3A : vector<16xi32>
        %sub3A_182 = arith.subi %add3A_181, %broadcast_in_dim3A_5 : vector<16xi32>
        tpu.vector_store_idx %arg11[%sub3A_182], %get3A_174 masked %eq3A_177 : memref<2048xf32, #tpu.memory_space<vmem>>[vector<16xi32>], vector<16xf32>, vector<16xi1>
        %all_reduce_population_count3A = tpu.all_reduce %eq3A_177 {dim = 0 : i64, kind = #tpu.reduction_kind<sum>} : vector<16xi1> -> vector<16xi32>
        %add3A_183 = arith.addi %scan3A_159, %all_reduce_population_count3A : vector<16xi32>
        %eq3A_184 = arith.constant 1 : i32
        %eq3A_185 = vector.broadcast %eq3A_184 : i32 to vector<16xi32>
        %eq3A_186 = arith.cmpi eq, %get3A_170, %eq3A_185 : vector<16xi32>
        %select_n3A_187 = arith.select %eq3A_186, %broadcast_in_dim3A_5, %broadcast_in_dim3A_3 : vector<16xi1>, vector<16xi32>
        %broadcast_in_dim3A_188 = arith.constant true
        %broadcast_in_dim3A_189 = vector.broadcast %broadcast_in_dim3A_188 : i1 to vector<16xi1>
        %masked_cumsum3A_190 = tpu.scan <sum>, %select_n3A_187 masked %broadcast_in_dim3A_189 : vector<16xi32>, vector<16xi1> -> vector<16xi32>
        %add3A_191 = arith.addi %scan3A_160, %masked_cumsum3A_190 : vector<16xi32>
        %sub3A_192 = arith.subi %add3A_191, %broadcast_in_dim3A_5 : vector<16xi32>
        tpu.vector_store_idx %arg11[%sub3A_192], %get3A_174 masked %eq3A_186 : memref<2048xf32, #tpu.memory_space<vmem>>[vector<16xi32>], vector<16xf32>, vector<16xi1>
        %all_reduce_population_count3A_193 = tpu.all_reduce %eq3A_186 {dim = 0 : i64, kind = #tpu.reduction_kind<sum>} : vector<16xi1> -> vector<16xi32>
        %add3A_194 = arith.addi %scan3A_160, %all_reduce_population_count3A_193 : vector<16xi32>
        %eq3A_195 = arith.constant 2 : i32
        %eq3A_196 = vector.broadcast %eq3A_195 : i32 to vector<16xi32>
        %eq3A_197 = arith.cmpi eq, %get3A_170, %eq3A_196 : vector<16xi32>
        %select_n3A_198 = arith.select %eq3A_197, %broadcast_in_dim3A_5, %broadcast_in_dim3A_3 : vector<16xi1>, vector<16xi32>
        %broadcast_in_dim3A_199 = arith.constant true
        %broadcast_in_dim3A_200 = vector.broadcast %broadcast_in_dim3A_199 : i1 to vector<16xi1>
        %masked_cumsum3A_201 = tpu.scan <sum>, %select_n3A_198 masked %broadcast_in_dim3A_200 : vector<16xi32>, vector<16xi1> -> vector<16xi32>
        %add3A_202 = arith.addi %scan3A_161, %masked_cumsum3A_201 : vector<16xi32>
        %sub3A_203 = arith.subi %add3A_202, %broadcast_in_dim3A_5 : vector<16xi32>
        tpu.vector_store_idx %arg11[%sub3A_203], %get3A_174 masked %eq3A_197 : memref<2048xf32, #tpu.memory_space<vmem>>[vector<16xi32>], vector<16xf32>, vector<16xi1>
        %all_reduce_population_count3A_204 = tpu.all_reduce %eq3A_197 {dim = 0 : i64, kind = #tpu.reduction_kind<sum>} : vector<16xi1> -> vector<16xi32>
        %add3A_205 = arith.addi %scan3A_161, %all_reduce_population_count3A_204 : vector<16xi32>
        %eq3A_206 = arith.constant 3 : i32
        %eq3A_207 = vector.broadcast %eq3A_206 : i32 to vector<16xi32>
        %eq3A_208 = arith.cmpi eq, %get3A_170, %eq3A_207 : vector<16xi32>
        %select_n3A_209 = arith.select %eq3A_208, %broadcast_in_dim3A_5, %broadcast_in_dim3A_3 : vector<16xi1>, vector<16xi32>
        %broadcast_in_dim3A_210 = arith.constant true
        %broadcast_in_dim3A_211 = vector.broadcast %broadcast_in_dim3A_210 : i1 to vector<16xi1>
        %masked_cumsum3A_212 = tpu.scan <sum>, %select_n3A_209 masked %broadcast_in_dim3A_211 : vector<16xi32>, vector<16xi1> -> vector<16xi32>
        %add3A_213 = arith.addi %scan3A_162, %masked_cumsum3A_212 : vector<16xi32>
        %sub3A_214 = arith.subi %add3A_213, %broadcast_in_dim3A_5 : vector<16xi32>
        tpu.vector_store_idx %arg11[%sub3A_214], %get3A_174 masked %eq3A_208 : memref<2048xf32, #tpu.memory_space<vmem>>[vector<16xi32>], vector<16xf32>, vector<16xi1>
        %all_reduce_population_count3A_215 = tpu.all_reduce %eq3A_208 {dim = 0 : i64, kind = #tpu.reduction_kind<sum>} : vector<16xi1> -> vector<16xi32>
        %add3A_216 = arith.addi %scan3A_162, %all_reduce_population_count3A_215 : vector<16xi32>
        %eq3A_217 = arith.constant 4 : i32
        %eq3A_218 = vector.broadcast %eq3A_217 : i32 to vector<16xi32>
        %eq3A_219 = arith.cmpi eq, %get3A_170, %eq3A_218 : vector<16xi32>
        %select_n3A_220 = arith.select %eq3A_219, %broadcast_in_dim3A_5, %broadcast_in_dim3A_3 : vector<16xi1>, vector<16xi32>
        %broadcast_in_dim3A_221 = arith.constant true
        %broadcast_in_dim3A_222 = vector.broadcast %broadcast_in_dim3A_221 : i1 to vector<16xi1>
        %masked_cumsum3A_223 = tpu.scan <sum>, %select_n3A_220 masked %broadcast_in_dim3A_222 : vector<16xi32>, vector<16xi1> -> vector<16xi32>
        %add3A_224 = arith.addi %scan3A_163, %masked_cumsum3A_223 : vector<16xi32>
        %sub3A_225 = arith.subi %add3A_224, %broadcast_in_dim3A_5 : vector<16xi32>
        tpu.vector_store_idx %arg11[%sub3A_225], %get3A_174 masked %eq3A_219 : memref<2048xf32, #tpu.memory_space<vmem>>[vector<16xi32>], vector<16xf32>, vector<16xi1>
        %all_reduce_population_count3A_226 = tpu.all_reduce %eq3A_219 {dim = 0 : i64, kind = #tpu.reduction_kind<sum>} : vector<16xi1> -> vector<16xi32>
        %add3A_227 = arith.addi %scan3A_163, %all_reduce_population_count3A_226 : vector<16xi32>
        %eq3A_228 = arith.constant 1 : i32
        %eq3A_229 = vector.broadcast %eq3A_228 : i32 to vector<16xi32>
        %eq3A_230 = arith.cmpi eq, %get3A_170, %eq3A_229 : vector<16xi32>
        %select_n3A_231 = arith.select %eq3A_230, %get3A_174, %broadcast_in_dim3A_7 : vector<16xi1>, vector<16xf32>
        %add3A_232 = arith.addf %scan3A_164, %select_n3A_231 : vector<16xf32>
        %eq3A_233 = arith.constant 2 : i32
        %eq3A_234 = vector.broadcast %eq3A_233 : i32 to vector<16xi32>
        %eq3A_235 = arith.cmpi eq, %get3A_170, %eq3A_234 : vector<16xi32>
        %select_n3A_236 = arith.select %eq3A_235, %get3A_174, %broadcast_in_dim3A_7 : vector<16xi1>, vector<16xf32>
        %add3A_237 = arith.addf %scan3A_165, %select_n3A_236 : vector<16xf32>
        %eq3A_238 = arith.constant 3 : i32
        %eq3A_239 = vector.broadcast %eq3A_238 : i32 to vector<16xi32>
        %eq3A_240 = arith.cmpi eq, %get3A_170, %eq3A_239 : vector<16xi32>
        %select_n3A_241 = arith.select %eq3A_240, %get3A_174, %broadcast_in_dim3A_7 : vector<16xi1>, vector<16xf32>
        %add3A_242 = arith.addf %scan3A_166, %select_n3A_241 : vector<16xf32>
        %max3A_243 = arith.maximumf %scan3A_167, %get3A_174 : vector<16xf32>
        scf.yield %add3A_183, %add3A_194, %add3A_205, %add3A_216, %add3A_227, %add3A_232, %add3A_237, %add3A_242, %max3A_243 : vector<16xi32>, vector<16xi32>, vector<16xi32>, vector<16xi32>, vector<16xi32>, vector<16xf32>, vector<16xf32>, vector<16xf32>, vector<16xf32>
      }
      %scan3A_25 = arith.constant 128 : i32
      %reduce_max3A = arith.constant true
      %reduce_max3A_26 = vector.broadcast %reduce_max3A : i1 to vector<16xi1>
      %reduce_max3A_27 = tpu.scan <max>, %scan3A_24#8 masked %reduce_max3A_26 : vector<16xf32>, vector<16xi1> -> vector<16xf32>
      %reduce_max3A_28 = vector.extract %reduce_max3A_27[15] : f32 from vector<16xf32>
      %broadcast_in_dim3A_29 = vector.broadcast %reduce_max3A_28 : f32 to vector<16xf32>
      %reduce_sum3A = arith.constant true
      %reduce_sum3A_30 = vector.broadcast %reduce_sum3A : i1 to vector<16xi1>
      %reduce_sum3A_31 = tpu.scan <sum>, %scan3A_24#5 masked %reduce_sum3A_30 : vector<16xf32>, vector<16xi1> -> vector<16xf32>
      %reduce_sum3A_32 = vector.extract %reduce_sum3A_31[15] : f32 from vector<16xf32>
      %broadcast_in_dim3A_33 = vector.broadcast %reduce_sum3A_32 : f32 to vector<16xf32>
      %reduce_sum3A_34 = arith.constant true
      %reduce_sum3A_35 = vector.broadcast %reduce_sum3A_34 : i1 to vector<16xi1>
      %reduce_sum3A_36 = tpu.scan <sum>, %scan3A_24#6 masked %reduce_sum3A_35 : vector<16xf32>, vector<16xi1> -> vector<16xf32>
      %reduce_sum3A_37 = vector.extract %reduce_sum3A_36[15] : f32 from vector<16xf32>
      %broadcast_in_dim3A_38 = vector.broadcast %reduce_sum3A_37 : f32 to vector<16xf32>
      %reduce_sum3A_39 = arith.constant true
      %reduce_sum3A_40 = vector.broadcast %reduce_sum3A_39 : i1 to vector<16xi1>
      %reduce_sum3A_41 = tpu.scan <sum>, %scan3A_24#7 masked %reduce_sum3A_40 : vector<16xf32>, vector<16xi1> -> vector<16xf32>
      %reduce_sum3A_42 = vector.extract %reduce_sum3A_41[15] : f32 from vector<16xf32>
      %broadcast_in_dim3A_43 = vector.broadcast %reduce_sum3A_42 : f32 to vector<16xf32>
      %convert_element_type3A_44 = arith.sitofp %scan3A_13#1 : vector<16xi32> to vector<16xf32>
      %convert_element_type3A_45 = arith.sitofp %scan3A_13#2 : vector<16xi32> to vector<16xf32>
      %convert_element_type3A_46 = arith.sitofp %scan3A_13#3 : vector<16xi32> to vector<16xf32>
      %convert_element_type3A_47 = arith.sitofp %scan3A_13#0 : vector<16xi32> to vector<16xf32>
      %convert_element_type3A_48 = arith.sitofp %add3A_15 : vector<16xi32> to vector<16xf32>
      %convert_element_type3A_49 = arith.sitofp %add3A_16 : vector<16xi32> to vector<16xf32>
      %gt3A = arith.cmpi sgt, %scan3A_13#1, %broadcast_in_dim3A_3 : vector<16xi32>
      %gt3A_50 = arith.cmpi sgt, %scan3A_13#0, %broadcast_in_dim3A_3 : vector<16xi32>
      %and3A = arith.andi %gt3A, %gt3A_50 : vector<16xi1>
      %select_n3A = arith.select %and3A, %broadcast_in_dim3A_9, %broadcast_in_dim3A_7 : vector<16xi1>, vector<16xf32>
      %gt3A_51 = arith.cmpi sgt, %scan3A_13#2, %broadcast_in_dim3A_3 : vector<16xi32>
      %gt3A_52 = arith.cmpi sgt, %add3A_15, %broadcast_in_dim3A_3 : vector<16xi32>
      %and3A_53 = arith.andi %gt3A_51, %gt3A_52 : vector<16xi1>
      %select_n3A_54 = arith.select %and3A_53, %broadcast_in_dim3A_9, %broadcast_in_dim3A_7 : vector<16xi1>, vector<16xf32>
      %gt3A_55 = arith.cmpi sgt, %scan3A_13#3, %broadcast_in_dim3A_3 : vector<16xi32>
      %gt3A_56 = arith.cmpi sgt, %add3A_16, %broadcast_in_dim3A_3 : vector<16xi32>
      %and3A_57 = arith.andi %gt3A_55, %gt3A_56 : vector<16xi1>
      %select_n3A_58 = arith.select %and3A_57, %broadcast_in_dim3A_9, %broadcast_in_dim3A_7 : vector<16xi1>, vector<16xf32>
      %broadcast_in_dim3A_59 = arith.constant 1.600000e+01 : f32
      %broadcast_in_dim3A_60 = vector.broadcast %broadcast_in_dim3A_59 : f32 to vector<16xf32>
      %add3A_61 = arith.addf %select_n3A, %select_n3A_54 : vector<16xf32>
      %add3A_62 = arith.addf %add3A_61, %select_n3A_58 : vector<16xf32>
      %max3A = arith.maximumf %add3A_62, %broadcast_in_dim3A_9 : vector<16xf32>
      %mul3A_63 = arith.mulf %max3A, %broadcast_in_dim3A_60 : vector<16xf32>
      %div3A = arith.divf %broadcast_in_dim3A_9, %mul3A_63 : vector<16xf32>
      %mul3A_64 = arith.mulf %div3A, %select_n3A : vector<16xf32>
      %mul3A_65 = arith.mulf %convert_element_type3A_44, %convert_element_type3A_47 : vector<16xf32>
      %max3A_66 = arith.maximumf %mul3A_65, %broadcast_in_dim3A_9 : vector<16xf32>
      %div3A_67 = arith.divf %mul3A_64, %max3A_66 : vector<16xf32>
      %mul3A_68 = arith.mulf %div3A, %select_n3A_54 : vector<16xf32>
      %mul3A_69 = arith.mulf %convert_element_type3A_45, %convert_element_type3A_48 : vector<16xf32>
      %max3A_70 = arith.maximumf %mul3A_69, %broadcast_in_dim3A_9 : vector<16xf32>
      %div3A_71 = arith.divf %mul3A_68, %max3A_70 : vector<16xf32>
      %mul3A_72 = arith.mulf %div3A, %select_n3A_58 : vector<16xf32>
      %mul3A_73 = arith.mulf %convert_element_type3A_46, %convert_element_type3A_49 : vector<16xf32>
      %max3A_74 = arith.maximumf %mul3A_73, %broadcast_in_dim3A_9 : vector<16xf32>
      %div3A_75 = arith.divf %mul3A_72, %max3A_74 : vector<16xf32>
      %max3A_76 = arith.maximumf %convert_element_type3A_44, %broadcast_in_dim3A_9 : vector<16xf32>
      %div3A_77 = arith.divf %select_n3A, %max3A_76 : vector<16xf32>
      %max3A_78 = arith.maximumf %convert_element_type3A_45, %broadcast_in_dim3A_9 : vector<16xf32>
      %div3A_79 = arith.divf %select_n3A_54, %max3A_78 : vector<16xf32>
      %max3A_80 = arith.maximumf %convert_element_type3A_46, %broadcast_in_dim3A_9 : vector<16xf32>
      %div3A_81 = arith.divf %select_n3A_58, %max3A_80 : vector<16xf32>
      %mul3A_82 = arith.mulf %convert_element_type3A_44, %broadcast_in_dim3A_29 : vector<16xf32>
      %sub3A = arith.subf %broadcast_in_dim3A_33, %mul3A_82 : vector<16xf32>
      %mul3A_83 = arith.mulf %div3A_77, %sub3A : vector<16xf32>
      %mul3A_84 = arith.mulf %convert_element_type3A_45, %broadcast_in_dim3A_29 : vector<16xf32>
      %sub3A_85 = arith.subf %broadcast_in_dim3A_38, %mul3A_84 : vector<16xf32>
      %mul3A_86 = arith.mulf %div3A_79, %sub3A_85 : vector<16xf32>
      %add3A_87 = arith.addf %mul3A_83, %mul3A_86 : vector<16xf32>
      %mul3A_88 = arith.mulf %convert_element_type3A_46, %broadcast_in_dim3A_29 : vector<16xf32>
      %sub3A_89 = arith.subf %broadcast_in_dim3A_43, %mul3A_88 : vector<16xf32>
      %mul3A_90 = arith.mulf %div3A_81, %sub3A_89 : vector<16xf32>
      %add3A_91 = arith.addf %add3A_87, %mul3A_90 : vector<16xf32>
      %mul3A_92 = arith.mulf %div3A, %add3A_91 : vector<16xf32>
      %scan3A_93 = arith.constant 0 : i32
      %scan3A_94 = arith.constant 0 : i32
      %scan3A_95 = arith.constant 128 : i32
      %scan3A_96 = arith.addi %scan3A_94, %scan3A_95 : i32
      %scan3A_97 = arith.constant 1 : i32
      scf.for %scan3A_158 = %scan3A_94 to %scan3A_96 step %scan3A_97  : i32 {
        %mul3A_159 = arith.constant 16 : i32
        %mul3A_160 = arith.muli %scan3A_158, %mul3A_159 : i32
        %add3A_161 = vector.broadcast %mul3A_160 : i32 to vector<16xi32>
        %add3A_162 = arith.addi %iota3A, %add3A_161 : vector<16xi32>
        %lt3A_163 = arith.cmpi slt, %add3A_162, %scan3A_13#0 : vector<16xi32>
        %lt3A_164 = arith.cmpi slt, %add3A_162, %add3A_15 : vector<16xi32>
        %lt3A_165 = arith.cmpi slt, %add3A_162, %add3A_16 : vector<16xi32>
        %lt3A_166 = arith.cmpi slt, %add3A_162, %add3A_17 : vector<16xi32>
        %select_n3A_167 = arith.select %lt3A_166, %add3A_16, %broadcast_in_dim3A_3 : vector<16xi1>, vector<16xi32>
        %select_n3A_168 = arith.select %lt3A_165, %add3A_15, %select_n3A_167 : vector<16xi1>, vector<16xi32>
        %select_n3A_169 = arith.select %lt3A_164, %scan3A_13#0, %select_n3A_168 : vector<16xi1>, vector<16xi32>
        %select_n3A_170 = arith.select %lt3A_163, %broadcast_in_dim3A_3, %select_n3A_169 : vector<16xi1>, vector<16xi32>
        %select_n3A_171 = arith.select %lt3A_166, %div3A_75, %broadcast_in_dim3A_7 : vector<16xi1>, vector<16xf32>
        %select_n3A_172 = arith.select %lt3A_165, %div3A_71, %select_n3A_171 : vector<16xi1>, vector<16xf32>
        %select_n3A_173 = arith.select %lt3A_164, %div3A_67, %select_n3A_172 : vector<16xi1>, vector<16xf32>
        %select_n3A_174 = arith.select %lt3A_163, %broadcast_in_dim3A_7, %select_n3A_173 : vector<16xi1>, vector<16xf32>
        %mul3A_175 = arith.constant 16 : i32
        %mul3A_176 = arith.muli %scan3A_158, %mul3A_175 : i32
        %swap3A_177 = arith.index_cast %mul3A_176 : i32 to index
        %swap3A_178 = tpu.vector_load %arg14[%swap3A_177] {strides = array<i32>} : memref<2048xi32, #tpu.memory_space<vmem>>, vector<16xi32>,
        tpu.vector_store %arg14[%swap3A_177], %select_n3A_170 {strides = array<i32>} : memref<2048xi32, #tpu.memory_space<vmem>>, vector<16xi32>,
        %mul3A_179 = arith.constant 16 : i32
        %mul3A_180 = arith.muli %scan3A_158, %mul3A_179 : i32
        %swap3A_181 = arith.index_cast %mul3A_180 : i32 to index
        %swap3A_182 = tpu.vector_load %arg15[%swap3A_181] {strides = array<i32>} : memref<2048xf32, #tpu.memory_space<vmem>>, vector<16xf32>,
        tpu.vector_store %arg15[%swap3A_181], %select_n3A_174 {strides = array<i32>} : memref<2048xf32, #tpu.memory_space<vmem>>, vector<16xf32>,
      }
      %scan3A_98 = arith.constant 128 : i32
      %lt3A_99 = arith.constant 8 : i32
      %lt3A_100 = vector.broadcast %lt3A_99 : i32 to vector<16xi32>
      %lt3A_101 = arith.cmpi slt, %iota3A, %lt3A_100 : vector<16xi32>
      %sub3A_102 = arith.constant 8 : i32
      %sub3A_103 = vector.broadcast %sub3A_102 : i32 to vector<16xi32>
      %sub3A_104 = arith.subi %iota3A, %sub3A_103 : vector<16xi32>
      %select_n3A_105 = arith.select %lt3A_101, %iota3A, %sub3A_104 : vector<16xi1>, vector<16xi32>
      %mul3A_106 = arith.constant 256 : i32
      %mul3A_107 = vector.broadcast %mul3A_106 : i32 to vector<16xi32>
      %mul3A_108 = arith.muli %select_n3A_105, %mul3A_107 : vector<16xi32>
      %add3A_109 = arith.constant 256 : i32
      %add3A_110 = vector.broadcast %add3A_109 : i32 to vector<16xi32>
      %add3A_111 = arith.addi %mul3A_108, %add3A_110 : vector<16xi32>
      %broadcast_in_dim3A_112 = arith.constant 1073741824 : i32
      %broadcast_in_dim3A_113 = vector.broadcast %broadcast_in_dim3A_112 : i32 to vector<16xi32>
      %lt3A_114 = arith.cmpi slt, %scan3A_13#0, %add3A_111 : vector<16xi32>
      %gt3A_115 = arith.cmpi sgt, %add3A_15, %mul3A_108 : vector<16xi32>
      %and3A_116 = arith.andi %lt3A_114, %gt3A_115 : vector<16xi1>
      %select_n3A_117 = arith.select %and3A_116, %scan3A_13#0, %broadcast_in_dim3A_3 : vector<16xi1>, vector<16xi32>
      %max3A_118 = arith.maxsi %broadcast_in_dim3A_3, %select_n3A_117 : vector<16xi32>
      %select_n3A_119 = arith.select %and3A_116, %scan3A_13#0, %broadcast_in_dim3A_113 : vector<16xi1>, vector<16xi32>
      %min3A = arith.minsi %broadcast_in_dim3A_113, %select_n3A_119 : vector<16xi32>
      %lt3A_120 = arith.cmpi slt, %add3A_15, %add3A_111 : vector<16xi32>
      %gt3A_121 = arith.cmpi sgt, %add3A_16, %mul3A_108 : vector<16xi32>
      %and3A_122 = arith.andi %lt3A_120, %gt3A_121 : vector<16xi1>
      %select_n3A_123 = arith.select %and3A_122, %add3A_15, %broadcast_in_dim3A_3 : vector<16xi1>, vector<16xi32>
      %max3A_124 = arith.maxsi %max3A_118, %select_n3A_123 : vector<16xi32>
      %select_n3A_125 = arith.select %and3A_122, %add3A_15, %broadcast_in_dim3A_113 : vector<16xi1>, vector<16xi32>
      %min3A_126 = arith.minsi %min3A, %select_n3A_125 : vector<16xi32>
      %lt3A_127 = arith.cmpi slt, %add3A_16, %add3A_111 : vector<16xi32>
      %gt3A_128 = arith.cmpi sgt, %add3A_17, %mul3A_108 : vector<16xi32>
      %and3A_129 = arith.andi %lt3A_127, %gt3A_128 : vector<16xi1>
      %select_n3A_130 = arith.select %and3A_129, %add3A_16, %broadcast_in_dim3A_3 : vector<16xi1>, vector<16xi32>
      %max3A_131 = arith.maxsi %max3A_124, %select_n3A_130 : vector<16xi32>
      %select_n3A_132 = arith.select %and3A_129, %add3A_16, %broadcast_in_dim3A_113 : vector<16xi1>, vector<16xi32>
      %min3A_133 = arith.minsi %min3A_126, %select_n3A_132 : vector<16xi32>
      %broadcast_in_dim3A_134 = arith.constant 511 : i32
      %broadcast_in_dim3A_135 = vector.broadcast %broadcast_in_dim3A_134 : i32 to vector<16xi32>
      %add3A_136 = arith.addi %max3A_131, %broadcast_in_dim3A_135 : vector<16xi32>
      %shift_right_arithmetic3A = arith.constant 9 : i32
      %shift_right_arithmetic3A_137 = vector.broadcast %shift_right_arithmetic3A : i32 to vector<16xi32>
      %shift_right_arithmetic3A_138 = arith.shrsi %add3A_136, %shift_right_arithmetic3A_137 : vector<16xi32>
      %shift_right_arithmetic3A_139 = arith.constant 9 : i32
      %shift_right_arithmetic3A_140 = vector.broadcast %shift_right_arithmetic3A_139 : i32 to vector<16xi32>
      %shift_right_arithmetic3A_141 = arith.shrsi %min3A_133, %shift_right_arithmetic3A_140 : vector<16xi32>
      %min3A_142 = arith.minsi %shift_right_arithmetic3A_141, %shift_right_arithmetic3A_138 : vector<16xi32>
      %lt3A_143 = arith.constant 8 : i32
      %lt3A_144 = vector.broadcast %lt3A_143 : i32 to vector<16xi32>
      %lt3A_145 = arith.cmpi slt, %iota3A, %lt3A_144 : vector<16xi32>
      %select_n3A_146 = arith.select %lt3A_145, %shift_right_arithmetic3A_138, %min3A_142 : vector<16xi1>, vector<16xi32>
      %swap3A = arith.constant 0 : index
      %swap3A_147 = tpu.vector_load %arg12[%swap3A] {strides = array<i32>} : memref<16xi32, #tpu.memory_space<vmem>>, vector<16xi32>,
      tpu.vector_store %arg12[%swap3A], %select_n3A_146 {strides = array<i32>} : memref<16xi32, #tpu.memory_space<vmem>>, vector<16xi32>,
      %eq3A = arith.constant 0 : i32
      %eq3A_148 = vector.broadcast %eq3A : i32 to vector<16xi32>
      %eq3A_149 = arith.cmpi eq, %iota3A, %eq3A_148 : vector<16xi32>
      %select_n3A_150 = arith.select %eq3A_149, %mul3A_92, %broadcast_in_dim3A_7 : vector<16xi1>, vector<16xf32>
      %eq3A_151 = arith.constant 1 : i32
      %eq3A_152 = vector.broadcast %eq3A_151 : i32 to vector<16xi32>
      %eq3A_153 = arith.cmpi eq, %iota3A, %eq3A_152 : vector<16xi32>
      %select_n3A_154 = arith.select %eq3A_153, %broadcast_in_dim3A_29, %broadcast_in_dim3A_7 : vector<16xi1>, vector<16xf32>
      %add3A_155 = arith.addf %select_n3A_150, %select_n3A_154 : vector<16xf32>
      %swap3A_156 = arith.constant 0 : index
      %swap3A_157 = tpu.vector_load %arg13[%swap3A_156] {strides = array<i32>} : memref<16xf32, #tpu.memory_space<vmem>>, vector<16xf32>,
      tpu.vector_store %arg13[%swap3A_156], %add3A_155 {strides = array<i32>} : memref<16xf32, #tpu.memory_space<vmem>>, vector<16xf32>,
      "tpu.region"() ({
        %run_scoped3A = tpu.sem_alloc : memref<!tpu.dma_semaphore, #tpu.memory_space<semaphore_mem>>
        %dma_start3A = arith.constant 0 : i32
        %dma_start3A_158 = tpu.memref_slice %arg4[%add3A, %dma_start3A] : memref<16x2048xf32, #tpu.memory_space<hbm>> -> memref<1x2048xf32, #tpu.memory_space<hbm>>
        %dma_start3A_159 = tpu.memref_squeeze %dma_start3A_158 : memref<1x2048xf32, #tpu.memory_space<hbm>> -> memref<2048xf32, #tpu.memory_space<hbm>>
        %dma_start3A_160 = arith.constant 0 : i32
        %dma_start3A_161 = tpu.memref_slice %arg4[%add3A, %dma_start3A_160] : memref<16x2048xf32, #tpu.memory_space<hbm>> -> memref<1x2048xf32, #tpu.memory_space<hbm>>
        %dma_start3A_162 = tpu.memref_squeeze %dma_start3A_161 : memref<1x2048xf32, #tpu.memory_space<hbm>> -> memref<2048xf32, #tpu.memory_space<hbm>>
        tpu.enqueue_dma source(%arg11 : memref<2048xf32, #tpu.memory_space<vmem>>) target(%dma_start3A_162 : memref<2048xf32, #tpu.memory_space<hbm>>) target_semaphore(%run_scoped3A : memref<!tpu.dma_semaphore, #tpu.memory_space<semaphore_mem>>)
        %dma_wait3A = arith.constant 0 : i32
        %dma_wait3A_163 = tpu.memref_slice %arg4[%add3A, %dma_wait3A] : memref<16x2048xf32, #tpu.memory_space<hbm>> -> memref<1x2048xf32, #tpu.memory_space<hbm>>
        %dma_wait3A_164 = tpu.memref_squeeze %dma_wait3A_163 : memref<1x2048xf32, #tpu.memory_space<hbm>> -> memref<2048xf32, #tpu.memory_space<hbm>>
        %dma_wait3A_165 = arith.constant 0 : i32
        %dma_wait3A_166 = tpu.memref_slice %arg4[%add3A, %dma_wait3A_165] : memref<16x2048xf32, #tpu.memory_space<hbm>> -> memref<1x2048xf32, #tpu.memory_space<hbm>>
        %dma_wait3A_167 = tpu.memref_squeeze %dma_wait3A_166 : memref<1x2048xf32, #tpu.memory_space<hbm>> -> memref<2048xf32, #tpu.memory_space<hbm>>
        tpu.wait_dma2 semaphore(%run_scoped3A : memref<!tpu.dma_semaphore, #tpu.memory_space<semaphore_mem>>) src(%arg11 : memref<2048xf32, #tpu.memory_space<vmem>>) dst(%dma_wait3A_167 : memref<2048xf32, #tpu.memory_space<hbm>>)
        tpu.yield
      }) : () -> ()
      "tpu.region"() ({
        %run_scoped3A = tpu.sem_alloc : memref<!tpu.dma_semaphore, #tpu.memory_space<semaphore_mem>>
        %dma_start3A = arith.constant 0 : i32
        %dma_start3A_158 = tpu.memref_slice %arg5[%add3A, %dma_start3A] : memref<16x16xi32, #tpu.memory_space<hbm>> -> memref<1x16xi32, #tpu.memory_space<hbm>>
        %dma_start3A_159 = tpu.memref_squeeze %dma_start3A_158 : memref<1x16xi32, #tpu.memory_space<hbm>> -> memref<16xi32, #tpu.memory_space<hbm>>
        %dma_start3A_160 = arith.constant 0 : i32
        %dma_start3A_161 = tpu.memref_slice %arg5[%add3A, %dma_start3A_160] : memref<16x16xi32, #tpu.memory_space<hbm>> -> memref<1x16xi32, #tpu.memory_space<hbm>>
        %dma_start3A_162 = tpu.memref_squeeze %dma_start3A_161 : memref<1x16xi32, #tpu.memory_space<hbm>> -> memref<16xi32, #tpu.memory_space<hbm>>
        tpu.enqueue_dma source(%arg12 : memref<16xi32, #tpu.memory_space<vmem>>) target(%dma_start3A_162 : memref<16xi32, #tpu.memory_space<hbm>>) target_semaphore(%run_scoped3A : memref<!tpu.dma_semaphore, #tpu.memory_space<semaphore_mem>>)
        %dma_wait3A = arith.constant 0 : i32
        %dma_wait3A_163 = tpu.memref_slice %arg5[%add3A, %dma_wait3A] : memref<16x16xi32, #tpu.memory_space<hbm>> -> memref<1x16xi32, #tpu.memory_space<hbm>>
        %dma_wait3A_164 = tpu.memref_squeeze %dma_wait3A_163 : memref<1x16xi32, #tpu.memory_space<hbm>> -> memref<16xi32, #tpu.memory_space<hbm>>
        %dma_wait3A_165 = arith.constant 0 : i32
        %dma_wait3A_166 = tpu.memref_slice %arg5[%add3A, %dma_wait3A_165] : memref<16x16xi32, #tpu.memory_space<hbm>> -> memref<1x16xi32, #tpu.memory_space<hbm>>
        %dma_wait3A_167 = tpu.memref_squeeze %dma_wait3A_166 : memref<1x16xi32, #tpu.memory_space<hbm>> -> memref<16xi32, #tpu.memory_space<hbm>>
        tpu.wait_dma2 semaphore(%run_scoped3A : memref<!tpu.dma_semaphore, #tpu.memory_space<semaphore_mem>>) src(%arg12 : memref<16xi32, #tpu.memory_space<vmem>>) dst(%dma_wait3A_167 : memref<16xi32, #tpu.memory_space<hbm>>)
        tpu.yield
      }) : () -> ()
      "tpu.region"() ({
        %run_scoped3A = tpu.sem_alloc : memref<!tpu.dma_semaphore, #tpu.memory_space<semaphore_mem>>
        %dma_start3A = arith.constant 0 : i32
        %dma_start3A_158 = tpu.memref_slice %arg6[%add3A, %dma_start3A] : memref<16x16xf32, #tpu.memory_space<hbm>> -> memref<1x16xf32, #tpu.memory_space<hbm>>
        %dma_start3A_159 = tpu.memref_squeeze %dma_start3A_158 : memref<1x16xf32, #tpu.memory_space<hbm>> -> memref<16xf32, #tpu.memory_space<hbm>>
        %dma_start3A_160 = arith.constant 0 : i32
        %dma_start3A_161 = tpu.memref_slice %arg6[%add3A, %dma_start3A_160] : memref<16x16xf32, #tpu.memory_space<hbm>> -> memref<1x16xf32, #tpu.memory_space<hbm>>
        %dma_start3A_162 = tpu.memref_squeeze %dma_start3A_161 : memref<1x16xf32, #tpu.memory_space<hbm>> -> memref<16xf32, #tpu.memory_space<hbm>>
        tpu.enqueue_dma source(%arg13 : memref<16xf32, #tpu.memory_space<vmem>>) target(%dma_start3A_162 : memref<16xf32, #tpu.memory_space<hbm>>) target_semaphore(%run_scoped3A : memref<!tpu.dma_semaphore, #tpu.memory_space<semaphore_mem>>)
        %dma_wait3A = arith.constant 0 : i32
        %dma_wait3A_163 = tpu.memref_slice %arg6[%add3A, %dma_wait3A] : memref<16x16xf32, #tpu.memory_space<hbm>> -> memref<1x16xf32, #tpu.memory_space<hbm>>
        %dma_wait3A_164 = tpu.memref_squeeze %dma_wait3A_163 : memref<1x16xf32, #tpu.memory_space<hbm>> -> memref<16xf32, #tpu.memory_space<hbm>>
        %dma_wait3A_165 = arith.constant 0 : i32
        %dma_wait3A_166 = tpu.memref_slice %arg6[%add3A, %dma_wait3A_165] : memref<16x16xf32, #tpu.memory_space<hbm>> -> memref<1x16xf32, #tpu.memory_space<hbm>>
        %dma_wait3A_167 = tpu.memref_squeeze %dma_wait3A_166 : memref<1x16xf32, #tpu.memory_space<hbm>> -> memref<16xf32, #tpu.memory_space<hbm>>
        tpu.wait_dma2 semaphore(%run_scoped3A : memref<!tpu.dma_semaphore, #tpu.memory_space<semaphore_mem>>) src(%arg13 : memref<16xf32, #tpu.memory_space<vmem>>) dst(%dma_wait3A_167 : memref<16xf32, #tpu.memory_space<hbm>>)
        tpu.yield
      }) : () -> ()
      "tpu.region"() ({
        %run_scoped3A = tpu.sem_alloc : memref<!tpu.dma_semaphore, #tpu.memory_space<semaphore_mem>>
        %dma_start3A = arith.constant 0 : i32
        %dma_start3A_158 = tpu.memref_slice %arg7[%add3A, %dma_start3A] : memref<16x2048xi32, #tpu.memory_space<hbm>> -> memref<1x2048xi32, #tpu.memory_space<hbm>>
        %dma_start3A_159 = tpu.memref_squeeze %dma_start3A_158 : memref<1x2048xi32, #tpu.memory_space<hbm>> -> memref<2048xi32, #tpu.memory_space<hbm>>
        %dma_start3A_160 = arith.constant 0 : i32
        %dma_start3A_161 = tpu.memref_slice %arg7[%add3A, %dma_start3A_160] : memref<16x2048xi32, #tpu.memory_space<hbm>> -> memref<1x2048xi32, #tpu.memory_space<hbm>>
        %dma_start3A_162 = tpu.memref_squeeze %dma_start3A_161 : memref<1x2048xi32, #tpu.memory_space<hbm>> -> memref<2048xi32, #tpu.memory_space<hbm>>
        tpu.enqueue_dma source(%arg14 : memref<2048xi32, #tpu.memory_space<vmem>>) target(%dma_start3A_162 : memref<2048xi32, #tpu.memory_space<hbm>>) target_semaphore(%run_scoped3A : memref<!tpu.dma_semaphore, #tpu.memory_space<semaphore_mem>>)
        %dma_wait3A = arith.constant 0 : i32
        %dma_wait3A_163 = tpu.memref_slice %arg7[%add3A, %dma_wait3A] : memref<16x2048xi32, #tpu.memory_space<hbm>> -> memref<1x2048xi32, #tpu.memory_space<hbm>>
        %dma_wait3A_164 = tpu.memref_squeeze %dma_wait3A_163 : memref<1x2048xi32, #tpu.memory_space<hbm>> -> memref<2048xi32, #tpu.memory_space<hbm>>
        %dma_wait3A_165 = arith.constant 0 : i32
        %dma_wait3A_166 = tpu.memref_slice %arg7[%add3A, %dma_wait3A_165] : memref<16x2048xi32, #tpu.memory_space<hbm>> -> memref<1x2048xi32, #tpu.memory_space<hbm>>
        %dma_wait3A_167 = tpu.memref_squeeze %dma_wait3A_166 : memref<1x2048xi32, #tpu.memory_space<hbm>> -> memref<2048xi32, #tpu.memory_space<hbm>>
        tpu.wait_dma2 semaphore(%run_scoped3A : memref<!tpu.dma_semaphore, #tpu.memory_space<semaphore_mem>>) src(%arg14 : memref<2048xi32, #tpu.memory_space<vmem>>) dst(%dma_wait3A_167 : memref<2048xi32, #tpu.memory_space<hbm>>)
        tpu.yield
      }) : () -> ()
      "tpu.region"() ({
        %run_scoped3A = tpu.sem_alloc : memref<!tpu.dma_semaphore, #tpu.memory_space<semaphore_mem>>
        %dma_start3A = arith.constant 0 : i32
        %dma_start3A_158 = tpu.memref_slice %arg8[%add3A, %dma_start3A] : memref<16x2048xf32, #tpu.memory_space<hbm>> -> memref<1x2048xf32, #tpu.memory_space<hbm>>
        %dma_start3A_159 = tpu.memref_squeeze %dma_start3A_158 : memref<1x2048xf32, #tpu.memory_space<hbm>> -> memref<2048xf32, #tpu.memory_space<hbm>>
        %dma_start3A_160 = arith.constant 0 : i32
        %dma_start3A_161 = tpu.memref_slice %arg8[%add3A, %dma_start3A_160] : memref<16x2048xf32, #tpu.memory_space<hbm>> -> memref<1x2048xf32, #tpu.memory_space<hbm>>
        %dma_start3A_162 = tpu.memref_squeeze %dma_start3A_161 : memref<1x2048xf32, #tpu.memory_space<hbm>> -> memref<2048xf32, #tpu.memory_space<hbm>>
        tpu.enqueue_dma source(%arg15 : memref<2048xf32, #tpu.memory_space<vmem>>) target(%dma_start3A_162 : memref<2048xf32, #tpu.memory_space<hbm>>) target_semaphore(%run_scoped3A : memref<!tpu.dma_semaphore, #tpu.memory_space<semaphore_mem>>)
        %dma_wait3A = arith.constant 0 : i32
        %dma_wait3A_163 = tpu.memref_slice %arg8[%add3A, %dma_wait3A] : memref<16x2048xf32, #tpu.memory_space<hbm>> -> memref<1x2048xf32, #tpu.memory_space<hbm>>
        %dma_wait3A_164 = tpu.memref_squeeze %dma_wait3A_163 : memref<1x2048xf32, #tpu.memory_space<hbm>> -> memref<2048xf32, #tpu.memory_space<hbm>>
        %dma_wait3A_165 = arith.constant 0 : i32
        %dma_wait3A_166 = tpu.memref_slice %arg8[%add3A, %dma_wait3A_165] : memref<16x2048xf32, #tpu.memory_space<hbm>> -> memref<1x2048xf32, #tpu.memory_space<hbm>>
        %dma_wait3A_167 = tpu.memref_squeeze %dma_wait3A_166 : memref<1x2048xf32, #tpu.memory_space<hbm>> -> memref<2048xf32, #tpu.memory_space<hbm>>
        tpu.wait_dma2 semaphore(%run_scoped3A : memref<!tpu.dma_semaphore, #tpu.memory_space<semaphore_mem>>) src(%arg15 : memref<2048xf32, #tpu.memory_space<vmem>>) dst(%dma_wait3A_167 : memref<2048xf32, #tpu.memory_space<hbm>>)
        tpu.yield
      }) : () -> ()
    } else {
    }
    return
  }
}

module attributes {stable_mosaic.version = 14 : i64} {
  func.func @_tc_kernel(%arg0: i32, %arg1: memref<16x16xi32, #tpu.memory_space<smem>>, %arg2: memref<16x16xf32, #tpu.memory_space<smem>>, %arg3: memref<1x4x1x512xf32, #tpu.memory_space<vmem>>, %arg4: memref<1x2048x1xf32, #tpu.memory_space<vmem>>, %arg5: memref<1x2048x1xi32, #tpu.memory_space<vmem>>, %arg6: memref<1x2048x1xf32, #tpu.memory_space<vmem>>, %arg7: memref<1x1xf32, #tpu.memory_space<vmem>>, %arg8: memref<2x256x128xf32, #tpu.memory_space<vmem>>, %arg9: memref<4x1x512xf32, #tpu.memory_space<vmem>>, %arg10: memref<256x128xf32, #tpu.memory_space<vmem>>, %arg11: memref<256x128xi32, #tpu.memory_space<vmem>>, %arg12: memref<256x128xf32, #tpu.memory_space<vmem>>) attributes {dimension_semantics = [#tpu.dimension_semantics<arbitrary>], iteration_bounds = array<i64: 16>, scalar_prefetch = 0 : i64, scratch_operands = 5 : i64, tpu.core_type = #tpu.core_type<tc>, window_params = [{transform_indices = @transform_0, window_bounds = array<i64: 16, 16>}, {transform_indices = @transform_1, window_bounds = array<i64: 16, 16>}, {transform_indices = @transform_2, window_bounds = array<i64: 1, 4, 1, 512>}, {transform_indices = @transform_3, window_bounds = array<i64: 1, 2048, 1>}, {transform_indices = @transform_4, window_bounds = array<i64: 1, 2048, 1>}, {transform_indices = @transform_5, window_bounds = array<i64: 1, 2048, 1>}, {pipeline_mode = #tpu.pipeline_mode<synchronous>, transform_indices = @transform_6, window_bounds = array<i64: 1, 1>}]} {
    %eq3A = arith.constant 0 : i32
    %eq3A_0 = arith.cmpi eq, %arg0, %eq3A : i32
    %convert_element_type3A = arith.extui %eq3A_0 : i1 to i32
    %cond3A = arith.constant 0 : i32
    %cond3A_1 = arith.cmpi ne, %convert_element_type3A, %cond3A : i32
    scf.if %cond3A_1 {
      %broadcast_in_dim3A_489 = arith.constant 0.000000e+00 : f32
      %broadcast_in_dim3A_490 = vector.broadcast %broadcast_in_dim3A_489 : f32 to vector<2x256x128xf32>
      %swap3A_491 = arith.constant 0 : index
      %swap3A_492 = arith.constant 0 : index
      %swap3A_493 = arith.constant 0 : index
      %swap3A_494 = vector.load %arg8[%swap3A_491, %swap3A_492, %swap3A_493] : memref<2x256x128xf32, #tpu.memory_space<vmem>>, vector<2x256x128xf32>
      tpu.vector_store %arg8[%swap3A_491, %swap3A_492, %swap3A_493], %broadcast_in_dim3A_490 {strides = array<i32>} : memref<2x256x128xf32, #tpu.memory_space<vmem>>, vector<2x256x128xf32>,
    } else {
    }
    %get3A = arith.index_cast %arg0 : i32 to index
    %get3A_2 = arith.constant 1 : index
    %get3A_3 = memref.load %arg2[%get3A, %get3A_2] : memref<16x16xf32, #tpu.memory_space<smem>>
    %get3A_4 = arith.constant 0 : index
    %get3A_5 = arith.constant 0 : index
    %get3A_6 = arith.constant 0 : index
    %get3A_7 = arith.constant 0 : index
    %get3A_8 = vector.load %arg3[%get3A_4, %get3A_5, %get3A_6, %get3A_7] : memref<1x4x1x512xf32, #tpu.memory_space<vmem>>, vector<1x4x1x512xf32>
    %get3A_9 = vector.shape_cast %get3A_8 : vector<1x4x1x512xf32> to vector<4x1x512xf32>
    %sub3A = vector.broadcast %get3A_3 : f32 to vector<4x1x512xf32>
    %sub3A_10 = arith.subf %get3A_9, %sub3A : vector<4x1x512xf32>
    %exp3A = math.exp %sub3A_10 : vector<4x1x512xf32>
    %swap3A = arith.constant 0 : index
    %swap3A_11 = arith.constant 0 : index
    %swap3A_12 = arith.constant 0 : index
    %swap3A_13 = vector.load %arg9[%swap3A, %swap3A_11, %swap3A_12] : memref<4x1x512xf32, #tpu.memory_space<vmem>>, vector<4x1x512xf32>
    tpu.vector_store %arg9[%swap3A, %swap3A_11, %swap3A_12], %exp3A {strides = array<i32>} : memref<4x1x512xf32, #tpu.memory_space<vmem>>, vector<4x1x512xf32>,
    %iota3A = tpu.iota {dimensions = array<i32: 1>} : vector<1x128xi32>
    %get3A_14 = arith.constant 0 : index
    %get3A_15 = arith.constant 0 : index
    %get3A_16 = arith.constant 0 : index
    %get3A_17 = vector.load %arg5[%get3A_14, %get3A_15, %get3A_16] : memref<1x2048x1xi32, #tpu.memory_space<vmem>>, vector<1x256x1xi32>
    %get3A_18 = vector.shape_cast %get3A_17 : vector<1x256x1xi32> to vector<256x1xi32>
    %get3A_19 = arith.constant 0 : index
    %get3A_20 = arith.constant 0 : index
    %get3A_21 = arith.constant 0 : index
    %get3A_22 = vector.load %arg6[%get3A_19, %get3A_20, %get3A_21] : memref<1x2048x1xf32, #tpu.memory_space<vmem>>, vector<1x256x1xf32>
    %get3A_23 = vector.shape_cast %get3A_22 : vector<1x256x1xf32> to vector<256x1xf32>
    %get3A_24 = arith.constant 0 : index
    %get3A_25 = arith.constant 0 : index
    %get3A_26 = arith.constant 0 : index
    %get3A_27 = vector.load %arg4[%get3A_24, %get3A_25, %get3A_26] : memref<1x2048x1xf32, #tpu.memory_space<vmem>>, vector<1x256x1xf32>
    %get3A_28 = vector.shape_cast %get3A_27 : vector<1x256x1xf32> to vector<256x1xf32>
    %sub3A_29 = vector.broadcast %get3A_3 : f32 to vector<256x1xf32>
    %sub3A_30 = arith.subf %get3A_28, %sub3A_29 : vector<256x1xf32>
    %exp3A_31 = math.exp %sub3A_30 : vector<256x1xf32>
    %broadcast_in_dim3A = vector.shape_cast %exp3A_31 : vector<256x1xf32> to vector<256x1xf32>
    %broadcast_in_dim3A_32 = vector.broadcast %broadcast_in_dim3A : vector<256x1xf32> to vector<256x128xf32>
    %swap3A_33 = arith.constant 0 : index
    %swap3A_34 = arith.constant 0 : index
    %swap3A_35 = vector.load %arg10[%swap3A_33, %swap3A_34] : memref<256x128xf32, #tpu.memory_space<vmem>>, vector<256x128xf32>
    tpu.vector_store %arg10[%swap3A_33, %swap3A_34], %broadcast_in_dim3A_32 {strides = array<i32>} : memref<256x128xf32, #tpu.memory_space<vmem>>, vector<256x128xf32>,
    %broadcast_in_dim3A_36 = vector.shape_cast %get3A_18 : vector<256x1xi32> to vector<256x1xi32>
    %broadcast_in_dim3A_37 = vector.broadcast %broadcast_in_dim3A_36 : vector<256x1xi32> to vector<256x128xi32>
    %swap3A_38 = arith.constant 0 : index
    %swap3A_39 = arith.constant 0 : index
    %swap3A_40 = vector.load %arg11[%swap3A_38, %swap3A_39] : memref<256x128xi32, #tpu.memory_space<vmem>>, vector<256x128xi32>
    tpu.vector_store %arg11[%swap3A_38, %swap3A_39], %broadcast_in_dim3A_37 {strides = array<i32>} : memref<256x128xi32, #tpu.memory_space<vmem>>, vector<256x128xi32>,
    %broadcast_in_dim3A_41 = vector.shape_cast %get3A_23 : vector<256x1xf32> to vector<256x1xf32>
    %broadcast_in_dim3A_42 = vector.broadcast %broadcast_in_dim3A_41 : vector<256x1xf32> to vector<256x128xf32>
    %swap3A_43 = arith.constant 0 : index
    %swap3A_44 = arith.constant 0 : index
    %swap3A_45 = vector.load %arg12[%swap3A_43, %swap3A_44] : memref<256x128xf32, #tpu.memory_space<vmem>>, vector<256x128xf32>
    tpu.vector_store %arg12[%swap3A_43, %swap3A_44], %broadcast_in_dim3A_42 {strides = array<i32>} : memref<256x128xf32, #tpu.memory_space<vmem>>, vector<256x128xf32>,
    %get3A_46 = arith.index_cast %arg0 : i32 to index
    %get3A_47 = arith.constant 0 : index
    %get3A_48 = memref.load %arg1[%get3A_46, %get3A_47] : memref<16x16xi32, #tpu.memory_space<smem>>
    %get3A_49 = arith.index_cast %arg0 : i32 to index
    %get3A_50 = arith.constant 8 : index
    %get3A_51 = memref.load %arg1[%get3A_49, %get3A_50] : memref<16x16xi32, #tpu.memory_space<smem>>
    %while3A = arith.constant 0 : i32
    %while3A_52 = arith.constant 0 : i32
    %while3A_53 = arith.subi %get3A_51, %while3A_52 : i32
    %while3A_54 = arith.addi %while3A_52, %while3A_53 : i32
    %while3A_55 = arith.constant 1 : i32
    %while3A_56 = arith.divsi %while3A_53, %while3A_55 : i32
    %while3A_57 = arith.muli %while3A_56, %while3A_55 : i32
    %while3A_58 = arith.addi %while3A_52, %while3A_57 : i32
    %while3A_59 = arith.constant 1 : i32
    scf.for %while3A_489 = %while3A_52 to %while3A_58 step %while3A_59  : i32 {
      %get3A_490 = arith.index_cast %while3A_489 : i32 to index
      %get3A_491 = arith.constant 0 : index
      %get3A_492 = arith.constant 0 : index
      %get3A_493 = vector.load %arg9[%get3A_490, %get3A_491, %get3A_492] : memref<4x1x512xf32, #tpu.memory_space<vmem>>, vector<1x1x512xf32>
      %get3A_494 = vector.shape_cast %get3A_493 : vector<1x1x512xf32> to vector<1x512xf32>
      %get3A_495 = arith.constant 0 : index
      %get3A_496 = arith.constant 0 : index
      %get3A_497 = vector.load %arg10[%get3A_495, %get3A_496] : memref<256x128xf32, #tpu.memory_space<vmem>>, vector<256x128xf32>
      %slice3A = vector.extract_strided_slice %get3A_494 {offsets = [0, 0], sizes = [1, 128], strides = [1, 1]} : vector<1x512xf32> to vector<1x128xf32>
      %add3A = vector.broadcast %slice3A : vector<1x128xf32> to vector<256x128xf32>
      %add3A_498 = arith.addf %get3A_497, %add3A : vector<256x128xf32>
      %slice3A_499 = vector.extract_strided_slice %get3A_494 {offsets = [0, 128], sizes = [1, 128], strides = [1, 1]} : vector<1x512xf32> to vector<1x128xf32>
      %add3A_500 = vector.broadcast %slice3A_499 : vector<1x128xf32> to vector<256x128xf32>
      %add3A_501 = arith.addf %get3A_497, %add3A_500 : vector<256x128xf32>
      %mul3A = arith.mulf %add3A_498, %add3A_501 : vector<256x128xf32>
      %slice3A_502 = vector.extract_strided_slice %get3A_494 {offsets = [0, 256], sizes = [1, 128], strides = [1, 1]} : vector<1x512xf32> to vector<1x128xf32>
      %add3A_503 = vector.broadcast %slice3A_502 : vector<1x128xf32> to vector<256x128xf32>
      %add3A_504 = arith.addf %get3A_497, %add3A_503 : vector<256x128xf32>
      %mul3A_505 = arith.mulf %mul3A, %add3A_504 : vector<256x128xf32>
      %slice3A_506 = vector.extract_strided_slice %get3A_494 {offsets = [0, 384], sizes = [1, 128], strides = [1, 1]} : vector<1x512xf32> to vector<1x128xf32>
      %add3A_507 = vector.broadcast %slice3A_506 : vector<1x128xf32> to vector<256x128xf32>
      %add3A_508 = arith.addf %get3A_497, %add3A_507 : vector<256x128xf32>
      %mul3A_509 = arith.mulf %mul3A_505, %add3A_508 : vector<256x128xf32>
      %and3A = arith.constant 1 : i32
      %and3A_510 = arith.andi %while3A_489, %and3A : i32
      %get3A_511 = arith.index_cast %and3A_510 : i32 to index
      %get3A_512 = arith.constant 0 : index
      %get3A_513 = arith.constant 0 : index
      %get3A_514 = vector.load %arg8[%get3A_511, %get3A_512, %get3A_513] : memref<2x256x128xf32, #tpu.memory_space<vmem>>, vector<1x256x128xf32>
      %get3A_515 = vector.shape_cast %get3A_514 : vector<1x256x128xf32> to vector<256x128xf32>
      %log3A = math.log %mul3A_509 : vector<256x128xf32>
      %get3A_516 = arith.constant 0 : index
      %get3A_517 = arith.constant 0 : index
      %get3A_518 = vector.load %arg12[%get3A_516, %get3A_517] : memref<256x128xf32, #tpu.memory_space<vmem>>, vector<256x128xf32>
      %mul3A_519 = arith.mulf %log3A, %get3A_518 : vector<256x128xf32>
      %add3A_520 = arith.addf %get3A_515, %mul3A_519 : vector<256x128xf32>
      %swap3A_521 = arith.index_cast %and3A_510 : i32 to index
      %swap3A_522 = arith.constant 0 : index
      %swap3A_523 = arith.constant 0 : index
      %swap3A_524 = vector.load %arg8[%swap3A_521, %swap3A_522, %swap3A_523] : memref<2x256x128xf32, #tpu.memory_space<vmem>>, vector<1x256x128xf32>
      %swap3A_525 = vector.shape_cast %swap3A_524 : vector<1x256x128xf32> to vector<256x128xf32>
      %swap3A_526 = vector.shape_cast %add3A_520 : vector<256x128xf32> to vector<1x256x128xf32>
      tpu.vector_store %arg8[%swap3A_521, %swap3A_522, %swap3A_523], %swap3A_526 {strides = array<i32>} : memref<2x256x128xf32, #tpu.memory_space<vmem>>, vector<1x256x128xf32>,
    }
    %while3A_60 = arith.constant 1 : i32
    scf.for %while3A_489 = %while3A_58 to %while3A_54 step %while3A_60  : i32 {
      %get3A_490 = arith.index_cast %while3A_489 : i32 to index
      %get3A_491 = arith.constant 0 : index
      %get3A_492 = arith.constant 0 : index
      %get3A_493 = vector.load %arg9[%get3A_490, %get3A_491, %get3A_492] : memref<4x1x512xf32, #tpu.memory_space<vmem>>, vector<1x1x512xf32>
      %get3A_494 = vector.shape_cast %get3A_493 : vector<1x1x512xf32> to vector<1x512xf32>
      %get3A_495 = arith.constant 0 : index
      %get3A_496 = arith.constant 0 : index
      %get3A_497 = vector.load %arg10[%get3A_495, %get3A_496] : memref<256x128xf32, #tpu.memory_space<vmem>>, vector<256x128xf32>
      %slice3A = vector.extract_strided_slice %get3A_494 {offsets = [0, 0], sizes = [1, 128], strides = [1, 1]} : vector<1x512xf32> to vector<1x128xf32>
      %add3A = vector.broadcast %slice3A : vector<1x128xf32> to vector<256x128xf32>
      %add3A_498 = arith.addf %get3A_497, %add3A : vector<256x128xf32>
      %slice3A_499 = vector.extract_strided_slice %get3A_494 {offsets = [0, 128], sizes = [1, 128], strides = [1, 1]} : vector<1x512xf32> to vector<1x128xf32>
      %add3A_500 = vector.broadcast %slice3A_499 : vector<1x128xf32> to vector<256x128xf32>
      %add3A_501 = arith.addf %get3A_497, %add3A_500 : vector<256x128xf32>
      %mul3A = arith.mulf %add3A_498, %add3A_501 : vector<256x128xf32>
      %slice3A_502 = vector.extract_strided_slice %get3A_494 {offsets = [0, 256], sizes = [1, 128], strides = [1, 1]} : vector<1x512xf32> to vector<1x128xf32>
      %add3A_503 = vector.broadcast %slice3A_502 : vector<1x128xf32> to vector<256x128xf32>
      %add3A_504 = arith.addf %get3A_497, %add3A_503 : vector<256x128xf32>
      %mul3A_505 = arith.mulf %mul3A, %add3A_504 : vector<256x128xf32>
      %slice3A_506 = vector.extract_strided_slice %get3A_494 {offsets = [0, 384], sizes = [1, 128], strides = [1, 1]} : vector<1x512xf32> to vector<1x128xf32>
      %add3A_507 = vector.broadcast %slice3A_506 : vector<1x128xf32> to vector<256x128xf32>
      %add3A_508 = arith.addf %get3A_497, %add3A_507 : vector<256x128xf32>
      %mul3A_509 = arith.mulf %mul3A_505, %add3A_508 : vector<256x128xf32>
      %and3A = arith.constant 1 : i32
      %and3A_510 = arith.andi %while3A_489, %and3A : i32
      %get3A_511 = arith.index_cast %and3A_510 : i32 to index
      %get3A_512 = arith.constant 0 : index
      %get3A_513 = arith.constant 0 : index
      %get3A_514 = vector.load %arg8[%get3A_511, %get3A_512, %get3A_513] : memref<2x256x128xf32, #tpu.memory_space<vmem>>, vector<1x256x128xf32>
      %get3A_515 = vector.shape_cast %get3A_514 : vector<1x256x128xf32> to vector<256x128xf32>
      %log3A = math.log %mul3A_509 : vector<256x128xf32>
      %get3A_516 = arith.constant 0 : index
      %get3A_517 = arith.constant 0 : index
      %get3A_518 = vector.load %arg12[%get3A_516, %get3A_517] : memref<256x128xf32, #tpu.memory_space<vmem>>, vector<256x128xf32>
      %mul3A_519 = arith.mulf %log3A, %get3A_518 : vector<256x128xf32>
      %add3A_520 = arith.addf %get3A_515, %mul3A_519 : vector<256x128xf32>
      %swap3A_521 = arith.index_cast %and3A_510 : i32 to index
      %swap3A_522 = arith.constant 0 : index
      %swap3A_523 = arith.constant 0 : index
      %swap3A_524 = vector.load %arg8[%swap3A_521, %swap3A_522, %swap3A_523] : memref<2x256x128xf32, #tpu.memory_space<vmem>>, vector<1x256x128xf32>
      %swap3A_525 = vector.shape_cast %swap3A_524 : vector<1x256x128xf32> to vector<256x128xf32>
      %swap3A_526 = vector.shape_cast %add3A_520 : vector<256x128xf32> to vector<1x256x128xf32>
      tpu.vector_store %arg8[%swap3A_521, %swap3A_522, %swap3A_523], %swap3A_526 {strides = array<i32>} : memref<2x256x128xf32, #tpu.memory_space<vmem>>, vector<1x256x128xf32>,
    }
    %while3A_61 = arith.constant 0 : i32
    %while3A_62 = arith.constant 1.000000e+00 : f32
    %while3A_63 = arith.subi %get3A_48, %get3A_51 : i32
    %while3A_64 = arith.addi %get3A_51, %while3A_63 : i32
    %while3A_65 = arith.constant 1 : i32
    %while3A_66 = arith.divsi %while3A_63, %while3A_65 : i32
    %while3A_67 = arith.muli %while3A_66, %while3A_65 : i32
    %while3A_68 = arith.addi %get3A_51, %while3A_67 : i32
    %while3A_69 = arith.constant 1 : i32
    scf.for %while3A_489 = %get3A_51 to %while3A_68 step %while3A_69  : i32 {
      %get3A_490 = arith.index_cast %while3A_489 : i32 to index
      %get3A_491 = arith.constant 0 : index
      %get3A_492 = arith.constant 0 : index
      %get3A_493 = vector.load %arg9[%get3A_490, %get3A_491, %get3A_492] : memref<4x1x512xf32, #tpu.memory_space<vmem>>, vector<1x1x512xf32>
      %get3A_494 = vector.shape_cast %get3A_493 : vector<1x1x512xf32> to vector<1x512xf32>
      %get3A_495 = arith.constant 0 : index
      %get3A_496 = arith.constant 0 : index
      %get3A_497 = vector.load %arg10[%get3A_495, %get3A_496] : memref<256x128xf32, #tpu.memory_space<vmem>>, vector<256x128xf32>
      %get3A_498 = arith.constant 0 : index
      %get3A_499 = arith.constant 0 : index
      %get3A_500 = vector.load %arg11[%get3A_498, %get3A_499] : memref<256x128xi32, #tpu.memory_space<vmem>>, vector<256x128xi32>
      %broadcast_in_dim3A_501 = vector.broadcast %while3A_62 : f32 to vector<256x128xf32>
      %slice3A = vector.extract_strided_slice %get3A_494 {offsets = [0, 0], sizes = [1, 128], strides = [1, 1]} : vector<1x512xf32> to vector<1x128xf32>
      %mul3A = arith.constant 512 : i32
      %mul3A_502 = arith.muli %while3A_489, %mul3A : i32
      %add3A = arith.constant 0 : i32
      %add3A_503 = arith.addi %mul3A_502, %add3A : i32
      %add3A_504 = vector.broadcast %add3A_503 : i32 to vector<1x128xi32>
      %add3A_505 = arith.addi %iota3A, %add3A_504 : vector<1x128xi32>
      %lt3A = vector.broadcast %add3A_505 : vector<1x128xi32> to vector<256x128xi32>
      %lt3A_506 = arith.cmpi slt, %lt3A, %get3A_500 : vector<256x128xi32>
      %add3A_507 = vector.broadcast %slice3A : vector<1x128xf32> to vector<256x128xf32>
      %add3A_508 = arith.addf %get3A_497, %add3A_507 : vector<256x128xf32>
      %broadcast_in_dim3A_509 = vector.broadcast %while3A_62 : f32 to vector<256x128xf32>
      %select_n3A = arith.select %lt3A_506, %add3A_508, %broadcast_in_dim3A_509 : vector<256x128xi1>, vector<256x128xf32>
      %mul3A_510 = arith.mulf %broadcast_in_dim3A_501, %select_n3A : vector<256x128xf32>
      %slice3A_511 = vector.extract_strided_slice %get3A_494 {offsets = [0, 128], sizes = [1, 128], strides = [1, 1]} : vector<1x512xf32> to vector<1x128xf32>
      %mul3A_512 = arith.constant 512 : i32
      %mul3A_513 = arith.muli %while3A_489, %mul3A_512 : i32
      %add3A_514 = arith.constant 128 : i32
      %add3A_515 = arith.addi %mul3A_513, %add3A_514 : i32
      %add3A_516 = vector.broadcast %add3A_515 : i32 to vector<1x128xi32>
      %add3A_517 = arith.addi %iota3A, %add3A_516 : vector<1x128xi32>
      %lt3A_518 = vector.broadcast %add3A_517 : vector<1x128xi32> to vector<256x128xi32>
      %lt3A_519 = arith.cmpi slt, %lt3A_518, %get3A_500 : vector<256x128xi32>
      %add3A_520 = vector.broadcast %slice3A_511 : vector<1x128xf32> to vector<256x128xf32>
      %add3A_521 = arith.addf %get3A_497, %add3A_520 : vector<256x128xf32>
      %broadcast_in_dim3A_522 = vector.broadcast %while3A_62 : f32 to vector<256x128xf32>
      %select_n3A_523 = arith.select %lt3A_519, %add3A_521, %broadcast_in_dim3A_522 : vector<256x128xi1>, vector<256x128xf32>
      %mul3A_524 = arith.mulf %mul3A_510, %select_n3A_523 : vector<256x128xf32>
      %slice3A_525 = vector.extract_strided_slice %get3A_494 {offsets = [0, 256], sizes = [1, 128], strides = [1, 1]} : vector<1x512xf32> to vector<1x128xf32>
      %mul3A_526 = arith.constant 512 : i32
      %mul3A_527 = arith.muli %while3A_489, %mul3A_526 : i32
      %add3A_528 = arith.constant 256 : i32
      %add3A_529 = arith.addi %mul3A_527, %add3A_528 : i32
      %add3A_530 = vector.broadcast %add3A_529 : i32 to vector<1x128xi32>
      %add3A_531 = arith.addi %iota3A, %add3A_530 : vector<1x128xi32>
      %lt3A_532 = vector.broadcast %add3A_531 : vector<1x128xi32> to vector<256x128xi32>
      %lt3A_533 = arith.cmpi slt, %lt3A_532, %get3A_500 : vector<256x128xi32>
      %add3A_534 = vector.broadcast %slice3A_525 : vector<1x128xf32> to vector<256x128xf32>
      %add3A_535 = arith.addf %get3A_497, %add3A_534 : vector<256x128xf32>
      %broadcast_in_dim3A_536 = vector.broadcast %while3A_62 : f32 to vector<256x128xf32>
      %select_n3A_537 = arith.select %lt3A_533, %add3A_535, %broadcast_in_dim3A_536 : vector<256x128xi1>, vector<256x128xf32>
      %mul3A_538 = arith.mulf %mul3A_524, %select_n3A_537 : vector<256x128xf32>
      %slice3A_539 = vector.extract_strided_slice %get3A_494 {offsets = [0, 384], sizes = [1, 128], strides = [1, 1]} : vector<1x512xf32> to vector<1x128xf32>
      %mul3A_540 = arith.constant 512 : i32
      %mul3A_541 = arith.muli %while3A_489, %mul3A_540 : i32
      %add3A_542 = arith.constant 384 : i32
      %add3A_543 = arith.addi %mul3A_541, %add3A_542 : i32
      %add3A_544 = vector.broadcast %add3A_543 : i32 to vector<1x128xi32>
      %add3A_545 = arith.addi %iota3A, %add3A_544 : vector<1x128xi32>
      %lt3A_546 = vector.broadcast %add3A_545 : vector<1x128xi32> to vector<256x128xi32>
      %lt3A_547 = arith.cmpi slt, %lt3A_546, %get3A_500 : vector<256x128xi32>
      %add3A_548 = vector.broadcast %slice3A_539 : vector<1x128xf32> to vector<256x128xf32>
      %add3A_549 = arith.addf %get3A_497, %add3A_548 : vector<256x128xf32>
      %broadcast_in_dim3A_550 = vector.broadcast %while3A_62 : f32 to vector<256x128xf32>
      %select_n3A_551 = arith.select %lt3A_547, %add3A_549, %broadcast_in_dim3A_550 : vector<256x128xi1>, vector<256x128xf32>
      %mul3A_552 = arith.mulf %mul3A_538, %select_n3A_551 : vector<256x128xf32>
      %and3A = arith.constant 1 : i32
      %and3A_553 = arith.andi %while3A_489, %and3A : i32
      %get3A_554 = arith.index_cast %and3A_553 : i32 to index
      %get3A_555 = arith.constant 0 : index
      %get3A_556 = arith.constant 0 : index
      %get3A_557 = vector.load %arg8[%get3A_554, %get3A_555, %get3A_556] : memref<2x256x128xf32, #tpu.memory_space<vmem>>, vector<1x256x128xf32>
      %get3A_558 = vector.shape_cast %get3A_557 : vector<1x256x128xf32> to vector<256x128xf32>
      %log3A = math.log %mul3A_552 : vector<256x128xf32>
      %get3A_559 = arith.constant 0 : index
      %get3A_560 = arith.constant 0 : index
      %get3A_561 = vector.load %arg12[%get3A_559, %get3A_560] : memref<256x128xf32, #tpu.memory_space<vmem>>, vector<256x128xf32>
      %mul3A_562 = arith.mulf %log3A, %get3A_561 : vector<256x128xf32>
      %add3A_563 = arith.addf %get3A_558, %mul3A_562 : vector<256x128xf32>
      %swap3A_564 = arith.index_cast %and3A_553 : i32 to index
      %swap3A_565 = arith.constant 0 : index
      %swap3A_566 = arith.constant 0 : index
      %swap3A_567 = vector.load %arg8[%swap3A_564, %swap3A_565, %swap3A_566] : memref<2x256x128xf32, #tpu.memory_space<vmem>>, vector<1x256x128xf32>
      %swap3A_568 = vector.shape_cast %swap3A_567 : vector<1x256x128xf32> to vector<256x128xf32>
      %swap3A_569 = vector.shape_cast %add3A_563 : vector<256x128xf32> to vector<1x256x128xf32>
      tpu.vector_store %arg8[%swap3A_564, %swap3A_565, %swap3A_566], %swap3A_569 {strides = array<i32>} : memref<2x256x128xf32, #tpu.memory_space<vmem>>, vector<1x256x128xf32>,
    }
    %while3A_70 = arith.constant 1 : i32
    scf.for %while3A_489 = %while3A_68 to %while3A_64 step %while3A_70  : i32 {
      %get3A_490 = arith.index_cast %while3A_489 : i32 to index
      %get3A_491 = arith.constant 0 : index
      %get3A_492 = arith.constant 0 : index
      %get3A_493 = vector.load %arg9[%get3A_490, %get3A_491, %get3A_492] : memref<4x1x512xf32, #tpu.memory_space<vmem>>, vector<1x1x512xf32>
      %get3A_494 = vector.shape_cast %get3A_493 : vector<1x1x512xf32> to vector<1x512xf32>
      %get3A_495 = arith.constant 0 : index
      %get3A_496 = arith.constant 0 : index
      %get3A_497 = vector.load %arg10[%get3A_495, %get3A_496] : memref<256x128xf32, #tpu.memory_space<vmem>>, vector<256x128xf32>
      %get3A_498 = arith.constant 0 : index
      %get3A_499 = arith.constant 0 : index
      %get3A_500 = vector.load %arg11[%get3A_498, %get3A_499] : memref<256x128xi32, #tpu.memory_space<vmem>>, vector<256x128xi32>
      %broadcast_in_dim3A_501 = vector.broadcast %while3A_62 : f32 to vector<256x128xf32>
      %slice3A = vector.extract_strided_slice %get3A_494 {offsets = [0, 0], sizes = [1, 128], strides = [1, 1]} : vector<1x512xf32> to vector<1x128xf32>
      %mul3A = arith.constant 512 : i32
      %mul3A_502 = arith.muli %while3A_489, %mul3A : i32
      %add3A = arith.constant 0 : i32
      %add3A_503 = arith.addi %mul3A_502, %add3A : i32
      %add3A_504 = vector.broadcast %add3A_503 : i32 to vector<1x128xi32>
      %add3A_505 = arith.addi %iota3A, %add3A_504 : vector<1x128xi32>
      %lt3A = vector.broadcast %add3A_505 : vector<1x128xi32> to vector<256x128xi32>
      %lt3A_506 = arith.cmpi slt, %lt3A, %get3A_500 : vector<256x128xi32>
      %add3A_507 = vector.broadcast %slice3A : vector<1x128xf32> to vector<256x128xf32>
      %add3A_508 = arith.addf %get3A_497, %add3A_507 : vector<256x128xf32>
      %broadcast_in_dim3A_509 = vector.broadcast %while3A_62 : f32 to vector<256x128xf32>
      %select_n3A = arith.select %lt3A_506, %add3A_508, %broadcast_in_dim3A_509 : vector<256x128xi1>, vector<256x128xf32>
      %mul3A_510 = arith.mulf %broadcast_in_dim3A_501, %select_n3A : vector<256x128xf32>
      %slice3A_511 = vector.extract_strided_slice %get3A_494 {offsets = [0, 128], sizes = [1, 128], strides = [1, 1]} : vector<1x512xf32> to vector<1x128xf32>
      %mul3A_512 = arith.constant 512 : i32
      %mul3A_513 = arith.muli %while3A_489, %mul3A_512 : i32
      %add3A_514 = arith.constant 128 : i32
      %add3A_515 = arith.addi %mul3A_513, %add3A_514 : i32
      %add3A_516 = vector.broadcast %add3A_515 : i32 to vector<1x128xi32>
      %add3A_517 = arith.addi %iota3A, %add3A_516 : vector<1x128xi32>
      %lt3A_518 = vector.broadcast %add3A_517 : vector<1x128xi32> to vector<256x128xi32>
      %lt3A_519 = arith.cmpi slt, %lt3A_518, %get3A_500 : vector<256x128xi32>
      %add3A_520 = vector.broadcast %slice3A_511 : vector<1x128xf32> to vector<256x128xf32>
      %add3A_521 = arith.addf %get3A_497, %add3A_520 : vector<256x128xf32>
      %broadcast_in_dim3A_522 = vector.broadcast %while3A_62 : f32 to vector<256x128xf32>
      %select_n3A_523 = arith.select %lt3A_519, %add3A_521, %broadcast_in_dim3A_522 : vector<256x128xi1>, vector<256x128xf32>
      %mul3A_524 = arith.mulf %mul3A_510, %select_n3A_523 : vector<256x128xf32>
      %slice3A_525 = vector.extract_strided_slice %get3A_494 {offsets = [0, 256], sizes = [1, 128], strides = [1, 1]} : vector<1x512xf32> to vector<1x128xf32>
      %mul3A_526 = arith.constant 512 : i32
      %mul3A_527 = arith.muli %while3A_489, %mul3A_526 : i32
      %add3A_528 = arith.constant 256 : i32
      %add3A_529 = arith.addi %mul3A_527, %add3A_528 : i32
      %add3A_530 = vector.broadcast %add3A_529 : i32 to vector<1x128xi32>
      %add3A_531 = arith.addi %iota3A, %add3A_530 : vector<1x128xi32>
      %lt3A_532 = vector.broadcast %add3A_531 : vector<1x128xi32> to vector<256x128xi32>
      %lt3A_533 = arith.cmpi slt, %lt3A_532, %get3A_500 : vector<256x128xi32>
      %add3A_534 = vector.broadcast %slice3A_525 : vector<1x128xf32> to vector<256x128xf32>
      %add3A_535 = arith.addf %get3A_497, %add3A_534 : vector<256x128xf32>
      %broadcast_in_dim3A_536 = vector.broadcast %while3A_62 : f32 to vector<256x128xf32>
      %select_n3A_537 = arith.select %lt3A_533, %add3A_535, %broadcast_in_dim3A_536 : vector<256x128xi1>, vector<256x128xf32>
      %mul3A_538 = arith.mulf %mul3A_524, %select_n3A_537 : vector<256x128xf32>
      %slice3A_539 = vector.extract_strided_slice %get3A_494 {offsets = [0, 384], sizes = [1, 128], strides = [1, 1]} : vector<1x512xf32> to vector<1x128xf32>
      %mul3A_540 = arith.constant 512 : i32
      %mul3A_541 = arith.muli %while3A_489, %mul3A_540 : i32
      %add3A_542 = arith.constant 384 : i32
      %add3A_543 = arith.addi %mul3A_541, %add3A_542 : i32
      %add3A_544 = vector.broadcast %add3A_543 : i32 to vector<1x128xi32>
      %add3A_545 = arith.addi %iota3A, %add3A_544 : vector<1x128xi32>
      %lt3A_546 = vector.broadcast %add3A_545 : vector<1x128xi32> to vector<256x128xi32>
      %lt3A_547 = arith.cmpi slt, %lt3A_546, %get3A_500 : vector<256x128xi32>
      %add3A_548 = vector.broadcast %slice3A_539 : vector<1x128xf32> to vector<256x128xf32>
      %add3A_549 = arith.addf %get3A_497, %add3A_548 : vector<256x128xf32>
      %broadcast_in_dim3A_550 = vector.broadcast %while3A_62 : f32 to vector<256x128xf32>
      %select_n3A_551 = arith.select %lt3A_547, %add3A_549, %broadcast_in_dim3A_550 : vector<256x128xi1>, vector<256x128xf32>
      %mul3A_552 = arith.mulf %mul3A_538, %select_n3A_551 : vector<256x128xf32>
      %and3A = arith.constant 1 : i32
      %and3A_553 = arith.andi %while3A_489, %and3A : i32
      %get3A_554 = arith.index_cast %and3A_553 : i32 to index
      %get3A_555 = arith.constant 0 : index
      %get3A_556 = arith.constant 0 : index
      %get3A_557 = vector.load %arg8[%get3A_554, %get3A_555, %get3A_556] : memref<2x256x128xf32, #tpu.memory_space<vmem>>, vector<1x256x128xf32>
      %get3A_558 = vector.shape_cast %get3A_557 : vector<1x256x128xf32> to vector<256x128xf32>
      %log3A = math.log %mul3A_552 : vector<256x128xf32>
      %get3A_559 = arith.constant 0 : index
      %get3A_560 = arith.constant 0 : index
      %get3A_561 = vector.load %arg12[%get3A_559, %get3A_560] : memref<256x128xf32, #tpu.memory_space<vmem>>, vector<256x128xf32>
      %mul3A_562 = arith.mulf %log3A, %get3A_561 : vector<256x128xf32>
      %add3A_563 = arith.addf %get3A_558, %mul3A_562 : vector<256x128xf32>
      %swap3A_564 = arith.index_cast %and3A_553 : i32 to index
      %swap3A_565 = arith.constant 0 : index
      %swap3A_566 = arith.constant 0 : index
      %swap3A_567 = vector.load %arg8[%swap3A_564, %swap3A_565, %swap3A_566] : memref<2x256x128xf32, #tpu.memory_space<vmem>>, vector<1x256x128xf32>
      %swap3A_568 = vector.shape_cast %swap3A_567 : vector<1x256x128xf32> to vector<256x128xf32>
      %swap3A_569 = vector.shape_cast %add3A_563 : vector<256x128xf32> to vector<1x256x128xf32>
      tpu.vector_store %arg8[%swap3A_564, %swap3A_565, %swap3A_566], %swap3A_569 {strides = array<i32>} : memref<2x256x128xf32, #tpu.memory_space<vmem>>, vector<1x256x128xf32>,
    }
    %get3A_71 = arith.constant 0 : index
    %get3A_72 = arith.constant 256 : index
    %get3A_73 = arith.constant 0 : index
    %get3A_74 = vector.load %arg5[%get3A_71, %get3A_72, %get3A_73] : memref<1x2048x1xi32, #tpu.memory_space<vmem>>, vector<1x256x1xi32>
    %get3A_75 = vector.shape_cast %get3A_74 : vector<1x256x1xi32> to vector<256x1xi32>
    %get3A_76 = arith.constant 0 : index
    %get3A_77 = arith.constant 256 : index
    %get3A_78 = arith.constant 0 : index
    %get3A_79 = vector.load %arg6[%get3A_76, %get3A_77, %get3A_78] : memref<1x2048x1xf32, #tpu.memory_space<vmem>>, vector<1x256x1xf32>
    %get3A_80 = vector.shape_cast %get3A_79 : vector<1x256x1xf32> to vector<256x1xf32>
    %get3A_81 = arith.constant 0 : index
    %get3A_82 = arith.constant 256 : index
    %get3A_83 = arith.constant 0 : index
    %get3A_84 = vector.load %arg4[%get3A_81, %get3A_82, %get3A_83] : memref<1x2048x1xf32, #tpu.memory_space<vmem>>, vector<1x256x1xf32>
    %get3A_85 = vector.shape_cast %get3A_84 : vector<1x256x1xf32> to vector<256x1xf32>
    %sub3A_86 = vector.broadcast %get3A_3 : f32 to vector<256x1xf32>
    %sub3A_87 = arith.subf %get3A_85, %sub3A_86 : vector<256x1xf32>
    %exp3A_88 = math.exp %sub3A_87 : vector<256x1xf32>
    %broadcast_in_dim3A_89 = vector.shape_cast %exp3A_88 : vector<256x1xf32> to vector<256x1xf32>
    %broadcast_in_dim3A_90 = vector.broadcast %broadcast_in_dim3A_89 : vector<256x1xf32> to vector<256x128xf32>
    %swap3A_91 = arith.constant 0 : index
    %swap3A_92 = arith.constant 0 : index
    %swap3A_93 = vector.load %arg10[%swap3A_91, %swap3A_92] : memref<256x128xf32, #tpu.memory_space<vmem>>, vector<256x128xf32>
    tpu.vector_store %arg10[%swap3A_91, %swap3A_92], %broadcast_in_dim3A_90 {strides = array<i32>} : memref<256x128xf32, #tpu.memory_space<vmem>>, vector<256x128xf32>,
    %broadcast_in_dim3A_94 = vector.shape_cast %get3A_75 : vector<256x1xi32> to vector<256x1xi32>
    %broadcast_in_dim3A_95 = vector.broadcast %broadcast_in_dim3A_94 : vector<256x1xi32> to vector<256x128xi32>
    %swap3A_96 = arith.constant 0 : index
    %swap3A_97 = arith.constant 0 : index
    %swap3A_98 = vector.load %arg11[%swap3A_96, %swap3A_97] : memref<256x128xi32, #tpu.memory_space<vmem>>, vector<256x128xi32>
    tpu.vector_store %arg11[%swap3A_96, %swap3A_97], %broadcast_in_dim3A_95 {strides = array<i32>} : memref<256x128xi32, #tpu.memory_space<vmem>>, vector<256x128xi32>,
    %broadcast_in_dim3A_99 = vector.shape_cast %get3A_80 : vector<256x1xf32> to vector<256x1xf32>
    %broadcast_in_dim3A_100 = vector.broadcast %broadcast_in_dim3A_99 : vector<256x1xf32> to vector<256x128xf32>
    %swap3A_101 = arith.constant 0 : index
    %swap3A_102 = arith.constant 0 : index
    %swap3A_103 = vector.load %arg12[%swap3A_101, %swap3A_102] : memref<256x128xf32, #tpu.memory_space<vmem>>, vector<256x128xf32>
    tpu.vector_store %arg12[%swap3A_101, %swap3A_102], %broadcast_in_dim3A_100 {strides = array<i32>} : memref<256x128xf32, #tpu.memory_space<vmem>>, vector<256x128xf32>,
    %get3A_104 = arith.index_cast %arg0 : i32 to index
    %get3A_105 = arith.constant 1 : index
    %get3A_106 = memref.load %arg1[%get3A_104, %get3A_105] : memref<16x16xi32, #tpu.memory_space<smem>>
    %get3A_107 = arith.index_cast %arg0 : i32 to index
    %get3A_108 = arith.constant 9 : index
    %get3A_109 = memref.load %arg1[%get3A_107, %get3A_108] : memref<16x16xi32, #tpu.memory_space<smem>>
    %while3A_110 = arith.constant 0 : i32
    %while3A_111 = arith.constant 0 : i32
    %while3A_112 = arith.subi %get3A_109, %while3A_111 : i32
    %while3A_113 = arith.addi %while3A_111, %while3A_112 : i32
    %while3A_114 = arith.constant 1 : i32
    %while3A_115 = arith.divsi %while3A_112, %while3A_114 : i32
    %while3A_116 = arith.muli %while3A_115, %while3A_114 : i32
    %while3A_117 = arith.addi %while3A_111, %while3A_116 : i32
    %while3A_118 = arith.constant 1 : i32
    scf.for %while3A_489 = %while3A_111 to %while3A_117 step %while3A_118  : i32 {
      %get3A_490 = arith.index_cast %while3A_489 : i32 to index
      %get3A_491 = arith.constant 0 : index
      %get3A_492 = arith.constant 0 : index
      %get3A_493 = vector.load %arg9[%get3A_490, %get3A_491, %get3A_492] : memref<4x1x512xf32, #tpu.memory_space<vmem>>, vector<1x1x512xf32>
      %get3A_494 = vector.shape_cast %get3A_493 : vector<1x1x512xf32> to vector<1x512xf32>
      %get3A_495 = arith.constant 0 : index
      %get3A_496 = arith.constant 0 : index
      %get3A_497 = vector.load %arg10[%get3A_495, %get3A_496] : memref<256x128xf32, #tpu.memory_space<vmem>>, vector<256x128xf32>
      %slice3A = vector.extract_strided_slice %get3A_494 {offsets = [0, 0], sizes = [1, 128], strides = [1, 1]} : vector<1x512xf32> to vector<1x128xf32>
      %add3A = vector.broadcast %slice3A : vector<1x128xf32> to vector<256x128xf32>
      %add3A_498 = arith.addf %get3A_497, %add3A : vector<256x128xf32>
      %slice3A_499 = vector.extract_strided_slice %get3A_494 {offsets = [0, 128], sizes = [1, 128], strides = [1, 1]} : vector<1x512xf32> to vector<1x128xf32>
      %add3A_500 = vector.broadcast %slice3A_499 : vector<1x128xf32> to vector<256x128xf32>
      %add3A_501 = arith.addf %get3A_497, %add3A_500 : vector<256x128xf32>
      %mul3A = arith.mulf %add3A_498, %add3A_501 : vector<256x128xf32>
      %slice3A_502 = vector.extract_strided_slice %get3A_494 {offsets = [0, 256], sizes = [1, 128], strides = [1, 1]} : vector<1x512xf32> to vector<1x128xf32>
      %add3A_503 = vector.broadcast %slice3A_502 : vector<1x128xf32> to vector<256x128xf32>
      %add3A_504 = arith.addf %get3A_497, %add3A_503 : vector<256x128xf32>
      %mul3A_505 = arith.mulf %mul3A, %add3A_504 : vector<256x128xf32>
      %slice3A_506 = vector.extract_strided_slice %get3A_494 {offsets = [0, 384], sizes = [1, 128], strides = [1, 1]} : vector<1x512xf32> to vector<1x128xf32>
      %add3A_507 = vector.broadcast %slice3A_506 : vector<1x128xf32> to vector<256x128xf32>
      %add3A_508 = arith.addf %get3A_497, %add3A_507 : vector<256x128xf32>
      %mul3A_509 = arith.mulf %mul3A_505, %add3A_508 : vector<256x128xf32>
      %and3A = arith.constant 1 : i32
      %and3A_510 = arith.andi %while3A_489, %and3A : i32
      %get3A_511 = arith.index_cast %and3A_510 : i32 to index
      %get3A_512 = arith.constant 0 : index
      %get3A_513 = arith.constant 0 : index
      %get3A_514 = vector.load %arg8[%get3A_511, %get3A_512, %get3A_513] : memref<2x256x128xf32, #tpu.memory_space<vmem>>, vector<1x256x128xf32>
      %get3A_515 = vector.shape_cast %get3A_514 : vector<1x256x128xf32> to vector<256x128xf32>
      %log3A = math.log %mul3A_509 : vector<256x128xf32>
      %get3A_516 = arith.constant 0 : index
      %get3A_517 = arith.constant 0 : index
      %get3A_518 = vector.load %arg12[%get3A_516, %get3A_517] : memref<256x128xf32, #tpu.memory_space<vmem>>, vector<256x128xf32>
      %mul3A_519 = arith.mulf %log3A, %get3A_518 : vector<256x128xf32>
      %add3A_520 = arith.addf %get3A_515, %mul3A_519 : vector<256x128xf32>
      %swap3A_521 = arith.index_cast %and3A_510 : i32 to index
      %swap3A_522 = arith.constant 0 : index
      %swap3A_523 = arith.constant 0 : index
      %swap3A_524 = vector.load %arg8[%swap3A_521, %swap3A_522, %swap3A_523] : memref<2x256x128xf32, #tpu.memory_space<vmem>>, vector<1x256x128xf32>
      %swap3A_525 = vector.shape_cast %swap3A_524 : vector<1x256x128xf32> to vector<256x128xf32>
      %swap3A_526 = vector.shape_cast %add3A_520 : vector<256x128xf32> to vector<1x256x128xf32>
      tpu.vector_store %arg8[%swap3A_521, %swap3A_522, %swap3A_523], %swap3A_526 {strides = array<i32>} : memref<2x256x128xf32, #tpu.memory_space<vmem>>, vector<1x256x128xf32>,
    }
    %while3A_119 = arith.constant 1 : i32
    scf.for %while3A_489 = %while3A_117 to %while3A_113 step %while3A_119  : i32 {
      %get3A_490 = arith.index_cast %while3A_489 : i32 to index
      %get3A_491 = arith.constant 0 : index
      %get3A_492 = arith.constant 0 : index
      %get3A_493 = vector.load %arg9[%get3A_490, %get3A_491, %get3A_492] : memref<4x1x512xf32, #tpu.memory_space<vmem>>, vector<1x1x512xf32>
      %get3A_494 = vector.shape_cast %get3A_493 : vector<1x1x512xf32> to vector<1x512xf32>
      %get3A_495 = arith.constant 0 : index
      %get3A_496 = arith.constant 0 : index
      %get3A_497 = vector.load %arg10[%get3A_495, %get3A_496] : memref<256x128xf32, #tpu.memory_space<vmem>>, vector<256x128xf32>
      %slice3A = vector.extract_strided_slice %get3A_494 {offsets = [0, 0], sizes = [1, 128], strides = [1, 1]} : vector<1x512xf32> to vector<1x128xf32>
      %add3A = vector.broadcast %slice3A : vector<1x128xf32> to vector<256x128xf32>
      %add3A_498 = arith.addf %get3A_497, %add3A : vector<256x128xf32>
      %slice3A_499 = vector.extract_strided_slice %get3A_494 {offsets = [0, 128], sizes = [1, 128], strides = [1, 1]} : vector<1x512xf32> to vector<1x128xf32>
      %add3A_500 = vector.broadcast %slice3A_499 : vector<1x128xf32> to vector<256x128xf32>
      %add3A_501 = arith.addf %get3A_497, %add3A_500 : vector<256x128xf32>
      %mul3A = arith.mulf %add3A_498, %add3A_501 : vector<256x128xf32>
      %slice3A_502 = vector.extract_strided_slice %get3A_494 {offsets = [0, 256], sizes = [1, 128], strides = [1, 1]} : vector<1x512xf32> to vector<1x128xf32>
      %add3A_503 = vector.broadcast %slice3A_502 : vector<1x128xf32> to vector<256x128xf32>
      %add3A_504 = arith.addf %get3A_497, %add3A_503 : vector<256x128xf32>
      %mul3A_505 = arith.mulf %mul3A, %add3A_504 : vector<256x128xf32>
      %slice3A_506 = vector.extract_strided_slice %get3A_494 {offsets = [0, 384], sizes = [1, 128], strides = [1, 1]} : vector<1x512xf32> to vector<1x128xf32>
      %add3A_507 = vector.broadcast %slice3A_506 : vector<1x128xf32> to vector<256x128xf32>
      %add3A_508 = arith.addf %get3A_497, %add3A_507 : vector<256x128xf32>
      %mul3A_509 = arith.mulf %mul3A_505, %add3A_508 : vector<256x128xf32>
      %and3A = arith.constant 1 : i32
      %and3A_510 = arith.andi %while3A_489, %and3A : i32
      %get3A_511 = arith.index_cast %and3A_510 : i32 to index
      %get3A_512 = arith.constant 0 : index
      %get3A_513 = arith.constant 0 : index
      %get3A_514 = vector.load %arg8[%get3A_511, %get3A_512, %get3A_513] : memref<2x256x128xf32, #tpu.memory_space<vmem>>, vector<1x256x128xf32>
      %get3A_515 = vector.shape_cast %get3A_514 : vector<1x256x128xf32> to vector<256x128xf32>
      %log3A = math.log %mul3A_509 : vector<256x128xf32>
      %get3A_516 = arith.constant 0 : index
      %get3A_517 = arith.constant 0 : index
      %get3A_518 = vector.load %arg12[%get3A_516, %get3A_517] : memref<256x128xf32, #tpu.memory_space<vmem>>, vector<256x128xf32>
      %mul3A_519 = arith.mulf %log3A, %get3A_518 : vector<256x128xf32>
      %add3A_520 = arith.addf %get3A_515, %mul3A_519 : vector<256x128xf32>
      %swap3A_521 = arith.index_cast %and3A_510 : i32 to index
      %swap3A_522 = arith.constant 0 : index
      %swap3A_523 = arith.constant 0 : index
      %swap3A_524 = vector.load %arg8[%swap3A_521, %swap3A_522, %swap3A_523] : memref<2x256x128xf32, #tpu.memory_space<vmem>>, vector<1x256x128xf32>
      %swap3A_525 = vector.shape_cast %swap3A_524 : vector<1x256x128xf32> to vector<256x128xf32>
      %swap3A_526 = vector.shape_cast %add3A_520 : vector<256x128xf32> to vector<1x256x128xf32>
      tpu.vector_store %arg8[%swap3A_521, %swap3A_522, %swap3A_523], %swap3A_526 {strides = array<i32>} : memref<2x256x128xf32, #tpu.memory_space<vmem>>, vector<1x256x128xf32>,
    }
    %while3A_120 = arith.constant 0 : i32
    %while3A_121 = arith.constant 1.000000e+00 : f32
    %while3A_122 = arith.subi %get3A_106, %get3A_109 : i32
    %while3A_123 = arith.addi %get3A_109, %while3A_122 : i32
    %while3A_124 = arith.constant 1 : i32
    %while3A_125 = arith.divsi %while3A_122, %while3A_124 : i32
    %while3A_126 = arith.muli %while3A_125, %while3A_124 : i32
    %while3A_127 = arith.addi %get3A_109, %while3A_126 : i32
    %while3A_128 = arith.constant 1 : i32
    scf.for %while3A_489 = %get3A_109 to %while3A_127 step %while3A_128  : i32 {
      %get3A_490 = arith.index_cast %while3A_489 : i32 to index
      %get3A_491 = arith.constant 0 : index
      %get3A_492 = arith.constant 0 : index
      %get3A_493 = vector.load %arg9[%get3A_490, %get3A_491, %get3A_492] : memref<4x1x512xf32, #tpu.memory_space<vmem>>, vector<1x1x512xf32>
      %get3A_494 = vector.shape_cast %get3A_493 : vector<1x1x512xf32> to vector<1x512xf32>
      %get3A_495 = arith.constant 0 : index
      %get3A_496 = arith.constant 0 : index
      %get3A_497 = vector.load %arg10[%get3A_495, %get3A_496] : memref<256x128xf32, #tpu.memory_space<vmem>>, vector<256x128xf32>
      %get3A_498 = arith.constant 0 : index
      %get3A_499 = arith.constant 0 : index
      %get3A_500 = vector.load %arg11[%get3A_498, %get3A_499] : memref<256x128xi32, #tpu.memory_space<vmem>>, vector<256x128xi32>
      %broadcast_in_dim3A_501 = vector.broadcast %while3A_121 : f32 to vector<256x128xf32>
      %slice3A = vector.extract_strided_slice %get3A_494 {offsets = [0, 0], sizes = [1, 128], strides = [1, 1]} : vector<1x512xf32> to vector<1x128xf32>
      %mul3A = arith.constant 512 : i32
      %mul3A_502 = arith.muli %while3A_489, %mul3A : i32
      %add3A = arith.constant 0 : i32
      %add3A_503 = arith.addi %mul3A_502, %add3A : i32
      %add3A_504 = vector.broadcast %add3A_503 : i32 to vector<1x128xi32>
      %add3A_505 = arith.addi %iota3A, %add3A_504 : vector<1x128xi32>
      %lt3A = vector.broadcast %add3A_505 : vector<1x128xi32> to vector<256x128xi32>
      %lt3A_506 = arith.cmpi slt, %lt3A, %get3A_500 : vector<256x128xi32>
      %add3A_507 = vector.broadcast %slice3A : vector<1x128xf32> to vector<256x128xf32>
      %add3A_508 = arith.addf %get3A_497, %add3A_507 : vector<256x128xf32>
      %broadcast_in_dim3A_509 = vector.broadcast %while3A_121 : f32 to vector<256x128xf32>
      %select_n3A = arith.select %lt3A_506, %add3A_508, %broadcast_in_dim3A_509 : vector<256x128xi1>, vector<256x128xf32>
      %mul3A_510 = arith.mulf %broadcast_in_dim3A_501, %select_n3A : vector<256x128xf32>
      %slice3A_511 = vector.extract_strided_slice %get3A_494 {offsets = [0, 128], sizes = [1, 128], strides = [1, 1]} : vector<1x512xf32> to vector<1x128xf32>
      %mul3A_512 = arith.constant 512 : i32
      %mul3A_513 = arith.muli %while3A_489, %mul3A_512 : i32
      %add3A_514 = arith.constant 128 : i32
      %add3A_515 = arith.addi %mul3A_513, %add3A_514 : i32
      %add3A_516 = vector.broadcast %add3A_515 : i32 to vector<1x128xi32>
      %add3A_517 = arith.addi %iota3A, %add3A_516 : vector<1x128xi32>
      %lt3A_518 = vector.broadcast %add3A_517 : vector<1x128xi32> to vector<256x128xi32>
      %lt3A_519 = arith.cmpi slt, %lt3A_518, %get3A_500 : vector<256x128xi32>
      %add3A_520 = vector.broadcast %slice3A_511 : vector<1x128xf32> to vector<256x128xf32>
      %add3A_521 = arith.addf %get3A_497, %add3A_520 : vector<256x128xf32>
      %broadcast_in_dim3A_522 = vector.broadcast %while3A_121 : f32 to vector<256x128xf32>
      %select_n3A_523 = arith.select %lt3A_519, %add3A_521, %broadcast_in_dim3A_522 : vector<256x128xi1>, vector<256x128xf32>
      %mul3A_524 = arith.mulf %mul3A_510, %select_n3A_523 : vector<256x128xf32>
      %slice3A_525 = vector.extract_strided_slice %get3A_494 {offsets = [0, 256], sizes = [1, 128], strides = [1, 1]} : vector<1x512xf32> to vector<1x128xf32>
      %mul3A_526 = arith.constant 512 : i32
      %mul3A_527 = arith.muli %while3A_489, %mul3A_526 : i32
      %add3A_528 = arith.constant 256 : i32
      %add3A_529 = arith.addi %mul3A_527, %add3A_528 : i32
      %add3A_530 = vector.broadcast %add3A_529 : i32 to vector<1x128xi32>
      %add3A_531 = arith.addi %iota3A, %add3A_530 : vector<1x128xi32>
      %lt3A_532 = vector.broadcast %add3A_531 : vector<1x128xi32> to vector<256x128xi32>
      %lt3A_533 = arith.cmpi slt, %lt3A_532, %get3A_500 : vector<256x128xi32>
      %add3A_534 = vector.broadcast %slice3A_525 : vector<1x128xf32> to vector<256x128xf32>
      %add3A_535 = arith.addf %get3A_497, %add3A_534 : vector<256x128xf32>
      %broadcast_in_dim3A_536 = vector.broadcast %while3A_121 : f32 to vector<256x128xf32>
      %select_n3A_537 = arith.select %lt3A_533, %add3A_535, %broadcast_in_dim3A_536 : vector<256x128xi1>, vector<256x128xf32>
      %mul3A_538 = arith.mulf %mul3A_524, %select_n3A_537 : vector<256x128xf32>
      %slice3A_539 = vector.extract_strided_slice %get3A_494 {offsets = [0, 384], sizes = [1, 128], strides = [1, 1]} : vector<1x512xf32> to vector<1x128xf32>
      %mul3A_540 = arith.constant 512 : i32
      %mul3A_541 = arith.muli %while3A_489, %mul3A_540 : i32
      %add3A_542 = arith.constant 384 : i32
      %add3A_543 = arith.addi %mul3A_541, %add3A_542 : i32
      %add3A_544 = vector.broadcast %add3A_543 : i32 to vector<1x128xi32>
      %add3A_545 = arith.addi %iota3A, %add3A_544 : vector<1x128xi32>
      %lt3A_546 = vector.broadcast %add3A_545 : vector<1x128xi32> to vector<256x128xi32>
      %lt3A_547 = arith.cmpi slt, %lt3A_546, %get3A_500 : vector<256x128xi32>
      %add3A_548 = vector.broadcast %slice3A_539 : vector<1x128xf32> to vector<256x128xf32>
      %add3A_549 = arith.addf %get3A_497, %add3A_548 : vector<256x128xf32>
      %broadcast_in_dim3A_550 = vector.broadcast %while3A_121 : f32 to vector<256x128xf32>
      %select_n3A_551 = arith.select %lt3A_547, %add3A_549, %broadcast_in_dim3A_550 : vector<256x128xi1>, vector<256x128xf32>
      %mul3A_552 = arith.mulf %mul3A_538, %select_n3A_551 : vector<256x128xf32>
      %and3A = arith.constant 1 : i32
      %and3A_553 = arith.andi %while3A_489, %and3A : i32
      %get3A_554 = arith.index_cast %and3A_553 : i32 to index
      %get3A_555 = arith.constant 0 : index
      %get3A_556 = arith.constant 0 : index
      %get3A_557 = vector.load %arg8[%get3A_554, %get3A_555, %get3A_556] : memref<2x256x128xf32, #tpu.memory_space<vmem>>, vector<1x256x128xf32>
      %get3A_558 = vector.shape_cast %get3A_557 : vector<1x256x128xf32> to vector<256x128xf32>
      %log3A = math.log %mul3A_552 : vector<256x128xf32>
      %get3A_559 = arith.constant 0 : index
      %get3A_560 = arith.constant 0 : index
      %get3A_561 = vector.load %arg12[%get3A_559, %get3A_560] : memref<256x128xf32, #tpu.memory_space<vmem>>, vector<256x128xf32>
      %mul3A_562 = arith.mulf %log3A, %get3A_561 : vector<256x128xf32>
      %add3A_563 = arith.addf %get3A_558, %mul3A_562 : vector<256x128xf32>
      %swap3A_564 = arith.index_cast %and3A_553 : i32 to index
      %swap3A_565 = arith.constant 0 : index
      %swap3A_566 = arith.constant 0 : index
      %swap3A_567 = vector.load %arg8[%swap3A_564, %swap3A_565, %swap3A_566] : memref<2x256x128xf32, #tpu.memory_space<vmem>>, vector<1x256x128xf32>
      %swap3A_568 = vector.shape_cast %swap3A_567 : vector<1x256x128xf32> to vector<256x128xf32>
      %swap3A_569 = vector.shape_cast %add3A_563 : vector<256x128xf32> to vector<1x256x128xf32>
      tpu.vector_store %arg8[%swap3A_564, %swap3A_565, %swap3A_566], %swap3A_569 {strides = array<i32>} : memref<2x256x128xf32, #tpu.memory_space<vmem>>, vector<1x256x128xf32>,
    }
    %while3A_129 = arith.constant 1 : i32
    scf.for %while3A_489 = %while3A_127 to %while3A_123 step %while3A_129  : i32 {
      %get3A_490 = arith.index_cast %while3A_489 : i32 to index
      %get3A_491 = arith.constant 0 : index
      %get3A_492 = arith.constant 0 : index
      %get3A_493 = vector.load %arg9[%get3A_490, %get3A_491, %get3A_492] : memref<4x1x512xf32, #tpu.memory_space<vmem>>, vector<1x1x512xf32>
      %get3A_494 = vector.shape_cast %get3A_493 : vector<1x1x512xf32> to vector<1x512xf32>
      %get3A_495 = arith.constant 0 : index
      %get3A_496 = arith.constant 0 : index
      %get3A_497 = vector.load %arg10[%get3A_495, %get3A_496] : memref<256x128xf32, #tpu.memory_space<vmem>>, vector<256x128xf32>
      %get3A_498 = arith.constant 0 : index
      %get3A_499 = arith.constant 0 : index
      %get3A_500 = vector.load %arg11[%get3A_498, %get3A_499] : memref<256x128xi32, #tpu.memory_space<vmem>>, vector<256x128xi32>
      %broadcast_in_dim3A_501 = vector.broadcast %while3A_121 : f32 to vector<256x128xf32>
      %slice3A = vector.extract_strided_slice %get3A_494 {offsets = [0, 0], sizes = [1, 128], strides = [1, 1]} : vector<1x512xf32> to vector<1x128xf32>
      %mul3A = arith.constant 512 : i32
      %mul3A_502 = arith.muli %while3A_489, %mul3A : i32
      %add3A = arith.constant 0 : i32
      %add3A_503 = arith.addi %mul3A_502, %add3A : i32
      %add3A_504 = vector.broadcast %add3A_503 : i32 to vector<1x128xi32>
      %add3A_505 = arith.addi %iota3A, %add3A_504 : vector<1x128xi32>
      %lt3A = vector.broadcast %add3A_505 : vector<1x128xi32> to vector<256x128xi32>
      %lt3A_506 = arith.cmpi slt, %lt3A, %get3A_500 : vector<256x128xi32>
      %add3A_507 = vector.broadcast %slice3A : vector<1x128xf32> to vector<256x128xf32>
      %add3A_508 = arith.addf %get3A_497, %add3A_507 : vector<256x128xf32>
      %broadcast_in_dim3A_509 = vector.broadcast %while3A_121 : f32 to vector<256x128xf32>
      %select_n3A = arith.select %lt3A_506, %add3A_508, %broadcast_in_dim3A_509 : vector<256x128xi1>, vector<256x128xf32>
      %mul3A_510 = arith.mulf %broadcast_in_dim3A_501, %select_n3A : vector<256x128xf32>
      %slice3A_511 = vector.extract_strided_slice %get3A_494 {offsets = [0, 128], sizes = [1, 128], strides = [1, 1]} : vector<1x512xf32> to vector<1x128xf32>
      %mul3A_512 = arith.constant 512 : i32
      %mul3A_513 = arith.muli %while3A_489, %mul3A_512 : i32
      %add3A_514 = arith.constant 128 : i32
      %add3A_515 = arith.addi %mul3A_513, %add3A_514 : i32
      %add3A_516 = vector.broadcast %add3A_515 : i32 to vector<1x128xi32>
      %add3A_517 = arith.addi %iota3A, %add3A_516 : vector<1x128xi32>
      %lt3A_518 = vector.broadcast %add3A_517 : vector<1x128xi32> to vector<256x128xi32>
      %lt3A_519 = arith.cmpi slt, %lt3A_518, %get3A_500 : vector<256x128xi32>
      %add3A_520 = vector.broadcast %slice3A_511 : vector<1x128xf32> to vector<256x128xf32>
      %add3A_521 = arith.addf %get3A_497, %add3A_520 : vector<256x128xf32>
      %broadcast_in_dim3A_522 = vector.broadcast %while3A_121 : f32 to vector<256x128xf32>
      %select_n3A_523 = arith.select %lt3A_519, %add3A_521, %broadcast_in_dim3A_522 : vector<256x128xi1>, vector<256x128xf32>
      %mul3A_524 = arith.mulf %mul3A_510, %select_n3A_523 : vector<256x128xf32>
      %slice3A_525 = vector.extract_strided_slice %get3A_494 {offsets = [0, 256], sizes = [1, 128], strides = [1, 1]} : vector<1x512xf32> to vector<1x128xf32>
      %mul3A_526 = arith.constant 512 : i32
      %mul3A_527 = arith.muli %while3A_489, %mul3A_526 : i32
      %add3A_528 = arith.constant 256 : i32
      %add3A_529 = arith.addi %mul3A_527, %add3A_528 : i32
      %add3A_530 = vector.broadcast %add3A_529 : i32 to vector<1x128xi32>
      %add3A_531 = arith.addi %iota3A, %add3A_530 : vector<1x128xi32>
      %lt3A_532 = vector.broadcast %add3A_531 : vector<1x128xi32> to vector<256x128xi32>
      %lt3A_533 = arith.cmpi slt, %lt3A_532, %get3A_500 : vector<256x128xi32>
      %add3A_534 = vector.broadcast %slice3A_525 : vector<1x128xf32> to vector<256x128xf32>
      %add3A_535 = arith.addf %get3A_497, %add3A_534 : vector<256x128xf32>
      %broadcast_in_dim3A_536 = vector.broadcast %while3A_121 : f32 to vector<256x128xf32>
      %select_n3A_537 = arith.select %lt3A_533, %add3A_535, %broadcast_in_dim3A_536 : vector<256x128xi1>, vector<256x128xf32>
      %mul3A_538 = arith.mulf %mul3A_524, %select_n3A_537 : vector<256x128xf32>
      %slice3A_539 = vector.extract_strided_slice %get3A_494 {offsets = [0, 384], sizes = [1, 128], strides = [1, 1]} : vector<1x512xf32> to vector<1x128xf32>
      %mul3A_540 = arith.constant 512 : i32
      %mul3A_541 = arith.muli %while3A_489, %mul3A_540 : i32
      %add3A_542 = arith.constant 384 : i32
      %add3A_543 = arith.addi %mul3A_541, %add3A_542 : i32
      %add3A_544 = vector.broadcast %add3A_543 : i32 to vector<1x128xi32>
      %add3A_545 = arith.addi %iota3A, %add3A_544 : vector<1x128xi32>
      %lt3A_546 = vector.broadcast %add3A_545 : vector<1x128xi32> to vector<256x128xi32>
      %lt3A_547 = arith.cmpi slt, %lt3A_546, %get3A_500 : vector<256x128xi32>
      %add3A_548 = vector.broadcast %slice3A_539 : vector<1x128xf32> to vector<256x128xf32>
      %add3A_549 = arith.addf %get3A_497, %add3A_548 : vector<256x128xf32>
      %broadcast_in_dim3A_550 = vector.broadcast %while3A_121 : f32 to vector<256x128xf32>
      %select_n3A_551 = arith.select %lt3A_547, %add3A_549, %broadcast_in_dim3A_550 : vector<256x128xi1>, vector<256x128xf32>
      %mul3A_552 = arith.mulf %mul3A_538, %select_n3A_551 : vector<256x128xf32>
      %and3A = arith.constant 1 : i32
      %and3A_553 = arith.andi %while3A_489, %and3A : i32
      %get3A_554 = arith.index_cast %and3A_553 : i32 to index
      %get3A_555 = arith.constant 0 : index
      %get3A_556 = arith.constant 0 : index
      %get3A_557 = vector.load %arg8[%get3A_554, %get3A_555, %get3A_556] : memref<2x256x128xf32, #tpu.memory_space<vmem>>, vector<1x256x128xf32>
      %get3A_558 = vector.shape_cast %get3A_557 : vector<1x256x128xf32> to vector<256x128xf32>
      %log3A = math.log %mul3A_552 : vector<256x128xf32>
      %get3A_559 = arith.constant 0 : index
      %get3A_560 = arith.constant 0 : index
      %get3A_561 = vector.load %arg12[%get3A_559, %get3A_560] : memref<256x128xf32, #tpu.memory_space<vmem>>, vector<256x128xf32>
      %mul3A_562 = arith.mulf %log3A, %get3A_561 : vector<256x128xf32>
      %add3A_563 = arith.addf %get3A_558, %mul3A_562 : vector<256x128xf32>
      %swap3A_564 = arith.index_cast %and3A_553 : i32 to index
      %swap3A_565 = arith.constant 0 : index
      %swap3A_566 = arith.constant 0 : index
      %swap3A_567 = vector.load %arg8[%swap3A_564, %swap3A_565, %swap3A_566] : memref<2x256x128xf32, #tpu.memory_space<vmem>>, vector<1x256x128xf32>
      %swap3A_568 = vector.shape_cast %swap3A_567 : vector<1x256x128xf32> to vector<256x128xf32>
      %swap3A_569 = vector.shape_cast %add3A_563 : vector<256x128xf32> to vector<1x256x128xf32>
      tpu.vector_store %arg8[%swap3A_564, %swap3A_565, %swap3A_566], %swap3A_569 {strides = array<i32>} : memref<2x256x128xf32, #tpu.memory_space<vmem>>, vector<1x256x128xf32>,
    }
    %get3A_130 = arith.constant 0 : index
    %get3A_131 = arith.constant 512 : index
    %get3A_132 = arith.constant 0 : index
    %get3A_133 = vector.load %arg5[%get3A_130, %get3A_131, %get3A_132] : memref<1x2048x1xi32, #tpu.memory_space<vmem>>, vector<1x256x1xi32>
    %get3A_134 = vector.shape_cast %get3A_133 : vector<1x256x1xi32> to vector<256x1xi32>
    %get3A_135 = arith.constant 0 : index
    %get3A_136 = arith.constant 512 : index
    %get3A_137 = arith.constant 0 : index
    %get3A_138 = vector.load %arg6[%get3A_135, %get3A_136, %get3A_137] : memref<1x2048x1xf32, #tpu.memory_space<vmem>>, vector<1x256x1xf32>
    %get3A_139 = vector.shape_cast %get3A_138 : vector<1x256x1xf32> to vector<256x1xf32>
    %get3A_140 = arith.constant 0 : index
    %get3A_141 = arith.constant 512 : index
    %get3A_142 = arith.constant 0 : index
    %get3A_143 = vector.load %arg4[%get3A_140, %get3A_141, %get3A_142] : memref<1x2048x1xf32, #tpu.memory_space<vmem>>, vector<1x256x1xf32>
    %get3A_144 = vector.shape_cast %get3A_143 : vector<1x256x1xf32> to vector<256x1xf32>
    %sub3A_145 = vector.broadcast %get3A_3 : f32 to vector<256x1xf32>
    %sub3A_146 = arith.subf %get3A_144, %sub3A_145 : vector<256x1xf32>
    %exp3A_147 = math.exp %sub3A_146 : vector<256x1xf32>
    %broadcast_in_dim3A_148 = vector.shape_cast %exp3A_147 : vector<256x1xf32> to vector<256x1xf32>
    %broadcast_in_dim3A_149 = vector.broadcast %broadcast_in_dim3A_148 : vector<256x1xf32> to vector<256x128xf32>
    %swap3A_150 = arith.constant 0 : index
    %swap3A_151 = arith.constant 0 : index
    %swap3A_152 = vector.load %arg10[%swap3A_150, %swap3A_151] : memref<256x128xf32, #tpu.memory_space<vmem>>, vector<256x128xf32>
    tpu.vector_store %arg10[%swap3A_150, %swap3A_151], %broadcast_in_dim3A_149 {strides = array<i32>} : memref<256x128xf32, #tpu.memory_space<vmem>>, vector<256x128xf32>,
    %broadcast_in_dim3A_153 = vector.shape_cast %get3A_134 : vector<256x1xi32> to vector<256x1xi32>
    %broadcast_in_dim3A_154 = vector.broadcast %broadcast_in_dim3A_153 : vector<256x1xi32> to vector<256x128xi32>
    %swap3A_155 = arith.constant 0 : index
    %swap3A_156 = arith.constant 0 : index
    %swap3A_157 = vector.load %arg11[%swap3A_155, %swap3A_156] : memref<256x128xi32, #tpu.memory_space<vmem>>, vector<256x128xi32>
    tpu.vector_store %arg11[%swap3A_155, %swap3A_156], %broadcast_in_dim3A_154 {strides = array<i32>} : memref<256x128xi32, #tpu.memory_space<vmem>>, vector<256x128xi32>,
    %broadcast_in_dim3A_158 = vector.shape_cast %get3A_139 : vector<256x1xf32> to vector<256x1xf32>
    %broadcast_in_dim3A_159 = vector.broadcast %broadcast_in_dim3A_158 : vector<256x1xf32> to vector<256x128xf32>
    %swap3A_160 = arith.constant 0 : index
    %swap3A_161 = arith.constant 0 : index
    %swap3A_162 = vector.load %arg12[%swap3A_160, %swap3A_161] : memref<256x128xf32, #tpu.memory_space<vmem>>, vector<256x128xf32>
    tpu.vector_store %arg12[%swap3A_160, %swap3A_161], %broadcast_in_dim3A_159 {strides = array<i32>} : memref<256x128xf32, #tpu.memory_space<vmem>>, vector<256x128xf32>,
    %get3A_163 = arith.index_cast %arg0 : i32 to index
    %get3A_164 = arith.constant 2 : index
    %get3A_165 = memref.load %arg1[%get3A_163, %get3A_164] : memref<16x16xi32, #tpu.memory_space<smem>>
    %get3A_166 = arith.index_cast %arg0 : i32 to index
    %get3A_167 = arith.constant 10 : index
    %get3A_168 = memref.load %arg1[%get3A_166, %get3A_167] : memref<16x16xi32, #tpu.memory_space<smem>>
    %while3A_169 = arith.constant 0 : i32
    %while3A_170 = arith.constant 0 : i32
    %while3A_171 = arith.subi %get3A_168, %while3A_170 : i32
    %while3A_172 = arith.addi %while3A_170, %while3A_171 : i32
    %while3A_173 = arith.constant 1 : i32
    %while3A_174 = arith.divsi %while3A_171, %while3A_173 : i32
    %while3A_175 = arith.muli %while3A_174, %while3A_173 : i32
    %while3A_176 = arith.addi %while3A_170, %while3A_175 : i32
    %while3A_177 = arith.constant 1 : i32
    scf.for %while3A_489 = %while3A_170 to %while3A_176 step %while3A_177  : i32 {
      %get3A_490 = arith.index_cast %while3A_489 : i32 to index
      %get3A_491 = arith.constant 0 : index
      %get3A_492 = arith.constant 0 : index
      %get3A_493 = vector.load %arg9[%get3A_490, %get3A_491, %get3A_492] : memref<4x1x512xf32, #tpu.memory_space<vmem>>, vector<1x1x512xf32>
      %get3A_494 = vector.shape_cast %get3A_493 : vector<1x1x512xf32> to vector<1x512xf32>
      %get3A_495 = arith.constant 0 : index
      %get3A_496 = arith.constant 0 : index
      %get3A_497 = vector.load %arg10[%get3A_495, %get3A_496] : memref<256x128xf32, #tpu.memory_space<vmem>>, vector<256x128xf32>
      %slice3A = vector.extract_strided_slice %get3A_494 {offsets = [0, 0], sizes = [1, 128], strides = [1, 1]} : vector<1x512xf32> to vector<1x128xf32>
      %add3A = vector.broadcast %slice3A : vector<1x128xf32> to vector<256x128xf32>
      %add3A_498 = arith.addf %get3A_497, %add3A : vector<256x128xf32>
      %slice3A_499 = vector.extract_strided_slice %get3A_494 {offsets = [0, 128], sizes = [1, 128], strides = [1, 1]} : vector<1x512xf32> to vector<1x128xf32>
      %add3A_500 = vector.broadcast %slice3A_499 : vector<1x128xf32> to vector<256x128xf32>
      %add3A_501 = arith.addf %get3A_497, %add3A_500 : vector<256x128xf32>
      %mul3A = arith.mulf %add3A_498, %add3A_501 : vector<256x128xf32>
      %slice3A_502 = vector.extract_strided_slice %get3A_494 {offsets = [0, 256], sizes = [1, 128], strides = [1, 1]} : vector<1x512xf32> to vector<1x128xf32>
      %add3A_503 = vector.broadcast %slice3A_502 : vector<1x128xf32> to vector<256x128xf32>
      %add3A_504 = arith.addf %get3A_497, %add3A_503 : vector<256x128xf32>
      %mul3A_505 = arith.mulf %mul3A, %add3A_504 : vector<256x128xf32>
      %slice3A_506 = vector.extract_strided_slice %get3A_494 {offsets = [0, 384], sizes = [1, 128], strides = [1, 1]} : vector<1x512xf32> to vector<1x128xf32>
      %add3A_507 = vector.broadcast %slice3A_506 : vector<1x128xf32> to vector<256x128xf32>
      %add3A_508 = arith.addf %get3A_497, %add3A_507 : vector<256x128xf32>
      %mul3A_509 = arith.mulf %mul3A_505, %add3A_508 : vector<256x128xf32>
      %and3A = arith.constant 1 : i32
      %and3A_510 = arith.andi %while3A_489, %and3A : i32
      %get3A_511 = arith.index_cast %and3A_510 : i32 to index
      %get3A_512 = arith.constant 0 : index
      %get3A_513 = arith.constant 0 : index
      %get3A_514 = vector.load %arg8[%get3A_511, %get3A_512, %get3A_513] : memref<2x256x128xf32, #tpu.memory_space<vmem>>, vector<1x256x128xf32>
      %get3A_515 = vector.shape_cast %get3A_514 : vector<1x256x128xf32> to vector<256x128xf32>
      %log3A = math.log %mul3A_509 : vector<256x128xf32>
      %get3A_516 = arith.constant 0 : index
      %get3A_517 = arith.constant 0 : index
      %get3A_518 = vector.load %arg12[%get3A_516, %get3A_517] : memref<256x128xf32, #tpu.memory_space<vmem>>, vector<256x128xf32>
      %mul3A_519 = arith.mulf %log3A, %get3A_518 : vector<256x128xf32>
      %add3A_520 = arith.addf %get3A_515, %mul3A_519 : vector<256x128xf32>
      %swap3A_521 = arith.index_cast %and3A_510 : i32 to index
      %swap3A_522 = arith.constant 0 : index
      %swap3A_523 = arith.constant 0 : index
      %swap3A_524 = vector.load %arg8[%swap3A_521, %swap3A_522, %swap3A_523] : memref<2x256x128xf32, #tpu.memory_space<vmem>>, vector<1x256x128xf32>
      %swap3A_525 = vector.shape_cast %swap3A_524 : vector<1x256x128xf32> to vector<256x128xf32>
      %swap3A_526 = vector.shape_cast %add3A_520 : vector<256x128xf32> to vector<1x256x128xf32>
      tpu.vector_store %arg8[%swap3A_521, %swap3A_522, %swap3A_523], %swap3A_526 {strides = array<i32>} : memref<2x256x128xf32, #tpu.memory_space<vmem>>, vector<1x256x128xf32>,
    }
    %while3A_178 = arith.constant 1 : i32
    scf.for %while3A_489 = %while3A_176 to %while3A_172 step %while3A_178  : i32 {
      %get3A_490 = arith.index_cast %while3A_489 : i32 to index
      %get3A_491 = arith.constant 0 : index
      %get3A_492 = arith.constant 0 : index
      %get3A_493 = vector.load %arg9[%get3A_490, %get3A_491, %get3A_492] : memref<4x1x512xf32, #tpu.memory_space<vmem>>, vector<1x1x512xf32>
      %get3A_494 = vector.shape_cast %get3A_493 : vector<1x1x512xf32> to vector<1x512xf32>
      %get3A_495 = arith.constant 0 : index
      %get3A_496 = arith.constant 0 : index
      %get3A_497 = vector.load %arg10[%get3A_495, %get3A_496] : memref<256x128xf32, #tpu.memory_space<vmem>>, vector<256x128xf32>
      %slice3A = vector.extract_strided_slice %get3A_494 {offsets = [0, 0], sizes = [1, 128], strides = [1, 1]} : vector<1x512xf32> to vector<1x128xf32>
      %add3A = vector.broadcast %slice3A : vector<1x128xf32> to vector<256x128xf32>
      %add3A_498 = arith.addf %get3A_497, %add3A : vector<256x128xf32>
      %slice3A_499 = vector.extract_strided_slice %get3A_494 {offsets = [0, 128], sizes = [1, 128], strides = [1, 1]} : vector<1x512xf32> to vector<1x128xf32>
      %add3A_500 = vector.broadcast %slice3A_499 : vector<1x128xf32> to vector<256x128xf32>
      %add3A_501 = arith.addf %get3A_497, %add3A_500 : vector<256x128xf32>
      %mul3A = arith.mulf %add3A_498, %add3A_501 : vector<256x128xf32>
      %slice3A_502 = vector.extract_strided_slice %get3A_494 {offsets = [0, 256], sizes = [1, 128], strides = [1, 1]} : vector<1x512xf32> to vector<1x128xf32>
      %add3A_503 = vector.broadcast %slice3A_502 : vector<1x128xf32> to vector<256x128xf32>
      %add3A_504 = arith.addf %get3A_497, %add3A_503 : vector<256x128xf32>
      %mul3A_505 = arith.mulf %mul3A, %add3A_504 : vector<256x128xf32>
      %slice3A_506 = vector.extract_strided_slice %get3A_494 {offsets = [0, 384], sizes = [1, 128], strides = [1, 1]} : vector<1x512xf32> to vector<1x128xf32>
      %add3A_507 = vector.broadcast %slice3A_506 : vector<1x128xf32> to vector<256x128xf32>
      %add3A_508 = arith.addf %get3A_497, %add3A_507 : vector<256x128xf32>
      %mul3A_509 = arith.mulf %mul3A_505, %add3A_508 : vector<256x128xf32>
      %and3A = arith.constant 1 : i32
      %and3A_510 = arith.andi %while3A_489, %and3A : i32
      %get3A_511 = arith.index_cast %and3A_510 : i32 to index
      %get3A_512 = arith.constant 0 : index
      %get3A_513 = arith.constant 0 : index
      %get3A_514 = vector.load %arg8[%get3A_511, %get3A_512, %get3A_513] : memref<2x256x128xf32, #tpu.memory_space<vmem>>, vector<1x256x128xf32>
      %get3A_515 = vector.shape_cast %get3A_514 : vector<1x256x128xf32> to vector<256x128xf32>
      %log3A = math.log %mul3A_509 : vector<256x128xf32>
      %get3A_516 = arith.constant 0 : index
      %get3A_517 = arith.constant 0 : index
      %get3A_518 = vector.load %arg12[%get3A_516, %get3A_517] : memref<256x128xf32, #tpu.memory_space<vmem>>, vector<256x128xf32>
      %mul3A_519 = arith.mulf %log3A, %get3A_518 : vector<256x128xf32>
      %add3A_520 = arith.addf %get3A_515, %mul3A_519 : vector<256x128xf32>
      %swap3A_521 = arith.index_cast %and3A_510 : i32 to index
      %swap3A_522 = arith.constant 0 : index
      %swap3A_523 = arith.constant 0 : index
      %swap3A_524 = vector.load %arg8[%swap3A_521, %swap3A_522, %swap3A_523] : memref<2x256x128xf32, #tpu.memory_space<vmem>>, vector<1x256x128xf32>
      %swap3A_525 = vector.shape_cast %swap3A_524 : vector<1x256x128xf32> to vector<256x128xf32>
      %swap3A_526 = vector.shape_cast %add3A_520 : vector<256x128xf32> to vector<1x256x128xf32>
      tpu.vector_store %arg8[%swap3A_521, %swap3A_522, %swap3A_523], %swap3A_526 {strides = array<i32>} : memref<2x256x128xf32, #tpu.memory_space<vmem>>, vector<1x256x128xf32>,
    }
    %while3A_179 = arith.constant 0 : i32
    %while3A_180 = arith.constant 1.000000e+00 : f32
    %while3A_181 = arith.subi %get3A_165, %get3A_168 : i32
    %while3A_182 = arith.addi %get3A_168, %while3A_181 : i32
    %while3A_183 = arith.constant 1 : i32
    %while3A_184 = arith.divsi %while3A_181, %while3A_183 : i32
    %while3A_185 = arith.muli %while3A_184, %while3A_183 : i32
    %while3A_186 = arith.addi %get3A_168, %while3A_185 : i32
    %while3A_187 = arith.constant 1 : i32
    scf.for %while3A_489 = %get3A_168 to %while3A_186 step %while3A_187  : i32 {
      %get3A_490 = arith.index_cast %while3A_489 : i32 to index
      %get3A_491 = arith.constant 0 : index
      %get3A_492 = arith.constant 0 : index
      %get3A_493 = vector.load %arg9[%get3A_490, %get3A_491, %get3A_492] : memref<4x1x512xf32, #tpu.memory_space<vmem>>, vector<1x1x512xf32>
      %get3A_494 = vector.shape_cast %get3A_493 : vector<1x1x512xf32> to vector<1x512xf32>
      %get3A_495 = arith.constant 0 : index
      %get3A_496 = arith.constant 0 : index
      %get3A_497 = vector.load %arg10[%get3A_495, %get3A_496] : memref<256x128xf32, #tpu.memory_space<vmem>>, vector<256x128xf32>
      %get3A_498 = arith.constant 0 : index
      %get3A_499 = arith.constant 0 : index
      %get3A_500 = vector.load %arg11[%get3A_498, %get3A_499] : memref<256x128xi32, #tpu.memory_space<vmem>>, vector<256x128xi32>
      %broadcast_in_dim3A_501 = vector.broadcast %while3A_180 : f32 to vector<256x128xf32>
      %slice3A = vector.extract_strided_slice %get3A_494 {offsets = [0, 0], sizes = [1, 128], strides = [1, 1]} : vector<1x512xf32> to vector<1x128xf32>
      %mul3A = arith.constant 512 : i32
      %mul3A_502 = arith.muli %while3A_489, %mul3A : i32
      %add3A = arith.constant 0 : i32
      %add3A_503 = arith.addi %mul3A_502, %add3A : i32
      %add3A_504 = vector.broadcast %add3A_503 : i32 to vector<1x128xi32>
      %add3A_505 = arith.addi %iota3A, %add3A_504 : vector<1x128xi32>
      %lt3A = vector.broadcast %add3A_505 : vector<1x128xi32> to vector<256x128xi32>
      %lt3A_506 = arith.cmpi slt, %lt3A, %get3A_500 : vector<256x128xi32>
      %add3A_507 = vector.broadcast %slice3A : vector<1x128xf32> to vector<256x128xf32>
      %add3A_508 = arith.addf %get3A_497, %add3A_507 : vector<256x128xf32>
      %broadcast_in_dim3A_509 = vector.broadcast %while3A_180 : f32 to vector<256x128xf32>
      %select_n3A = arith.select %lt3A_506, %add3A_508, %broadcast_in_dim3A_509 : vector<256x128xi1>, vector<256x128xf32>
      %mul3A_510 = arith.mulf %broadcast_in_dim3A_501, %select_n3A : vector<256x128xf32>
      %slice3A_511 = vector.extract_strided_slice %get3A_494 {offsets = [0, 128], sizes = [1, 128], strides = [1, 1]} : vector<1x512xf32> to vector<1x128xf32>
      %mul3A_512 = arith.constant 512 : i32
      %mul3A_513 = arith.muli %while3A_489, %mul3A_512 : i32
      %add3A_514 = arith.constant 128 : i32
      %add3A_515 = arith.addi %mul3A_513, %add3A_514 : i32
      %add3A_516 = vector.broadcast %add3A_515 : i32 to vector<1x128xi32>
      %add3A_517 = arith.addi %iota3A, %add3A_516 : vector<1x128xi32>
      %lt3A_518 = vector.broadcast %add3A_517 : vector<1x128xi32> to vector<256x128xi32>
      %lt3A_519 = arith.cmpi slt, %lt3A_518, %get3A_500 : vector<256x128xi32>
      %add3A_520 = vector.broadcast %slice3A_511 : vector<1x128xf32> to vector<256x128xf32>
      %add3A_521 = arith.addf %get3A_497, %add3A_520 : vector<256x128xf32>
      %broadcast_in_dim3A_522 = vector.broadcast %while3A_180 : f32 to vector<256x128xf32>
      %select_n3A_523 = arith.select %lt3A_519, %add3A_521, %broadcast_in_dim3A_522 : vector<256x128xi1>, vector<256x128xf32>
      %mul3A_524 = arith.mulf %mul3A_510, %select_n3A_523 : vector<256x128xf32>
      %slice3A_525 = vector.extract_strided_slice %get3A_494 {offsets = [0, 256], sizes = [1, 128], strides = [1, 1]} : vector<1x512xf32> to vector<1x128xf32>
      %mul3A_526 = arith.constant 512 : i32
      %mul3A_527 = arith.muli %while3A_489, %mul3A_526 : i32
      %add3A_528 = arith.constant 256 : i32
      %add3A_529 = arith.addi %mul3A_527, %add3A_528 : i32
      %add3A_530 = vector.broadcast %add3A_529 : i32 to vector<1x128xi32>
      %add3A_531 = arith.addi %iota3A, %add3A_530 : vector<1x128xi32>
      %lt3A_532 = vector.broadcast %add3A_531 : vector<1x128xi32> to vector<256x128xi32>
      %lt3A_533 = arith.cmpi slt, %lt3A_532, %get3A_500 : vector<256x128xi32>
      %add3A_534 = vector.broadcast %slice3A_525 : vector<1x128xf32> to vector<256x128xf32>
      %add3A_535 = arith.addf %get3A_497, %add3A_534 : vector<256x128xf32>
      %broadcast_in_dim3A_536 = vector.broadcast %while3A_180 : f32 to vector<256x128xf32>
      %select_n3A_537 = arith.select %lt3A_533, %add3A_535, %broadcast_in_dim3A_536 : vector<256x128xi1>, vector<256x128xf32>
      %mul3A_538 = arith.mulf %mul3A_524, %select_n3A_537 : vector<256x128xf32>
      %slice3A_539 = vector.extract_strided_slice %get3A_494 {offsets = [0, 384], sizes = [1, 128], strides = [1, 1]} : vector<1x512xf32> to vector<1x128xf32>
      %mul3A_540 = arith.constant 512 : i32
      %mul3A_541 = arith.muli %while3A_489, %mul3A_540 : i32
      %add3A_542 = arith.constant 384 : i32
      %add3A_543 = arith.addi %mul3A_541, %add3A_542 : i32
      %add3A_544 = vector.broadcast %add3A_543 : i32 to vector<1x128xi32>
      %add3A_545 = arith.addi %iota3A, %add3A_544 : vector<1x128xi32>
      %lt3A_546 = vector.broadcast %add3A_545 : vector<1x128xi32> to vector<256x128xi32>
      %lt3A_547 = arith.cmpi slt, %lt3A_546, %get3A_500 : vector<256x128xi32>
      %add3A_548 = vector.broadcast %slice3A_539 : vector<1x128xf32> to vector<256x128xf32>
      %add3A_549 = arith.addf %get3A_497, %add3A_548 : vector<256x128xf32>
      %broadcast_in_dim3A_550 = vector.broadcast %while3A_180 : f32 to vector<256x128xf32>
      %select_n3A_551 = arith.select %lt3A_547, %add3A_549, %broadcast_in_dim3A_550 : vector<256x128xi1>, vector<256x128xf32>
      %mul3A_552 = arith.mulf %mul3A_538, %select_n3A_551 : vector<256x128xf32>
      %and3A = arith.constant 1 : i32
      %and3A_553 = arith.andi %while3A_489, %and3A : i32
      %get3A_554 = arith.index_cast %and3A_553 : i32 to index
      %get3A_555 = arith.constant 0 : index
      %get3A_556 = arith.constant 0 : index
      %get3A_557 = vector.load %arg8[%get3A_554, %get3A_555, %get3A_556] : memref<2x256x128xf32, #tpu.memory_space<vmem>>, vector<1x256x128xf32>
      %get3A_558 = vector.shape_cast %get3A_557 : vector<1x256x128xf32> to vector<256x128xf32>
      %log3A = math.log %mul3A_552 : vector<256x128xf32>
      %get3A_559 = arith.constant 0 : index
      %get3A_560 = arith.constant 0 : index
      %get3A_561 = vector.load %arg12[%get3A_559, %get3A_560] : memref<256x128xf32, #tpu.memory_space<vmem>>, vector<256x128xf32>
      %mul3A_562 = arith.mulf %log3A, %get3A_561 : vector<256x128xf32>
      %add3A_563 = arith.addf %get3A_558, %mul3A_562 : vector<256x128xf32>
      %swap3A_564 = arith.index_cast %and3A_553 : i32 to index
      %swap3A_565 = arith.constant 0 : index
      %swap3A_566 = arith.constant 0 : index
      %swap3A_567 = vector.load %arg8[%swap3A_564, %swap3A_565, %swap3A_566] : memref<2x256x128xf32, #tpu.memory_space<vmem>>, vector<1x256x128xf32>
      %swap3A_568 = vector.shape_cast %swap3A_567 : vector<1x256x128xf32> to vector<256x128xf32>
      %swap3A_569 = vector.shape_cast %add3A_563 : vector<256x128xf32> to vector<1x256x128xf32>
      tpu.vector_store %arg8[%swap3A_564, %swap3A_565, %swap3A_566], %swap3A_569 {strides = array<i32>} : memref<2x256x128xf32, #tpu.memory_space<vmem>>, vector<1x256x128xf32>,
    }
    %while3A_188 = arith.constant 1 : i32
    scf.for %while3A_489 = %while3A_186 to %while3A_182 step %while3A_188  : i32 {
      %get3A_490 = arith.index_cast %while3A_489 : i32 to index
      %get3A_491 = arith.constant 0 : index
      %get3A_492 = arith.constant 0 : index
      %get3A_493 = vector.load %arg9[%get3A_490, %get3A_491, %get3A_492] : memref<4x1x512xf32, #tpu.memory_space<vmem>>, vector<1x1x512xf32>
      %get3A_494 = vector.shape_cast %get3A_493 : vector<1x1x512xf32> to vector<1x512xf32>
      %get3A_495 = arith.constant 0 : index
      %get3A_496 = arith.constant 0 : index
      %get3A_497 = vector.load %arg10[%get3A_495, %get3A_496] : memref<256x128xf32, #tpu.memory_space<vmem>>, vector<256x128xf32>
      %get3A_498 = arith.constant 0 : index
      %get3A_499 = arith.constant 0 : index
      %get3A_500 = vector.load %arg11[%get3A_498, %get3A_499] : memref<256x128xi32, #tpu.memory_space<vmem>>, vector<256x128xi32>
      %broadcast_in_dim3A_501 = vector.broadcast %while3A_180 : f32 to vector<256x128xf32>
      %slice3A = vector.extract_strided_slice %get3A_494 {offsets = [0, 0], sizes = [1, 128], strides = [1, 1]} : vector<1x512xf32> to vector<1x128xf32>
      %mul3A = arith.constant 512 : i32
      %mul3A_502 = arith.muli %while3A_489, %mul3A : i32
      %add3A = arith.constant 0 : i32
      %add3A_503 = arith.addi %mul3A_502, %add3A : i32
      %add3A_504 = vector.broadcast %add3A_503 : i32 to vector<1x128xi32>
      %add3A_505 = arith.addi %iota3A, %add3A_504 : vector<1x128xi32>
      %lt3A = vector.broadcast %add3A_505 : vector<1x128xi32> to vector<256x128xi32>
      %lt3A_506 = arith.cmpi slt, %lt3A, %get3A_500 : vector<256x128xi32>
      %add3A_507 = vector.broadcast %slice3A : vector<1x128xf32> to vector<256x128xf32>
      %add3A_508 = arith.addf %get3A_497, %add3A_507 : vector<256x128xf32>
      %broadcast_in_dim3A_509 = vector.broadcast %while3A_180 : f32 to vector<256x128xf32>
      %select_n3A = arith.select %lt3A_506, %add3A_508, %broadcast_in_dim3A_509 : vector<256x128xi1>, vector<256x128xf32>
      %mul3A_510 = arith.mulf %broadcast_in_dim3A_501, %select_n3A : vector<256x128xf32>
      %slice3A_511 = vector.extract_strided_slice %get3A_494 {offsets = [0, 128], sizes = [1, 128], strides = [1, 1]} : vector<1x512xf32> to vector<1x128xf32>
      %mul3A_512 = arith.constant 512 : i32
      %mul3A_513 = arith.muli %while3A_489, %mul3A_512 : i32
      %add3A_514 = arith.constant 128 : i32
      %add3A_515 = arith.addi %mul3A_513, %add3A_514 : i32
      %add3A_516 = vector.broadcast %add3A_515 : i32 to vector<1x128xi32>
      %add3A_517 = arith.addi %iota3A, %add3A_516 : vector<1x128xi32>
      %lt3A_518 = vector.broadcast %add3A_517 : vector<1x128xi32> to vector<256x128xi32>
      %lt3A_519 = arith.cmpi slt, %lt3A_518, %get3A_500 : vector<256x128xi32>
      %add3A_520 = vector.broadcast %slice3A_511 : vector<1x128xf32> to vector<256x128xf32>
      %add3A_521 = arith.addf %get3A_497, %add3A_520 : vector<256x128xf32>
      %broadcast_in_dim3A_522 = vector.broadcast %while3A_180 : f32 to vector<256x128xf32>
      %select_n3A_523 = arith.select %lt3A_519, %add3A_521, %broadcast_in_dim3A_522 : vector<256x128xi1>, vector<256x128xf32>
      %mul3A_524 = arith.mulf %mul3A_510, %select_n3A_523 : vector<256x128xf32>
      %slice3A_525 = vector.extract_strided_slice %get3A_494 {offsets = [0, 256], sizes = [1, 128], strides = [1, 1]} : vector<1x512xf32> to vector<1x128xf32>
      %mul3A_526 = arith.constant 512 : i32
      %mul3A_527 = arith.muli %while3A_489, %mul3A_526 : i32
      %add3A_528 = arith.constant 256 : i32
      %add3A_529 = arith.addi %mul3A_527, %add3A_528 : i32
      %add3A_530 = vector.broadcast %add3A_529 : i32 to vector<1x128xi32>
      %add3A_531 = arith.addi %iota3A, %add3A_530 : vector<1x128xi32>
      %lt3A_532 = vector.broadcast %add3A_531 : vector<1x128xi32> to vector<256x128xi32>
      %lt3A_533 = arith.cmpi slt, %lt3A_532, %get3A_500 : vector<256x128xi32>
      %add3A_534 = vector.broadcast %slice3A_525 : vector<1x128xf32> to vector<256x128xf32>
      %add3A_535 = arith.addf %get3A_497, %add3A_534 : vector<256x128xf32>
      %broadcast_in_dim3A_536 = vector.broadcast %while3A_180 : f32 to vector<256x128xf32>
      %select_n3A_537 = arith.select %lt3A_533, %add3A_535, %broadcast_in_dim3A_536 : vector<256x128xi1>, vector<256x128xf32>
      %mul3A_538 = arith.mulf %mul3A_524, %select_n3A_537 : vector<256x128xf32>
      %slice3A_539 = vector.extract_strided_slice %get3A_494 {offsets = [0, 384], sizes = [1, 128], strides = [1, 1]} : vector<1x512xf32> to vector<1x128xf32>
      %mul3A_540 = arith.constant 512 : i32
      %mul3A_541 = arith.muli %while3A_489, %mul3A_540 : i32
      %add3A_542 = arith.constant 384 : i32
      %add3A_543 = arith.addi %mul3A_541, %add3A_542 : i32
      %add3A_544 = vector.broadcast %add3A_543 : i32 to vector<1x128xi32>
      %add3A_545 = arith.addi %iota3A, %add3A_544 : vector<1x128xi32>
      %lt3A_546 = vector.broadcast %add3A_545 : vector<1x128xi32> to vector<256x128xi32>
      %lt3A_547 = arith.cmpi slt, %lt3A_546, %get3A_500 : vector<256x128xi32>
      %add3A_548 = vector.broadcast %slice3A_539 : vector<1x128xf32> to vector<256x128xf32>
      %add3A_549 = arith.addf %get3A_497, %add3A_548 : vector<256x128xf32>
      %broadcast_in_dim3A_550 = vector.broadcast %while3A_180 : f32 to vector<256x128xf32>
      %select_n3A_551 = arith.select %lt3A_547, %add3A_549, %broadcast_in_dim3A_550 : vector<256x128xi1>, vector<256x128xf32>
      %mul3A_552 = arith.mulf %mul3A_538, %select_n3A_551 : vector<256x128xf32>
      %and3A = arith.constant 1 : i32
      %and3A_553 = arith.andi %while3A_489, %and3A : i32
      %get3A_554 = arith.index_cast %and3A_553 : i32 to index
      %get3A_555 = arith.constant 0 : index
      %get3A_556 = arith.constant 0 : index
      %get3A_557 = vector.load %arg8[%get3A_554, %get3A_555, %get3A_556] : memref<2x256x128xf32, #tpu.memory_space<vmem>>, vector<1x256x128xf32>
      %get3A_558 = vector.shape_cast %get3A_557 : vector<1x256x128xf32> to vector<256x128xf32>
      %log3A = math.log %mul3A_552 : vector<256x128xf32>
      %get3A_559 = arith.constant 0 : index
      %get3A_560 = arith.constant 0 : index
      %get3A_561 = vector.load %arg12[%get3A_559, %get3A_560] : memref<256x128xf32, #tpu.memory_space<vmem>>, vector<256x128xf32>
      %mul3A_562 = arith.mulf %log3A, %get3A_561 : vector<256x128xf32>
      %add3A_563 = arith.addf %get3A_558, %mul3A_562 : vector<256x128xf32>
      %swap3A_564 = arith.index_cast %and3A_553 : i32 to index
      %swap3A_565 = arith.constant 0 : index
      %swap3A_566 = arith.constant 0 : index
      %swap3A_567 = vector.load %arg8[%swap3A_564, %swap3A_565, %swap3A_566] : memref<2x256x128xf32, #tpu.memory_space<vmem>>, vector<1x256x128xf32>
      %swap3A_568 = vector.shape_cast %swap3A_567 : vector<1x256x128xf32> to vector<256x128xf32>
      %swap3A_569 = vector.shape_cast %add3A_563 : vector<256x128xf32> to vector<1x256x128xf32>
      tpu.vector_store %arg8[%swap3A_564, %swap3A_565, %swap3A_566], %swap3A_569 {strides = array<i32>} : memref<2x256x128xf32, #tpu.memory_space<vmem>>, vector<1x256x128xf32>,
    }
    %get3A_189 = arith.constant 0 : index
    %get3A_190 = arith.constant 768 : index
    %get3A_191 = arith.constant 0 : index
    %get3A_192 = vector.load %arg5[%get3A_189, %get3A_190, %get3A_191] : memref<1x2048x1xi32, #tpu.memory_space<vmem>>, vector<1x256x1xi32>
    %get3A_193 = vector.shape_cast %get3A_192 : vector<1x256x1xi32> to vector<256x1xi32>
    %get3A_194 = arith.constant 0 : index
    %get3A_195 = arith.constant 768 : index
    %get3A_196 = arith.constant 0 : index
    %get3A_197 = vector.load %arg6[%get3A_194, %get3A_195, %get3A_196] : memref<1x2048x1xf32, #tpu.memory_space<vmem>>, vector<1x256x1xf32>
    %get3A_198 = vector.shape_cast %get3A_197 : vector<1x256x1xf32> to vector<256x1xf32>
    %get3A_199 = arith.constant 0 : index
    %get3A_200 = arith.constant 768 : index
    %get3A_201 = arith.constant 0 : index
    %get3A_202 = vector.load %arg4[%get3A_199, %get3A_200, %get3A_201] : memref<1x2048x1xf32, #tpu.memory_space<vmem>>, vector<1x256x1xf32>
    %get3A_203 = vector.shape_cast %get3A_202 : vector<1x256x1xf32> to vector<256x1xf32>
    %sub3A_204 = vector.broadcast %get3A_3 : f32 to vector<256x1xf32>
    %sub3A_205 = arith.subf %get3A_203, %sub3A_204 : vector<256x1xf32>
    %exp3A_206 = math.exp %sub3A_205 : vector<256x1xf32>
    %broadcast_in_dim3A_207 = vector.shape_cast %exp3A_206 : vector<256x1xf32> to vector<256x1xf32>
    %broadcast_in_dim3A_208 = vector.broadcast %broadcast_in_dim3A_207 : vector<256x1xf32> to vector<256x128xf32>
    %swap3A_209 = arith.constant 0 : index
    %swap3A_210 = arith.constant 0 : index
    %swap3A_211 = vector.load %arg10[%swap3A_209, %swap3A_210] : memref<256x128xf32, #tpu.memory_space<vmem>>, vector<256x128xf32>
    tpu.vector_store %arg10[%swap3A_209, %swap3A_210], %broadcast_in_dim3A_208 {strides = array<i32>} : memref<256x128xf32, #tpu.memory_space<vmem>>, vector<256x128xf32>,
    %broadcast_in_dim3A_212 = vector.shape_cast %get3A_193 : vector<256x1xi32> to vector<256x1xi32>
    %broadcast_in_dim3A_213 = vector.broadcast %broadcast_in_dim3A_212 : vector<256x1xi32> to vector<256x128xi32>
    %swap3A_214 = arith.constant 0 : index
    %swap3A_215 = arith.constant 0 : index
    %swap3A_216 = vector.load %arg11[%swap3A_214, %swap3A_215] : memref<256x128xi32, #tpu.memory_space<vmem>>, vector<256x128xi32>
    tpu.vector_store %arg11[%swap3A_214, %swap3A_215], %broadcast_in_dim3A_213 {strides = array<i32>} : memref<256x128xi32, #tpu.memory_space<vmem>>, vector<256x128xi32>,
    %broadcast_in_dim3A_217 = vector.shape_cast %get3A_198 : vector<256x1xf32> to vector<256x1xf32>
    %broadcast_in_dim3A_218 = vector.broadcast %broadcast_in_dim3A_217 : vector<256x1xf32> to vector<256x128xf32>
    %swap3A_219 = arith.constant 0 : index
    %swap3A_220 = arith.constant 0 : index
    %swap3A_221 = vector.load %arg12[%swap3A_219, %swap3A_220] : memref<256x128xf32, #tpu.memory_space<vmem>>, vector<256x128xf32>
    tpu.vector_store %arg12[%swap3A_219, %swap3A_220], %broadcast_in_dim3A_218 {strides = array<i32>} : memref<256x128xf32, #tpu.memory_space<vmem>>, vector<256x128xf32>,
    %get3A_222 = arith.index_cast %arg0 : i32 to index
    %get3A_223 = arith.constant 3 : index
    %get3A_224 = memref.load %arg1[%get3A_222, %get3A_223] : memref<16x16xi32, #tpu.memory_space<smem>>
    %get3A_225 = arith.index_cast %arg0 : i32 to index
    %get3A_226 = arith.constant 11 : index
    %get3A_227 = memref.load %arg1[%get3A_225, %get3A_226] : memref<16x16xi32, #tpu.memory_space<smem>>
    %while3A_228 = arith.constant 0 : i32
    %while3A_229 = arith.constant 0 : i32
    %while3A_230 = arith.subi %get3A_227, %while3A_229 : i32
    %while3A_231 = arith.addi %while3A_229, %while3A_230 : i32
    %while3A_232 = arith.constant 1 : i32
    %while3A_233 = arith.divsi %while3A_230, %while3A_232 : i32
    %while3A_234 = arith.muli %while3A_233, %while3A_232 : i32
    %while3A_235 = arith.addi %while3A_229, %while3A_234 : i32
    %while3A_236 = arith.constant 1 : i32
    scf.for %while3A_489 = %while3A_229 to %while3A_235 step %while3A_236  : i32 {
      %get3A_490 = arith.index_cast %while3A_489 : i32 to index
      %get3A_491 = arith.constant 0 : index
      %get3A_492 = arith.constant 0 : index
      %get3A_493 = vector.load %arg9[%get3A_490, %get3A_491, %get3A_492] : memref<4x1x512xf32, #tpu.memory_space<vmem>>, vector<1x1x512xf32>
      %get3A_494 = vector.shape_cast %get3A_493 : vector<1x1x512xf32> to vector<1x512xf32>
      %get3A_495 = arith.constant 0 : index
      %get3A_496 = arith.constant 0 : index
      %get3A_497 = vector.load %arg10[%get3A_495, %get3A_496] : memref<256x128xf32, #tpu.memory_space<vmem>>, vector<256x128xf32>
      %slice3A = vector.extract_strided_slice %get3A_494 {offsets = [0, 0], sizes = [1, 128], strides = [1, 1]} : vector<1x512xf32> to vector<1x128xf32>
      %add3A = vector.broadcast %slice3A : vector<1x128xf32> to vector<256x128xf32>
      %add3A_498 = arith.addf %get3A_497, %add3A : vector<256x128xf32>
      %slice3A_499 = vector.extract_strided_slice %get3A_494 {offsets = [0, 128], sizes = [1, 128], strides = [1, 1]} : vector<1x512xf32> to vector<1x128xf32>
      %add3A_500 = vector.broadcast %slice3A_499 : vector<1x128xf32> to vector<256x128xf32>
      %add3A_501 = arith.addf %get3A_497, %add3A_500 : vector<256x128xf32>
      %mul3A = arith.mulf %add3A_498, %add3A_501 : vector<256x128xf32>
      %slice3A_502 = vector.extract_strided_slice %get3A_494 {offsets = [0, 256], sizes = [1, 128], strides = [1, 1]} : vector<1x512xf32> to vector<1x128xf32>
      %add3A_503 = vector.broadcast %slice3A_502 : vector<1x128xf32> to vector<256x128xf32>
      %add3A_504 = arith.addf %get3A_497, %add3A_503 : vector<256x128xf32>
      %mul3A_505 = arith.mulf %mul3A, %add3A_504 : vector<256x128xf32>
      %slice3A_506 = vector.extract_strided_slice %get3A_494 {offsets = [0, 384], sizes = [1, 128], strides = [1, 1]} : vector<1x512xf32> to vector<1x128xf32>
      %add3A_507 = vector.broadcast %slice3A_506 : vector<1x128xf32> to vector<256x128xf32>
      %add3A_508 = arith.addf %get3A_497, %add3A_507 : vector<256x128xf32>
      %mul3A_509 = arith.mulf %mul3A_505, %add3A_508 : vector<256x128xf32>
      %and3A = arith.constant 1 : i32
      %and3A_510 = arith.andi %while3A_489, %and3A : i32
      %get3A_511 = arith.index_cast %and3A_510 : i32 to index
      %get3A_512 = arith.constant 0 : index
      %get3A_513 = arith.constant 0 : index
      %get3A_514 = vector.load %arg8[%get3A_511, %get3A_512, %get3A_513] : memref<2x256x128xf32, #tpu.memory_space<vmem>>, vector<1x256x128xf32>
      %get3A_515 = vector.shape_cast %get3A_514 : vector<1x256x128xf32> to vector<256x128xf32>
      %log3A = math.log %mul3A_509 : vector<256x128xf32>
      %get3A_516 = arith.constant 0 : index
      %get3A_517 = arith.constant 0 : index
      %get3A_518 = vector.load %arg12[%get3A_516, %get3A_517] : memref<256x128xf32, #tpu.memory_space<vmem>>, vector<256x128xf32>
      %mul3A_519 = arith.mulf %log3A, %get3A_518 : vector<256x128xf32>
      %add3A_520 = arith.addf %get3A_515, %mul3A_519 : vector<256x128xf32>
      %swap3A_521 = arith.index_cast %and3A_510 : i32 to index
      %swap3A_522 = arith.constant 0 : index
      %swap3A_523 = arith.constant 0 : index
      %swap3A_524 = vector.load %arg8[%swap3A_521, %swap3A_522, %swap3A_523] : memref<2x256x128xf32, #tpu.memory_space<vmem>>, vector<1x256x128xf32>
      %swap3A_525 = vector.shape_cast %swap3A_524 : vector<1x256x128xf32> to vector<256x128xf32>
      %swap3A_526 = vector.shape_cast %add3A_520 : vector<256x128xf32> to vector<1x256x128xf32>
      tpu.vector_store %arg8[%swap3A_521, %swap3A_522, %swap3A_523], %swap3A_526 {strides = array<i32>} : memref<2x256x128xf32, #tpu.memory_space<vmem>>, vector<1x256x128xf32>,
    }
    %while3A_237 = arith.constant 1 : i32
    scf.for %while3A_489 = %while3A_235 to %while3A_231 step %while3A_237  : i32 {
      %get3A_490 = arith.index_cast %while3A_489 : i32 to index
      %get3A_491 = arith.constant 0 : index
      %get3A_492 = arith.constant 0 : index
      %get3A_493 = vector.load %arg9[%get3A_490, %get3A_491, %get3A_492] : memref<4x1x512xf32, #tpu.memory_space<vmem>>, vector<1x1x512xf32>
      %get3A_494 = vector.shape_cast %get3A_493 : vector<1x1x512xf32> to vector<1x512xf32>
      %get3A_495 = arith.constant 0 : index
      %get3A_496 = arith.constant 0 : index
      %get3A_497 = vector.load %arg10[%get3A_495, %get3A_496] : memref<256x128xf32, #tpu.memory_space<vmem>>, vector<256x128xf32>
      %slice3A = vector.extract_strided_slice %get3A_494 {offsets = [0, 0], sizes = [1, 128], strides = [1, 1]} : vector<1x512xf32> to vector<1x128xf32>
      %add3A = vector.broadcast %slice3A : vector<1x128xf32> to vector<256x128xf32>
      %add3A_498 = arith.addf %get3A_497, %add3A : vector<256x128xf32>
      %slice3A_499 = vector.extract_strided_slice %get3A_494 {offsets = [0, 128], sizes = [1, 128], strides = [1, 1]} : vector<1x512xf32> to vector<1x128xf32>
      %add3A_500 = vector.broadcast %slice3A_499 : vector<1x128xf32> to vector<256x128xf32>
      %add3A_501 = arith.addf %get3A_497, %add3A_500 : vector<256x128xf32>
      %mul3A = arith.mulf %add3A_498, %add3A_501 : vector<256x128xf32>
      %slice3A_502 = vector.extract_strided_slice %get3A_494 {offsets = [0, 256], sizes = [1, 128], strides = [1, 1]} : vector<1x512xf32> to vector<1x128xf32>
      %add3A_503 = vector.broadcast %slice3A_502 : vector<1x128xf32> to vector<256x128xf32>
      %add3A_504 = arith.addf %get3A_497, %add3A_503 : vector<256x128xf32>
      %mul3A_505 = arith.mulf %mul3A, %add3A_504 : vector<256x128xf32>
      %slice3A_506 = vector.extract_strided_slice %get3A_494 {offsets = [0, 384], sizes = [1, 128], strides = [1, 1]} : vector<1x512xf32> to vector<1x128xf32>
      %add3A_507 = vector.broadcast %slice3A_506 : vector<1x128xf32> to vector<256x128xf32>
      %add3A_508 = arith.addf %get3A_497, %add3A_507 : vector<256x128xf32>
      %mul3A_509 = arith.mulf %mul3A_505, %add3A_508 : vector<256x128xf32>
      %and3A = arith.constant 1 : i32
      %and3A_510 = arith.andi %while3A_489, %and3A : i32
      %get3A_511 = arith.index_cast %and3A_510 : i32 to index
      %get3A_512 = arith.constant 0 : index
      %get3A_513 = arith.constant 0 : index
      %get3A_514 = vector.load %arg8[%get3A_511, %get3A_512, %get3A_513] : memref<2x256x128xf32, #tpu.memory_space<vmem>>, vector<1x256x128xf32>
      %get3A_515 = vector.shape_cast %get3A_514 : vector<1x256x128xf32> to vector<256x128xf32>
      %log3A = math.log %mul3A_509 : vector<256x128xf32>
      %get3A_516 = arith.constant 0 : index
      %get3A_517 = arith.constant 0 : index
      %get3A_518 = vector.load %arg12[%get3A_516, %get3A_517] : memref<256x128xf32, #tpu.memory_space<vmem>>, vector<256x128xf32>
      %mul3A_519 = arith.mulf %log3A, %get3A_518 : vector<256x128xf32>
      %add3A_520 = arith.addf %get3A_515, %mul3A_519 : vector<256x128xf32>
      %swap3A_521 = arith.index_cast %and3A_510 : i32 to index
      %swap3A_522 = arith.constant 0 : index
      %swap3A_523 = arith.constant 0 : index
      %swap3A_524 = vector.load %arg8[%swap3A_521, %swap3A_522, %swap3A_523] : memref<2x256x128xf32, #tpu.memory_space<vmem>>, vector<1x256x128xf32>
      %swap3A_525 = vector.shape_cast %swap3A_524 : vector<1x256x128xf32> to vector<256x128xf32>
      %swap3A_526 = vector.shape_cast %add3A_520 : vector<256x128xf32> to vector<1x256x128xf32>
      tpu.vector_store %arg8[%swap3A_521, %swap3A_522, %swap3A_523], %swap3A_526 {strides = array<i32>} : memref<2x256x128xf32, #tpu.memory_space<vmem>>, vector<1x256x128xf32>,
    }
    %while3A_238 = arith.constant 0 : i32
    %while3A_239 = arith.constant 1.000000e+00 : f32
    %while3A_240 = arith.subi %get3A_224, %get3A_227 : i32
    %while3A_241 = arith.addi %get3A_227, %while3A_240 : i32
    %while3A_242 = arith.constant 1 : i32
    %while3A_243 = arith.divsi %while3A_240, %while3A_242 : i32
    %while3A_244 = arith.muli %while3A_243, %while3A_242 : i32
    %while3A_245 = arith.addi %get3A_227, %while3A_244 : i32
    %while3A_246 = arith.constant 1 : i32
    scf.for %while3A_489 = %get3A_227 to %while3A_245 step %while3A_246  : i32 {
      %get3A_490 = arith.index_cast %while3A_489 : i32 to index
      %get3A_491 = arith.constant 0 : index
      %get3A_492 = arith.constant 0 : index
      %get3A_493 = vector.load %arg9[%get3A_490, %get3A_491, %get3A_492] : memref<4x1x512xf32, #tpu.memory_space<vmem>>, vector<1x1x512xf32>
      %get3A_494 = vector.shape_cast %get3A_493 : vector<1x1x512xf32> to vector<1x512xf32>
      %get3A_495 = arith.constant 0 : index
      %get3A_496 = arith.constant 0 : index
      %get3A_497 = vector.load %arg10[%get3A_495, %get3A_496] : memref<256x128xf32, #tpu.memory_space<vmem>>, vector<256x128xf32>
      %get3A_498 = arith.constant 0 : index
      %get3A_499 = arith.constant 0 : index
      %get3A_500 = vector.load %arg11[%get3A_498, %get3A_499] : memref<256x128xi32, #tpu.memory_space<vmem>>, vector<256x128xi32>
      %broadcast_in_dim3A_501 = vector.broadcast %while3A_239 : f32 to vector<256x128xf32>
      %slice3A = vector.extract_strided_slice %get3A_494 {offsets = [0, 0], sizes = [1, 128], strides = [1, 1]} : vector<1x512xf32> to vector<1x128xf32>
      %mul3A = arith.constant 512 : i32
      %mul3A_502 = arith.muli %while3A_489, %mul3A : i32
      %add3A = arith.constant 0 : i32
      %add3A_503 = arith.addi %mul3A_502, %add3A : i32
      %add3A_504 = vector.broadcast %add3A_503 : i32 to vector<1x128xi32>
      %add3A_505 = arith.addi %iota3A, %add3A_504 : vector<1x128xi32>
      %lt3A = vector.broadcast %add3A_505 : vector<1x128xi32> to vector<256x128xi32>
      %lt3A_506 = arith.cmpi slt, %lt3A, %get3A_500 : vector<256x128xi32>
      %add3A_507 = vector.broadcast %slice3A : vector<1x128xf32> to vector<256x128xf32>
      %add3A_508 = arith.addf %get3A_497, %add3A_507 : vector<256x128xf32>
      %broadcast_in_dim3A_509 = vector.broadcast %while3A_239 : f32 to vector<256x128xf32>
      %select_n3A = arith.select %lt3A_506, %add3A_508, %broadcast_in_dim3A_509 : vector<256x128xi1>, vector<256x128xf32>
      %mul3A_510 = arith.mulf %broadcast_in_dim3A_501, %select_n3A : vector<256x128xf32>
      %slice3A_511 = vector.extract_strided_slice %get3A_494 {offsets = [0, 128], sizes = [1, 128], strides = [1, 1]} : vector<1x512xf32> to vector<1x128xf32>
      %mul3A_512 = arith.constant 512 : i32
      %mul3A_513 = arith.muli %while3A_489, %mul3A_512 : i32
      %add3A_514 = arith.constant 128 : i32
      %add3A_515 = arith.addi %mul3A_513, %add3A_514 : i32
      %add3A_516 = vector.broadcast %add3A_515 : i32 to vector<1x128xi32>
      %add3A_517 = arith.addi %iota3A, %add3A_516 : vector<1x128xi32>
      %lt3A_518 = vector.broadcast %add3A_517 : vector<1x128xi32> to vector<256x128xi32>
      %lt3A_519 = arith.cmpi slt, %lt3A_518, %get3A_500 : vector<256x128xi32>
      %add3A_520 = vector.broadcast %slice3A_511 : vector<1x128xf32> to vector<256x128xf32>
      %add3A_521 = arith.addf %get3A_497, %add3A_520 : vector<256x128xf32>
      %broadcast_in_dim3A_522 = vector.broadcast %while3A_239 : f32 to vector<256x128xf32>
      %select_n3A_523 = arith.select %lt3A_519, %add3A_521, %broadcast_in_dim3A_522 : vector<256x128xi1>, vector<256x128xf32>
      %mul3A_524 = arith.mulf %mul3A_510, %select_n3A_523 : vector<256x128xf32>
      %slice3A_525 = vector.extract_strided_slice %get3A_494 {offsets = [0, 256], sizes = [1, 128], strides = [1, 1]} : vector<1x512xf32> to vector<1x128xf32>
      %mul3A_526 = arith.constant 512 : i32
      %mul3A_527 = arith.muli %while3A_489, %mul3A_526 : i32
      %add3A_528 = arith.constant 256 : i32
      %add3A_529 = arith.addi %mul3A_527, %add3A_528 : i32
      %add3A_530 = vector.broadcast %add3A_529 : i32 to vector<1x128xi32>
      %add3A_531 = arith.addi %iota3A, %add3A_530 : vector<1x128xi32>
      %lt3A_532 = vector.broadcast %add3A_531 : vector<1x128xi32> to vector<256x128xi32>
      %lt3A_533 = arith.cmpi slt, %lt3A_532, %get3A_500 : vector<256x128xi32>
      %add3A_534 = vector.broadcast %slice3A_525 : vector<1x128xf32> to vector<256x128xf32>
      %add3A_535 = arith.addf %get3A_497, %add3A_534 : vector<256x128xf32>
      %broadcast_in_dim3A_536 = vector.broadcast %while3A_239 : f32 to vector<256x128xf32>
      %select_n3A_537 = arith.select %lt3A_533, %add3A_535, %broadcast_in_dim3A_536 : vector<256x128xi1>, vector<256x128xf32>
      %mul3A_538 = arith.mulf %mul3A_524, %select_n3A_537 : vector<256x128xf32>
      %slice3A_539 = vector.extract_strided_slice %get3A_494 {offsets = [0, 384], sizes = [1, 128], strides = [1, 1]} : vector<1x512xf32> to vector<1x128xf32>
      %mul3A_540 = arith.constant 512 : i32
      %mul3A_541 = arith.muli %while3A_489, %mul3A_540 : i32
      %add3A_542 = arith.constant 384 : i32
      %add3A_543 = arith.addi %mul3A_541, %add3A_542 : i32
      %add3A_544 = vector.broadcast %add3A_543 : i32 to vector<1x128xi32>
      %add3A_545 = arith.addi %iota3A, %add3A_544 : vector<1x128xi32>
      %lt3A_546 = vector.broadcast %add3A_545 : vector<1x128xi32> to vector<256x128xi32>
      %lt3A_547 = arith.cmpi slt, %lt3A_546, %get3A_500 : vector<256x128xi32>
      %add3A_548 = vector.broadcast %slice3A_539 : vector<1x128xf32> to vector<256x128xf32>
      %add3A_549 = arith.addf %get3A_497, %add3A_548 : vector<256x128xf32>
      %broadcast_in_dim3A_550 = vector.broadcast %while3A_239 : f32 to vector<256x128xf32>
      %select_n3A_551 = arith.select %lt3A_547, %add3A_549, %broadcast_in_dim3A_550 : vector<256x128xi1>, vector<256x128xf32>
      %mul3A_552 = arith.mulf %mul3A_538, %select_n3A_551 : vector<256x128xf32>
      %and3A = arith.constant 1 : i32
      %and3A_553 = arith.andi %while3A_489, %and3A : i32
      %get3A_554 = arith.index_cast %and3A_553 : i32 to index
      %get3A_555 = arith.constant 0 : index
      %get3A_556 = arith.constant 0 : index
      %get3A_557 = vector.load %arg8[%get3A_554, %get3A_555, %get3A_556] : memref<2x256x128xf32, #tpu.memory_space<vmem>>, vector<1x256x128xf32>
      %get3A_558 = vector.shape_cast %get3A_557 : vector<1x256x128xf32> to vector<256x128xf32>
      %log3A = math.log %mul3A_552 : vector<256x128xf32>
      %get3A_559 = arith.constant 0 : index
      %get3A_560 = arith.constant 0 : index
      %get3A_561 = vector.load %arg12[%get3A_559, %get3A_560] : memref<256x128xf32, #tpu.memory_space<vmem>>, vector<256x128xf32>
      %mul3A_562 = arith.mulf %log3A, %get3A_561 : vector<256x128xf32>
      %add3A_563 = arith.addf %get3A_558, %mul3A_562 : vector<256x128xf32>
      %swap3A_564 = arith.index_cast %and3A_553 : i32 to index
      %swap3A_565 = arith.constant 0 : index
      %swap3A_566 = arith.constant 0 : index
      %swap3A_567 = vector.load %arg8[%swap3A_564, %swap3A_565, %swap3A_566] : memref<2x256x128xf32, #tpu.memory_space<vmem>>, vector<1x256x128xf32>
      %swap3A_568 = vector.shape_cast %swap3A_567 : vector<1x256x128xf32> to vector<256x128xf32>
      %swap3A_569 = vector.shape_cast %add3A_563 : vector<256x128xf32> to vector<1x256x128xf32>
      tpu.vector_store %arg8[%swap3A_564, %swap3A_565, %swap3A_566], %swap3A_569 {strides = array<i32>} : memref<2x256x128xf32, #tpu.memory_space<vmem>>, vector<1x256x128xf32>,
    }
    %while3A_247 = arith.constant 1 : i32
    scf.for %while3A_489 = %while3A_245 to %while3A_241 step %while3A_247  : i32 {
      %get3A_490 = arith.index_cast %while3A_489 : i32 to index
      %get3A_491 = arith.constant 0 : index
      %get3A_492 = arith.constant 0 : index
      %get3A_493 = vector.load %arg9[%get3A_490, %get3A_491, %get3A_492] : memref<4x1x512xf32, #tpu.memory_space<vmem>>, vector<1x1x512xf32>
      %get3A_494 = vector.shape_cast %get3A_493 : vector<1x1x512xf32> to vector<1x512xf32>
      %get3A_495 = arith.constant 0 : index
      %get3A_496 = arith.constant 0 : index
      %get3A_497 = vector.load %arg10[%get3A_495, %get3A_496] : memref<256x128xf32, #tpu.memory_space<vmem>>, vector<256x128xf32>
      %get3A_498 = arith.constant 0 : index
      %get3A_499 = arith.constant 0 : index
      %get3A_500 = vector.load %arg11[%get3A_498, %get3A_499] : memref<256x128xi32, #tpu.memory_space<vmem>>, vector<256x128xi32>
      %broadcast_in_dim3A_501 = vector.broadcast %while3A_239 : f32 to vector<256x128xf32>
      %slice3A = vector.extract_strided_slice %get3A_494 {offsets = [0, 0], sizes = [1, 128], strides = [1, 1]} : vector<1x512xf32> to vector<1x128xf32>
      %mul3A = arith.constant 512 : i32
      %mul3A_502 = arith.muli %while3A_489, %mul3A : i32
      %add3A = arith.constant 0 : i32
      %add3A_503 = arith.addi %mul3A_502, %add3A : i32
      %add3A_504 = vector.broadcast %add3A_503 : i32 to vector<1x128xi32>
      %add3A_505 = arith.addi %iota3A, %add3A_504 : vector<1x128xi32>
      %lt3A = vector.broadcast %add3A_505 : vector<1x128xi32> to vector<256x128xi32>
      %lt3A_506 = arith.cmpi slt, %lt3A, %get3A_500 : vector<256x128xi32>
      %add3A_507 = vector.broadcast %slice3A : vector<1x128xf32> to vector<256x128xf32>
      %add3A_508 = arith.addf %get3A_497, %add3A_507 : vector<256x128xf32>
      %broadcast_in_dim3A_509 = vector.broadcast %while3A_239 : f32 to vector<256x128xf32>
      %select_n3A = arith.select %lt3A_506, %add3A_508, %broadcast_in_dim3A_509 : vector<256x128xi1>, vector<256x128xf32>
      %mul3A_510 = arith.mulf %broadcast_in_dim3A_501, %select_n3A : vector<256x128xf32>
      %slice3A_511 = vector.extract_strided_slice %get3A_494 {offsets = [0, 128], sizes = [1, 128], strides = [1, 1]} : vector<1x512xf32> to vector<1x128xf32>
      %mul3A_512 = arith.constant 512 : i32
      %mul3A_513 = arith.muli %while3A_489, %mul3A_512 : i32
      %add3A_514 = arith.constant 128 : i32
      %add3A_515 = arith.addi %mul3A_513, %add3A_514 : i32
      %add3A_516 = vector.broadcast %add3A_515 : i32 to vector<1x128xi32>
      %add3A_517 = arith.addi %iota3A, %add3A_516 : vector<1x128xi32>
      %lt3A_518 = vector.broadcast %add3A_517 : vector<1x128xi32> to vector<256x128xi32>
      %lt3A_519 = arith.cmpi slt, %lt3A_518, %get3A_500 : vector<256x128xi32>
      %add3A_520 = vector.broadcast %slice3A_511 : vector<1x128xf32> to vector<256x128xf32>
      %add3A_521 = arith.addf %get3A_497, %add3A_520 : vector<256x128xf32>
      %broadcast_in_dim3A_522 = vector.broadcast %while3A_239 : f32 to vector<256x128xf32>
      %select_n3A_523 = arith.select %lt3A_519, %add3A_521, %broadcast_in_dim3A_522 : vector<256x128xi1>, vector<256x128xf32>
      %mul3A_524 = arith.mulf %mul3A_510, %select_n3A_523 : vector<256x128xf32>
      %slice3A_525 = vector.extract_strided_slice %get3A_494 {offsets = [0, 256], sizes = [1, 128], strides = [1, 1]} : vector<1x512xf32> to vector<1x128xf32>
      %mul3A_526 = arith.constant 512 : i32
      %mul3A_527 = arith.muli %while3A_489, %mul3A_526 : i32
      %add3A_528 = arith.constant 256 : i32
      %add3A_529 = arith.addi %mul3A_527, %add3A_528 : i32
      %add3A_530 = vector.broadcast %add3A_529 : i32 to vector<1x128xi32>
      %add3A_531 = arith.addi %iota3A, %add3A_530 : vector<1x128xi32>
      %lt3A_532 = vector.broadcast %add3A_531 : vector<1x128xi32> to vector<256x128xi32>
      %lt3A_533 = arith.cmpi slt, %lt3A_532, %get3A_500 : vector<256x128xi32>
      %add3A_534 = vector.broadcast %slice3A_525 : vector<1x128xf32> to vector<256x128xf32>
      %add3A_535 = arith.addf %get3A_497, %add3A_534 : vector<256x128xf32>
      %broadcast_in_dim3A_536 = vector.broadcast %while3A_239 : f32 to vector<256x128xf32>
      %select_n3A_537 = arith.select %lt3A_533, %add3A_535, %broadcast_in_dim3A_536 : vector<256x128xi1>, vector<256x128xf32>
      %mul3A_538 = arith.mulf %mul3A_524, %select_n3A_537 : vector<256x128xf32>
      %slice3A_539 = vector.extract_strided_slice %get3A_494 {offsets = [0, 384], sizes = [1, 128], strides = [1, 1]} : vector<1x512xf32> to vector<1x128xf32>
      %mul3A_540 = arith.constant 512 : i32
      %mul3A_541 = arith.muli %while3A_489, %mul3A_540 : i32
      %add3A_542 = arith.constant 384 : i32
      %add3A_543 = arith.addi %mul3A_541, %add3A_542 : i32
      %add3A_544 = vector.broadcast %add3A_543 : i32 to vector<1x128xi32>
      %add3A_545 = arith.addi %iota3A, %add3A_544 : vector<1x128xi32>
      %lt3A_546 = vector.broadcast %add3A_545 : vector<1x128xi32> to vector<256x128xi32>
      %lt3A_547 = arith.cmpi slt, %lt3A_546, %get3A_500 : vector<256x128xi32>
      %add3A_548 = vector.broadcast %slice3A_539 : vector<1x128xf32> to vector<256x128xf32>
      %add3A_549 = arith.addf %get3A_497, %add3A_548 : vector<256x128xf32>
      %broadcast_in_dim3A_550 = vector.broadcast %while3A_239 : f32 to vector<256x128xf32>
      %select_n3A_551 = arith.select %lt3A_547, %add3A_549, %broadcast_in_dim3A_550 : vector<256x128xi1>, vector<256x128xf32>
      %mul3A_552 = arith.mulf %mul3A_538, %select_n3A_551 : vector<256x128xf32>
      %and3A = arith.constant 1 : i32
      %and3A_553 = arith.andi %while3A_489, %and3A : i32
      %get3A_554 = arith.index_cast %and3A_553 : i32 to index
      %get3A_555 = arith.constant 0 : index
      %get3A_556 = arith.constant 0 : index
      %get3A_557 = vector.load %arg8[%get3A_554, %get3A_555, %get3A_556] : memref<2x256x128xf32, #tpu.memory_space<vmem>>, vector<1x256x128xf32>
      %get3A_558 = vector.shape_cast %get3A_557 : vector<1x256x128xf32> to vector<256x128xf32>
      %log3A = math.log %mul3A_552 : vector<256x128xf32>
      %get3A_559 = arith.constant 0 : index
      %get3A_560 = arith.constant 0 : index
      %get3A_561 = vector.load %arg12[%get3A_559, %get3A_560] : memref<256x128xf32, #tpu.memory_space<vmem>>, vector<256x128xf32>
      %mul3A_562 = arith.mulf %log3A, %get3A_561 : vector<256x128xf32>
      %add3A_563 = arith.addf %get3A_558, %mul3A_562 : vector<256x128xf32>
      %swap3A_564 = arith.index_cast %and3A_553 : i32 to index
      %swap3A_565 = arith.constant 0 : index
      %swap3A_566 = arith.constant 0 : index
      %swap3A_567 = vector.load %arg8[%swap3A_564, %swap3A_565, %swap3A_566] : memref<2x256x128xf32, #tpu.memory_space<vmem>>, vector<1x256x128xf32>
      %swap3A_568 = vector.shape_cast %swap3A_567 : vector<1x256x128xf32> to vector<256x128xf32>
      %swap3A_569 = vector.shape_cast %add3A_563 : vector<256x128xf32> to vector<1x256x128xf32>
      tpu.vector_store %arg8[%swap3A_564, %swap3A_565, %swap3A_566], %swap3A_569 {strides = array<i32>} : memref<2x256x128xf32, #tpu.memory_space<vmem>>, vector<1x256x128xf32>,
    }
    %get3A_248 = arith.constant 0 : index
    %get3A_249 = arith.constant 1024 : index
    %get3A_250 = arith.constant 0 : index
    %get3A_251 = vector.load %arg5[%get3A_248, %get3A_249, %get3A_250] : memref<1x2048x1xi32, #tpu.memory_space<vmem>>, vector<1x256x1xi32>
    %get3A_252 = vector.shape_cast %get3A_251 : vector<1x256x1xi32> to vector<256x1xi32>
    %get3A_253 = arith.constant 0 : index
    %get3A_254 = arith.constant 1024 : index
    %get3A_255 = arith.constant 0 : index
    %get3A_256 = vector.load %arg6[%get3A_253, %get3A_254, %get3A_255] : memref<1x2048x1xf32, #tpu.memory_space<vmem>>, vector<1x256x1xf32>
    %get3A_257 = vector.shape_cast %get3A_256 : vector<1x256x1xf32> to vector<256x1xf32>
    %get3A_258 = arith.constant 0 : index
    %get3A_259 = arith.constant 1024 : index
    %get3A_260 = arith.constant 0 : index
    %get3A_261 = vector.load %arg4[%get3A_258, %get3A_259, %get3A_260] : memref<1x2048x1xf32, #tpu.memory_space<vmem>>, vector<1x256x1xf32>
    %get3A_262 = vector.shape_cast %get3A_261 : vector<1x256x1xf32> to vector<256x1xf32>
    %sub3A_263 = vector.broadcast %get3A_3 : f32 to vector<256x1xf32>
    %sub3A_264 = arith.subf %get3A_262, %sub3A_263 : vector<256x1xf32>
    %exp3A_265 = math.exp %sub3A_264 : vector<256x1xf32>
    %broadcast_in_dim3A_266 = vector.shape_cast %exp3A_265 : vector<256x1xf32> to vector<256x1xf32>
    %broadcast_in_dim3A_267 = vector.broadcast %broadcast_in_dim3A_266 : vector<256x1xf32> to vector<256x128xf32>
    %swap3A_268 = arith.constant 0 : index
    %swap3A_269 = arith.constant 0 : index
    %swap3A_270 = vector.load %arg10[%swap3A_268, %swap3A_269] : memref<256x128xf32, #tpu.memory_space<vmem>>, vector<256x128xf32>
    tpu.vector_store %arg10[%swap3A_268, %swap3A_269], %broadcast_in_dim3A_267 {strides = array<i32>} : memref<256x128xf32, #tpu.memory_space<vmem>>, vector<256x128xf32>,
    %broadcast_in_dim3A_271 = vector.shape_cast %get3A_252 : vector<256x1xi32> to vector<256x1xi32>
    %broadcast_in_dim3A_272 = vector.broadcast %broadcast_in_dim3A_271 : vector<256x1xi32> to vector<256x128xi32>
    %swap3A_273 = arith.constant 0 : index
    %swap3A_274 = arith.constant 0 : index
    %swap3A_275 = vector.load %arg11[%swap3A_273, %swap3A_274] : memref<256x128xi32, #tpu.memory_space<vmem>>, vector<256x128xi32>
    tpu.vector_store %arg11[%swap3A_273, %swap3A_274], %broadcast_in_dim3A_272 {strides = array<i32>} : memref<256x128xi32, #tpu.memory_space<vmem>>, vector<256x128xi32>,
    %broadcast_in_dim3A_276 = vector.shape_cast %get3A_257 : vector<256x1xf32> to vector<256x1xf32>
    %broadcast_in_dim3A_277 = vector.broadcast %broadcast_in_dim3A_276 : vector<256x1xf32> to vector<256x128xf32>
    %swap3A_278 = arith.constant 0 : index
    %swap3A_279 = arith.constant 0 : index
    %swap3A_280 = vector.load %arg12[%swap3A_278, %swap3A_279] : memref<256x128xf32, #tpu.memory_space<vmem>>, vector<256x128xf32>
    tpu.vector_store %arg12[%swap3A_278, %swap3A_279], %broadcast_in_dim3A_277 {strides = array<i32>} : memref<256x128xf32, #tpu.memory_space<vmem>>, vector<256x128xf32>,
    %get3A_281 = arith.index_cast %arg0 : i32 to index
    %get3A_282 = arith.constant 4 : index
    %get3A_283 = memref.load %arg1[%get3A_281, %get3A_282] : memref<16x16xi32, #tpu.memory_space<smem>>
    %get3A_284 = arith.index_cast %arg0 : i32 to index
    %get3A_285 = arith.constant 12 : index
    %get3A_286 = memref.load %arg1[%get3A_284, %get3A_285] : memref<16x16xi32, #tpu.memory_space<smem>>
    %while3A_287 = arith.constant 0 : i32
    %while3A_288 = arith.constant 0 : i32
    %while3A_289 = arith.subi %get3A_286, %while3A_288 : i32
    %while3A_290 = arith.addi %while3A_288, %while3A_289 : i32
    %while3A_291 = arith.constant 1 : i32
    %while3A_292 = arith.divsi %while3A_289, %while3A_291 : i32
    %while3A_293 = arith.muli %while3A_292, %while3A_291 : i32
    %while3A_294 = arith.addi %while3A_288, %while3A_293 : i32
    %while3A_295 = arith.constant 1 : i32
    scf.for %while3A_489 = %while3A_288 to %while3A_294 step %while3A_295  : i32 {
      %get3A_490 = arith.index_cast %while3A_489 : i32 to index
      %get3A_491 = arith.constant 0 : index
      %get3A_492 = arith.constant 0 : index
      %get3A_493 = vector.load %arg9[%get3A_490, %get3A_491, %get3A_492] : memref<4x1x512xf32, #tpu.memory_space<vmem>>, vector<1x1x512xf32>
      %get3A_494 = vector.shape_cast %get3A_493 : vector<1x1x512xf32> to vector<1x512xf32>
      %get3A_495 = arith.constant 0 : index
      %get3A_496 = arith.constant 0 : index
      %get3A_497 = vector.load %arg10[%get3A_495, %get3A_496] : memref<256x128xf32, #tpu.memory_space<vmem>>, vector<256x128xf32>
      %slice3A = vector.extract_strided_slice %get3A_494 {offsets = [0, 0], sizes = [1, 128], strides = [1, 1]} : vector<1x512xf32> to vector<1x128xf32>
      %add3A = vector.broadcast %slice3A : vector<1x128xf32> to vector<256x128xf32>
      %add3A_498 = arith.addf %get3A_497, %add3A : vector<256x128xf32>
      %slice3A_499 = vector.extract_strided_slice %get3A_494 {offsets = [0, 128], sizes = [1, 128], strides = [1, 1]} : vector<1x512xf32> to vector<1x128xf32>
      %add3A_500 = vector.broadcast %slice3A_499 : vector<1x128xf32> to vector<256x128xf32>
      %add3A_501 = arith.addf %get3A_497, %add3A_500 : vector<256x128xf32>
      %mul3A = arith.mulf %add3A_498, %add3A_501 : vector<256x128xf32>
      %slice3A_502 = vector.extract_strided_slice %get3A_494 {offsets = [0, 256], sizes = [1, 128], strides = [1, 1]} : vector<1x512xf32> to vector<1x128xf32>
      %add3A_503 = vector.broadcast %slice3A_502 : vector<1x128xf32> to vector<256x128xf32>
      %add3A_504 = arith.addf %get3A_497, %add3A_503 : vector<256x128xf32>
      %mul3A_505 = arith.mulf %mul3A, %add3A_504 : vector<256x128xf32>
      %slice3A_506 = vector.extract_strided_slice %get3A_494 {offsets = [0, 384], sizes = [1, 128], strides = [1, 1]} : vector<1x512xf32> to vector<1x128xf32>
      %add3A_507 = vector.broadcast %slice3A_506 : vector<1x128xf32> to vector<256x128xf32>
      %add3A_508 = arith.addf %get3A_497, %add3A_507 : vector<256x128xf32>
      %mul3A_509 = arith.mulf %mul3A_505, %add3A_508 : vector<256x128xf32>
      %and3A = arith.constant 1 : i32
      %and3A_510 = arith.andi %while3A_489, %and3A : i32
      %get3A_511 = arith.index_cast %and3A_510 : i32 to index
      %get3A_512 = arith.constant 0 : index
      %get3A_513 = arith.constant 0 : index
      %get3A_514 = vector.load %arg8[%get3A_511, %get3A_512, %get3A_513] : memref<2x256x128xf32, #tpu.memory_space<vmem>>, vector<1x256x128xf32>
      %get3A_515 = vector.shape_cast %get3A_514 : vector<1x256x128xf32> to vector<256x128xf32>
      %log3A = math.log %mul3A_509 : vector<256x128xf32>
      %get3A_516 = arith.constant 0 : index
      %get3A_517 = arith.constant 0 : index
      %get3A_518 = vector.load %arg12[%get3A_516, %get3A_517] : memref<256x128xf32, #tpu.memory_space<vmem>>, vector<256x128xf32>
      %mul3A_519 = arith.mulf %log3A, %get3A_518 : vector<256x128xf32>
      %add3A_520 = arith.addf %get3A_515, %mul3A_519 : vector<256x128xf32>
      %swap3A_521 = arith.index_cast %and3A_510 : i32 to index
      %swap3A_522 = arith.constant 0 : index
      %swap3A_523 = arith.constant 0 : index
      %swap3A_524 = vector.load %arg8[%swap3A_521, %swap3A_522, %swap3A_523] : memref<2x256x128xf32, #tpu.memory_space<vmem>>, vector<1x256x128xf32>
      %swap3A_525 = vector.shape_cast %swap3A_524 : vector<1x256x128xf32> to vector<256x128xf32>
      %swap3A_526 = vector.shape_cast %add3A_520 : vector<256x128xf32> to vector<1x256x128xf32>
      tpu.vector_store %arg8[%swap3A_521, %swap3A_522, %swap3A_523], %swap3A_526 {strides = array<i32>} : memref<2x256x128xf32, #tpu.memory_space<vmem>>, vector<1x256x128xf32>,
    }
    %while3A_296 = arith.constant 1 : i32
    scf.for %while3A_489 = %while3A_294 to %while3A_290 step %while3A_296  : i32 {
      %get3A_490 = arith.index_cast %while3A_489 : i32 to index
      %get3A_491 = arith.constant 0 : index
      %get3A_492 = arith.constant 0 : index
      %get3A_493 = vector.load %arg9[%get3A_490, %get3A_491, %get3A_492] : memref<4x1x512xf32, #tpu.memory_space<vmem>>, vector<1x1x512xf32>
      %get3A_494 = vector.shape_cast %get3A_493 : vector<1x1x512xf32> to vector<1x512xf32>
      %get3A_495 = arith.constant 0 : index
      %get3A_496 = arith.constant 0 : index
      %get3A_497 = vector.load %arg10[%get3A_495, %get3A_496] : memref<256x128xf32, #tpu.memory_space<vmem>>, vector<256x128xf32>
      %slice3A = vector.extract_strided_slice %get3A_494 {offsets = [0, 0], sizes = [1, 128], strides = [1, 1]} : vector<1x512xf32> to vector<1x128xf32>
      %add3A = vector.broadcast %slice3A : vector<1x128xf32> to vector<256x128xf32>
      %add3A_498 = arith.addf %get3A_497, %add3A : vector<256x128xf32>
      %slice3A_499 = vector.extract_strided_slice %get3A_494 {offsets = [0, 128], sizes = [1, 128], strides = [1, 1]} : vector<1x512xf32> to vector<1x128xf32>
      %add3A_500 = vector.broadcast %slice3A_499 : vector<1x128xf32> to vector<256x128xf32>
      %add3A_501 = arith.addf %get3A_497, %add3A_500 : vector<256x128xf32>
      %mul3A = arith.mulf %add3A_498, %add3A_501 : vector<256x128xf32>
      %slice3A_502 = vector.extract_strided_slice %get3A_494 {offsets = [0, 256], sizes = [1, 128], strides = [1, 1]} : vector<1x512xf32> to vector<1x128xf32>
      %add3A_503 = vector.broadcast %slice3A_502 : vector<1x128xf32> to vector<256x128xf32>
      %add3A_504 = arith.addf %get3A_497, %add3A_503 : vector<256x128xf32>
      %mul3A_505 = arith.mulf %mul3A, %add3A_504 : vector<256x128xf32>
      %slice3A_506 = vector.extract_strided_slice %get3A_494 {offsets = [0, 384], sizes = [1, 128], strides = [1, 1]} : vector<1x512xf32> to vector<1x128xf32>
      %add3A_507 = vector.broadcast %slice3A_506 : vector<1x128xf32> to vector<256x128xf32>
      %add3A_508 = arith.addf %get3A_497, %add3A_507 : vector<256x128xf32>
      %mul3A_509 = arith.mulf %mul3A_505, %add3A_508 : vector<256x128xf32>
      %and3A = arith.constant 1 : i32
      %and3A_510 = arith.andi %while3A_489, %and3A : i32
      %get3A_511 = arith.index_cast %and3A_510 : i32 to index
      %get3A_512 = arith.constant 0 : index
      %get3A_513 = arith.constant 0 : index
      %get3A_514 = vector.load %arg8[%get3A_511, %get3A_512, %get3A_513] : memref<2x256x128xf32, #tpu.memory_space<vmem>>, vector<1x256x128xf32>
      %get3A_515 = vector.shape_cast %get3A_514 : vector<1x256x128xf32> to vector<256x128xf32>
      %log3A = math.log %mul3A_509 : vector<256x128xf32>
      %get3A_516 = arith.constant 0 : index
      %get3A_517 = arith.constant 0 : index
      %get3A_518 = vector.load %arg12[%get3A_516, %get3A_517] : memref<256x128xf32, #tpu.memory_space<vmem>>, vector<256x128xf32>
      %mul3A_519 = arith.mulf %log3A, %get3A_518 : vector<256x128xf32>
      %add3A_520 = arith.addf %get3A_515, %mul3A_519 : vector<256x128xf32>
      %swap3A_521 = arith.index_cast %and3A_510 : i32 to index
      %swap3A_522 = arith.constant 0 : index
      %swap3A_523 = arith.constant 0 : index
      %swap3A_524 = vector.load %arg8[%swap3A_521, %swap3A_522, %swap3A_523] : memref<2x256x128xf32, #tpu.memory_space<vmem>>, vector<1x256x128xf32>
      %swap3A_525 = vector.shape_cast %swap3A_524 : vector<1x256x128xf32> to vector<256x128xf32>
      %swap3A_526 = vector.shape_cast %add3A_520 : vector<256x128xf32> to vector<1x256x128xf32>
      tpu.vector_store %arg8[%swap3A_521, %swap3A_522, %swap3A_523], %swap3A_526 {strides = array<i32>} : memref<2x256x128xf32, #tpu.memory_space<vmem>>, vector<1x256x128xf32>,
    }
    %while3A_297 = arith.constant 0 : i32
    %while3A_298 = arith.constant 1.000000e+00 : f32
    %while3A_299 = arith.subi %get3A_283, %get3A_286 : i32
    %while3A_300 = arith.addi %get3A_286, %while3A_299 : i32
    %while3A_301 = arith.constant 1 : i32
    %while3A_302 = arith.divsi %while3A_299, %while3A_301 : i32
    %while3A_303 = arith.muli %while3A_302, %while3A_301 : i32
    %while3A_304 = arith.addi %get3A_286, %while3A_303 : i32
    %while3A_305 = arith.constant 1 : i32
    scf.for %while3A_489 = %get3A_286 to %while3A_304 step %while3A_305  : i32 {
      %get3A_490 = arith.index_cast %while3A_489 : i32 to index
      %get3A_491 = arith.constant 0 : index
      %get3A_492 = arith.constant 0 : index
      %get3A_493 = vector.load %arg9[%get3A_490, %get3A_491, %get3A_492] : memref<4x1x512xf32, #tpu.memory_space<vmem>>, vector<1x1x512xf32>
      %get3A_494 = vector.shape_cast %get3A_493 : vector<1x1x512xf32> to vector<1x512xf32>
      %get3A_495 = arith.constant 0 : index
      %get3A_496 = arith.constant 0 : index
      %get3A_497 = vector.load %arg10[%get3A_495, %get3A_496] : memref<256x128xf32, #tpu.memory_space<vmem>>, vector<256x128xf32>
      %get3A_498 = arith.constant 0 : index
      %get3A_499 = arith.constant 0 : index
      %get3A_500 = vector.load %arg11[%get3A_498, %get3A_499] : memref<256x128xi32, #tpu.memory_space<vmem>>, vector<256x128xi32>
      %broadcast_in_dim3A_501 = vector.broadcast %while3A_298 : f32 to vector<256x128xf32>
      %slice3A = vector.extract_strided_slice %get3A_494 {offsets = [0, 0], sizes = [1, 128], strides = [1, 1]} : vector<1x512xf32> to vector<1x128xf32>
      %mul3A = arith.constant 512 : i32
      %mul3A_502 = arith.muli %while3A_489, %mul3A : i32
      %add3A = arith.constant 0 : i32
      %add3A_503 = arith.addi %mul3A_502, %add3A : i32
      %add3A_504 = vector.broadcast %add3A_503 : i32 to vector<1x128xi32>
      %add3A_505 = arith.addi %iota3A, %add3A_504 : vector<1x128xi32>
      %lt3A = vector.broadcast %add3A_505 : vector<1x128xi32> to vector<256x128xi32>
      %lt3A_506 = arith.cmpi slt, %lt3A, %get3A_500 : vector<256x128xi32>
      %add3A_507 = vector.broadcast %slice3A : vector<1x128xf32> to vector<256x128xf32>
      %add3A_508 = arith.addf %get3A_497, %add3A_507 : vector<256x128xf32>
      %broadcast_in_dim3A_509 = vector.broadcast %while3A_298 : f32 to vector<256x128xf32>
      %select_n3A = arith.select %lt3A_506, %add3A_508, %broadcast_in_dim3A_509 : vector<256x128xi1>, vector<256x128xf32>
      %mul3A_510 = arith.mulf %broadcast_in_dim3A_501, %select_n3A : vector<256x128xf32>
      %slice3A_511 = vector.extract_strided_slice %get3A_494 {offsets = [0, 128], sizes = [1, 128], strides = [1, 1]} : vector<1x512xf32> to vector<1x128xf32>
      %mul3A_512 = arith.constant 512 : i32
      %mul3A_513 = arith.muli %while3A_489, %mul3A_512 : i32
      %add3A_514 = arith.constant 128 : i32
      %add3A_515 = arith.addi %mul3A_513, %add3A_514 : i32
      %add3A_516 = vector.broadcast %add3A_515 : i32 to vector<1x128xi32>
      %add3A_517 = arith.addi %iota3A, %add3A_516 : vector<1x128xi32>
      %lt3A_518 = vector.broadcast %add3A_517 : vector<1x128xi32> to vector<256x128xi32>
      %lt3A_519 = arith.cmpi slt, %lt3A_518, %get3A_500 : vector<256x128xi32>
      %add3A_520 = vector.broadcast %slice3A_511 : vector<1x128xf32> to vector<256x128xf32>
      %add3A_521 = arith.addf %get3A_497, %add3A_520 : vector<256x128xf32>
      %broadcast_in_dim3A_522 = vector.broadcast %while3A_298 : f32 to vector<256x128xf32>
      %select_n3A_523 = arith.select %lt3A_519, %add3A_521, %broadcast_in_dim3A_522 : vector<256x128xi1>, vector<256x128xf32>
      %mul3A_524 = arith.mulf %mul3A_510, %select_n3A_523 : vector<256x128xf32>
      %slice3A_525 = vector.extract_strided_slice %get3A_494 {offsets = [0, 256], sizes = [1, 128], strides = [1, 1]} : vector<1x512xf32> to vector<1x128xf32>
      %mul3A_526 = arith.constant 512 : i32
      %mul3A_527 = arith.muli %while3A_489, %mul3A_526 : i32
      %add3A_528 = arith.constant 256 : i32
      %add3A_529 = arith.addi %mul3A_527, %add3A_528 : i32
      %add3A_530 = vector.broadcast %add3A_529 : i32 to vector<1x128xi32>
      %add3A_531 = arith.addi %iota3A, %add3A_530 : vector<1x128xi32>
      %lt3A_532 = vector.broadcast %add3A_531 : vector<1x128xi32> to vector<256x128xi32>
      %lt3A_533 = arith.cmpi slt, %lt3A_532, %get3A_500 : vector<256x128xi32>
      %add3A_534 = vector.broadcast %slice3A_525 : vector<1x128xf32> to vector<256x128xf32>
      %add3A_535 = arith.addf %get3A_497, %add3A_534 : vector<256x128xf32>
      %broadcast_in_dim3A_536 = vector.broadcast %while3A_298 : f32 to vector<256x128xf32>
      %select_n3A_537 = arith.select %lt3A_533, %add3A_535, %broadcast_in_dim3A_536 : vector<256x128xi1>, vector<256x128xf32>
      %mul3A_538 = arith.mulf %mul3A_524, %select_n3A_537 : vector<256x128xf32>
      %slice3A_539 = vector.extract_strided_slice %get3A_494 {offsets = [0, 384], sizes = [1, 128], strides = [1, 1]} : vector<1x512xf32> to vector<1x128xf32>
      %mul3A_540 = arith.constant 512 : i32
      %mul3A_541 = arith.muli %while3A_489, %mul3A_540 : i32
      %add3A_542 = arith.constant 384 : i32
      %add3A_543 = arith.addi %mul3A_541, %add3A_542 : i32
      %add3A_544 = vector.broadcast %add3A_543 : i32 to vector<1x128xi32>
      %add3A_545 = arith.addi %iota3A, %add3A_544 : vector<1x128xi32>
      %lt3A_546 = vector.broadcast %add3A_545 : vector<1x128xi32> to vector<256x128xi32>
      %lt3A_547 = arith.cmpi slt, %lt3A_546, %get3A_500 : vector<256x128xi32>
      %add3A_548 = vector.broadcast %slice3A_539 : vector<1x128xf32> to vector<256x128xf32>
      %add3A_549 = arith.addf %get3A_497, %add3A_548 : vector<256x128xf32>
      %broadcast_in_dim3A_550 = vector.broadcast %while3A_298 : f32 to vector<256x128xf32>
      %select_n3A_551 = arith.select %lt3A_547, %add3A_549, %broadcast_in_dim3A_550 : vector<256x128xi1>, vector<256x128xf32>
      %mul3A_552 = arith.mulf %mul3A_538, %select_n3A_551 : vector<256x128xf32>
      %and3A = arith.constant 1 : i32
      %and3A_553 = arith.andi %while3A_489, %and3A : i32
      %get3A_554 = arith.index_cast %and3A_553 : i32 to index
      %get3A_555 = arith.constant 0 : index
      %get3A_556 = arith.constant 0 : index
      %get3A_557 = vector.load %arg8[%get3A_554, %get3A_555, %get3A_556] : memref<2x256x128xf32, #tpu.memory_space<vmem>>, vector<1x256x128xf32>
      %get3A_558 = vector.shape_cast %get3A_557 : vector<1x256x128xf32> to vector<256x128xf32>
      %log3A = math.log %mul3A_552 : vector<256x128xf32>
      %get3A_559 = arith.constant 0 : index
      %get3A_560 = arith.constant 0 : index
      %get3A_561 = vector.load %arg12[%get3A_559, %get3A_560] : memref<256x128xf32, #tpu.memory_space<vmem>>, vector<256x128xf32>
      %mul3A_562 = arith.mulf %log3A, %get3A_561 : vector<256x128xf32>
      %add3A_563 = arith.addf %get3A_558, %mul3A_562 : vector<256x128xf32>
      %swap3A_564 = arith.index_cast %and3A_553 : i32 to index
      %swap3A_565 = arith.constant 0 : index
      %swap3A_566 = arith.constant 0 : index
      %swap3A_567 = vector.load %arg8[%swap3A_564, %swap3A_565, %swap3A_566] : memref<2x256x128xf32, #tpu.memory_space<vmem>>, vector<1x256x128xf32>
      %swap3A_568 = vector.shape_cast %swap3A_567 : vector<1x256x128xf32> to vector<256x128xf32>
      %swap3A_569 = vector.shape_cast %add3A_563 : vector<256x128xf32> to vector<1x256x128xf32>
      tpu.vector_store %arg8[%swap3A_564, %swap3A_565, %swap3A_566], %swap3A_569 {strides = array<i32>} : memref<2x256x128xf32, #tpu.memory_space<vmem>>, vector<1x256x128xf32>,
    }
    %while3A_306 = arith.constant 1 : i32
    scf.for %while3A_489 = %while3A_304 to %while3A_300 step %while3A_306  : i32 {
      %get3A_490 = arith.index_cast %while3A_489 : i32 to index
      %get3A_491 = arith.constant 0 : index
      %get3A_492 = arith.constant 0 : index
      %get3A_493 = vector.load %arg9[%get3A_490, %get3A_491, %get3A_492] : memref<4x1x512xf32, #tpu.memory_space<vmem>>, vector<1x1x512xf32>
      %get3A_494 = vector.shape_cast %get3A_493 : vector<1x1x512xf32> to vector<1x512xf32>
      %get3A_495 = arith.constant 0 : index
      %get3A_496 = arith.constant 0 : index
      %get3A_497 = vector.load %arg10[%get3A_495, %get3A_496] : memref<256x128xf32, #tpu.memory_space<vmem>>, vector<256x128xf32>
      %get3A_498 = arith.constant 0 : index
      %get3A_499 = arith.constant 0 : index
      %get3A_500 = vector.load %arg11[%get3A_498, %get3A_499] : memref<256x128xi32, #tpu.memory_space<vmem>>, vector<256x128xi32>
      %broadcast_in_dim3A_501 = vector.broadcast %while3A_298 : f32 to vector<256x128xf32>
      %slice3A = vector.extract_strided_slice %get3A_494 {offsets = [0, 0], sizes = [1, 128], strides = [1, 1]} : vector<1x512xf32> to vector<1x128xf32>
      %mul3A = arith.constant 512 : i32
      %mul3A_502 = arith.muli %while3A_489, %mul3A : i32
      %add3A = arith.constant 0 : i32
      %add3A_503 = arith.addi %mul3A_502, %add3A : i32
      %add3A_504 = vector.broadcast %add3A_503 : i32 to vector<1x128xi32>
      %add3A_505 = arith.addi %iota3A, %add3A_504 : vector<1x128xi32>
      %lt3A = vector.broadcast %add3A_505 : vector<1x128xi32> to vector<256x128xi32>
      %lt3A_506 = arith.cmpi slt, %lt3A, %get3A_500 : vector<256x128xi32>
      %add3A_507 = vector.broadcast %slice3A : vector<1x128xf32> to vector<256x128xf32>
      %add3A_508 = arith.addf %get3A_497, %add3A_507 : vector<256x128xf32>
      %broadcast_in_dim3A_509 = vector.broadcast %while3A_298 : f32 to vector<256x128xf32>
      %select_n3A = arith.select %lt3A_506, %add3A_508, %broadcast_in_dim3A_509 : vector<256x128xi1>, vector<256x128xf32>
      %mul3A_510 = arith.mulf %broadcast_in_dim3A_501, %select_n3A : vector<256x128xf32>
      %slice3A_511 = vector.extract_strided_slice %get3A_494 {offsets = [0, 128], sizes = [1, 128], strides = [1, 1]} : vector<1x512xf32> to vector<1x128xf32>
      %mul3A_512 = arith.constant 512 : i32
      %mul3A_513 = arith.muli %while3A_489, %mul3A_512 : i32
      %add3A_514 = arith.constant 128 : i32
      %add3A_515 = arith.addi %mul3A_513, %add3A_514 : i32
      %add3A_516 = vector.broadcast %add3A_515 : i32 to vector<1x128xi32>
      %add3A_517 = arith.addi %iota3A, %add3A_516 : vector<1x128xi32>
      %lt3A_518 = vector.broadcast %add3A_517 : vector<1x128xi32> to vector<256x128xi32>
      %lt3A_519 = arith.cmpi slt, %lt3A_518, %get3A_500 : vector<256x128xi32>
      %add3A_520 = vector.broadcast %slice3A_511 : vector<1x128xf32> to vector<256x128xf32>
      %add3A_521 = arith.addf %get3A_497, %add3A_520 : vector<256x128xf32>
      %broadcast_in_dim3A_522 = vector.broadcast %while3A_298 : f32 to vector<256x128xf32>
      %select_n3A_523 = arith.select %lt3A_519, %add3A_521, %broadcast_in_dim3A_522 : vector<256x128xi1>, vector<256x128xf32>
      %mul3A_524 = arith.mulf %mul3A_510, %select_n3A_523 : vector<256x128xf32>
      %slice3A_525 = vector.extract_strided_slice %get3A_494 {offsets = [0, 256], sizes = [1, 128], strides = [1, 1]} : vector<1x512xf32> to vector<1x128xf32>
      %mul3A_526 = arith.constant 512 : i32
      %mul3A_527 = arith.muli %while3A_489, %mul3A_526 : i32
      %add3A_528 = arith.constant 256 : i32
      %add3A_529 = arith.addi %mul3A_527, %add3A_528 : i32
      %add3A_530 = vector.broadcast %add3A_529 : i32 to vector<1x128xi32>
      %add3A_531 = arith.addi %iota3A, %add3A_530 : vector<1x128xi32>
      %lt3A_532 = vector.broadcast %add3A_531 : vector<1x128xi32> to vector<256x128xi32>
      %lt3A_533 = arith.cmpi slt, %lt3A_532, %get3A_500 : vector<256x128xi32>
      %add3A_534 = vector.broadcast %slice3A_525 : vector<1x128xf32> to vector<256x128xf32>
      %add3A_535 = arith.addf %get3A_497, %add3A_534 : vector<256x128xf32>
      %broadcast_in_dim3A_536 = vector.broadcast %while3A_298 : f32 to vector<256x128xf32>
      %select_n3A_537 = arith.select %lt3A_533, %add3A_535, %broadcast_in_dim3A_536 : vector<256x128xi1>, vector<256x128xf32>
      %mul3A_538 = arith.mulf %mul3A_524, %select_n3A_537 : vector<256x128xf32>
      %slice3A_539 = vector.extract_strided_slice %get3A_494 {offsets = [0, 384], sizes = [1, 128], strides = [1, 1]} : vector<1x512xf32> to vector<1x128xf32>
      %mul3A_540 = arith.constant 512 : i32
      %mul3A_541 = arith.muli %while3A_489, %mul3A_540 : i32
      %add3A_542 = arith.constant 384 : i32
      %add3A_543 = arith.addi %mul3A_541, %add3A_542 : i32
      %add3A_544 = vector.broadcast %add3A_543 : i32 to vector<1x128xi32>
      %add3A_545 = arith.addi %iota3A, %add3A_544 : vector<1x128xi32>
      %lt3A_546 = vector.broadcast %add3A_545 : vector<1x128xi32> to vector<256x128xi32>
      %lt3A_547 = arith.cmpi slt, %lt3A_546, %get3A_500 : vector<256x128xi32>
      %add3A_548 = vector.broadcast %slice3A_539 : vector<1x128xf32> to vector<256x128xf32>
      %add3A_549 = arith.addf %get3A_497, %add3A_548 : vector<256x128xf32>
      %broadcast_in_dim3A_550 = vector.broadcast %while3A_298 : f32 to vector<256x128xf32>
      %select_n3A_551 = arith.select %lt3A_547, %add3A_549, %broadcast_in_dim3A_550 : vector<256x128xi1>, vector<256x128xf32>
      %mul3A_552 = arith.mulf %mul3A_538, %select_n3A_551 : vector<256x128xf32>
      %and3A = arith.constant 1 : i32
      %and3A_553 = arith.andi %while3A_489, %and3A : i32
      %get3A_554 = arith.index_cast %and3A_553 : i32 to index
      %get3A_555 = arith.constant 0 : index
      %get3A_556 = arith.constant 0 : index
      %get3A_557 = vector.load %arg8[%get3A_554, %get3A_555, %get3A_556] : memref<2x256x128xf32, #tpu.memory_space<vmem>>, vector<1x256x128xf32>
      %get3A_558 = vector.shape_cast %get3A_557 : vector<1x256x128xf32> to vector<256x128xf32>
      %log3A = math.log %mul3A_552 : vector<256x128xf32>
      %get3A_559 = arith.constant 0 : index
      %get3A_560 = arith.constant 0 : index
      %get3A_561 = vector.load %arg12[%get3A_559, %get3A_560] : memref<256x128xf32, #tpu.memory_space<vmem>>, vector<256x128xf32>
      %mul3A_562 = arith.mulf %log3A, %get3A_561 : vector<256x128xf32>
      %add3A_563 = arith.addf %get3A_558, %mul3A_562 : vector<256x128xf32>
      %swap3A_564 = arith.index_cast %and3A_553 : i32 to index
      %swap3A_565 = arith.constant 0 : index
      %swap3A_566 = arith.constant 0 : index
      %swap3A_567 = vector.load %arg8[%swap3A_564, %swap3A_565, %swap3A_566] : memref<2x256x128xf32, #tpu.memory_space<vmem>>, vector<1x256x128xf32>
      %swap3A_568 = vector.shape_cast %swap3A_567 : vector<1x256x128xf32> to vector<256x128xf32>
      %swap3A_569 = vector.shape_cast %add3A_563 : vector<256x128xf32> to vector<1x256x128xf32>
      tpu.vector_store %arg8[%swap3A_564, %swap3A_565, %swap3A_566], %swap3A_569 {strides = array<i32>} : memref<2x256x128xf32, #tpu.memory_space<vmem>>, vector<1x256x128xf32>,
    }
    %get3A_307 = arith.constant 0 : index
    %get3A_308 = arith.constant 1280 : index
    %get3A_309 = arith.constant 0 : index
    %get3A_310 = vector.load %arg5[%get3A_307, %get3A_308, %get3A_309] : memref<1x2048x1xi32, #tpu.memory_space<vmem>>, vector<1x256x1xi32>
    %get3A_311 = vector.shape_cast %get3A_310 : vector<1x256x1xi32> to vector<256x1xi32>
    %get3A_312 = arith.constant 0 : index
    %get3A_313 = arith.constant 1280 : index
    %get3A_314 = arith.constant 0 : index
    %get3A_315 = vector.load %arg6[%get3A_312, %get3A_313, %get3A_314] : memref<1x2048x1xf32, #tpu.memory_space<vmem>>, vector<1x256x1xf32>
    %get3A_316 = vector.shape_cast %get3A_315 : vector<1x256x1xf32> to vector<256x1xf32>
    %get3A_317 = arith.constant 0 : index
    %get3A_318 = arith.constant 1280 : index
    %get3A_319 = arith.constant 0 : index
    %get3A_320 = vector.load %arg4[%get3A_317, %get3A_318, %get3A_319] : memref<1x2048x1xf32, #tpu.memory_space<vmem>>, vector<1x256x1xf32>
    %get3A_321 = vector.shape_cast %get3A_320 : vector<1x256x1xf32> to vector<256x1xf32>
    %sub3A_322 = vector.broadcast %get3A_3 : f32 to vector<256x1xf32>
    %sub3A_323 = arith.subf %get3A_321, %sub3A_322 : vector<256x1xf32>
    %exp3A_324 = math.exp %sub3A_323 : vector<256x1xf32>
    %broadcast_in_dim3A_325 = vector.shape_cast %exp3A_324 : vector<256x1xf32> to vector<256x1xf32>
    %broadcast_in_dim3A_326 = vector.broadcast %broadcast_in_dim3A_325 : vector<256x1xf32> to vector<256x128xf32>
    %swap3A_327 = arith.constant 0 : index
    %swap3A_328 = arith.constant 0 : index
    %swap3A_329 = vector.load %arg10[%swap3A_327, %swap3A_328] : memref<256x128xf32, #tpu.memory_space<vmem>>, vector<256x128xf32>
    tpu.vector_store %arg10[%swap3A_327, %swap3A_328], %broadcast_in_dim3A_326 {strides = array<i32>} : memref<256x128xf32, #tpu.memory_space<vmem>>, vector<256x128xf32>,
    %broadcast_in_dim3A_330 = vector.shape_cast %get3A_311 : vector<256x1xi32> to vector<256x1xi32>
    %broadcast_in_dim3A_331 = vector.broadcast %broadcast_in_dim3A_330 : vector<256x1xi32> to vector<256x128xi32>
    %swap3A_332 = arith.constant 0 : index
    %swap3A_333 = arith.constant 0 : index
    %swap3A_334 = vector.load %arg11[%swap3A_332, %swap3A_333] : memref<256x128xi32, #tpu.memory_space<vmem>>, vector<256x128xi32>
    tpu.vector_store %arg11[%swap3A_332, %swap3A_333], %broadcast_in_dim3A_331 {strides = array<i32>} : memref<256x128xi32, #tpu.memory_space<vmem>>, vector<256x128xi32>,
    %broadcast_in_dim3A_335 = vector.shape_cast %get3A_316 : vector<256x1xf32> to vector<256x1xf32>
    %broadcast_in_dim3A_336 = vector.broadcast %broadcast_in_dim3A_335 : vector<256x1xf32> to vector<256x128xf32>
    %swap3A_337 = arith.constant 0 : index
    %swap3A_338 = arith.constant 0 : index
    %swap3A_339 = vector.load %arg12[%swap3A_337, %swap3A_338] : memref<256x128xf32, #tpu.memory_space<vmem>>, vector<256x128xf32>
    tpu.vector_store %arg12[%swap3A_337, %swap3A_338], %broadcast_in_dim3A_336 {strides = array<i32>} : memref<256x128xf32, #tpu.memory_space<vmem>>, vector<256x128xf32>,
    %get3A_340 = arith.index_cast %arg0 : i32 to index
    %get3A_341 = arith.constant 5 : index
    %get3A_342 = memref.load %arg1[%get3A_340, %get3A_341] : memref<16x16xi32, #tpu.memory_space<smem>>
    %get3A_343 = arith.index_cast %arg0 : i32 to index
    %get3A_344 = arith.constant 13 : index
    %get3A_345 = memref.load %arg1[%get3A_343, %get3A_344] : memref<16x16xi32, #tpu.memory_space<smem>>
    %while3A_346 = arith.constant 0 : i32
    %while3A_347 = arith.constant 0 : i32
    %while3A_348 = arith.subi %get3A_345, %while3A_347 : i32
    %while3A_349 = arith.addi %while3A_347, %while3A_348 : i32
    %while3A_350 = arith.constant 1 : i32
    %while3A_351 = arith.divsi %while3A_348, %while3A_350 : i32
    %while3A_352 = arith.muli %while3A_351, %while3A_350 : i32
    %while3A_353 = arith.addi %while3A_347, %while3A_352 : i32
    %while3A_354 = arith.constant 1 : i32
    scf.for %while3A_489 = %while3A_347 to %while3A_353 step %while3A_354  : i32 {
      %get3A_490 = arith.index_cast %while3A_489 : i32 to index
      %get3A_491 = arith.constant 0 : index
      %get3A_492 = arith.constant 0 : index
      %get3A_493 = vector.load %arg9[%get3A_490, %get3A_491, %get3A_492] : memref<4x1x512xf32, #tpu.memory_space<vmem>>, vector<1x1x512xf32>
      %get3A_494 = vector.shape_cast %get3A_493 : vector<1x1x512xf32> to vector<1x512xf32>
      %get3A_495 = arith.constant 0 : index
      %get3A_496 = arith.constant 0 : index
      %get3A_497 = vector.load %arg10[%get3A_495, %get3A_496] : memref<256x128xf32, #tpu.memory_space<vmem>>, vector<256x128xf32>
      %slice3A = vector.extract_strided_slice %get3A_494 {offsets = [0, 0], sizes = [1, 128], strides = [1, 1]} : vector<1x512xf32> to vector<1x128xf32>
      %add3A = vector.broadcast %slice3A : vector<1x128xf32> to vector<256x128xf32>
      %add3A_498 = arith.addf %get3A_497, %add3A : vector<256x128xf32>
      %slice3A_499 = vector.extract_strided_slice %get3A_494 {offsets = [0, 128], sizes = [1, 128], strides = [1, 1]} : vector<1x512xf32> to vector<1x128xf32>
      %add3A_500 = vector.broadcast %slice3A_499 : vector<1x128xf32> to vector<256x128xf32>
      %add3A_501 = arith.addf %get3A_497, %add3A_500 : vector<256x128xf32>
      %mul3A = arith.mulf %add3A_498, %add3A_501 : vector<256x128xf32>
      %slice3A_502 = vector.extract_strided_slice %get3A_494 {offsets = [0, 256], sizes = [1, 128], strides = [1, 1]} : vector<1x512xf32> to vector<1x128xf32>
      %add3A_503 = vector.broadcast %slice3A_502 : vector<1x128xf32> to vector<256x128xf32>
      %add3A_504 = arith.addf %get3A_497, %add3A_503 : vector<256x128xf32>
      %mul3A_505 = arith.mulf %mul3A, %add3A_504 : vector<256x128xf32>
      %slice3A_506 = vector.extract_strided_slice %get3A_494 {offsets = [0, 384], sizes = [1, 128], strides = [1, 1]} : vector<1x512xf32> to vector<1x128xf32>
      %add3A_507 = vector.broadcast %slice3A_506 : vector<1x128xf32> to vector<256x128xf32>
      %add3A_508 = arith.addf %get3A_497, %add3A_507 : vector<256x128xf32>
      %mul3A_509 = arith.mulf %mul3A_505, %add3A_508 : vector<256x128xf32>
      %and3A = arith.constant 1 : i32
      %and3A_510 = arith.andi %while3A_489, %and3A : i32
      %get3A_511 = arith.index_cast %and3A_510 : i32 to index
      %get3A_512 = arith.constant 0 : index
      %get3A_513 = arith.constant 0 : index
      %get3A_514 = vector.load %arg8[%get3A_511, %get3A_512, %get3A_513] : memref<2x256x128xf32, #tpu.memory_space<vmem>>, vector<1x256x128xf32>
      %get3A_515 = vector.shape_cast %get3A_514 : vector<1x256x128xf32> to vector<256x128xf32>
      %log3A = math.log %mul3A_509 : vector<256x128xf32>
      %get3A_516 = arith.constant 0 : index
      %get3A_517 = arith.constant 0 : index
      %get3A_518 = vector.load %arg12[%get3A_516, %get3A_517] : memref<256x128xf32, #tpu.memory_space<vmem>>, vector<256x128xf32>
      %mul3A_519 = arith.mulf %log3A, %get3A_518 : vector<256x128xf32>
      %add3A_520 = arith.addf %get3A_515, %mul3A_519 : vector<256x128xf32>
      %swap3A_521 = arith.index_cast %and3A_510 : i32 to index
      %swap3A_522 = arith.constant 0 : index
      %swap3A_523 = arith.constant 0 : index
      %swap3A_524 = vector.load %arg8[%swap3A_521, %swap3A_522, %swap3A_523] : memref<2x256x128xf32, #tpu.memory_space<vmem>>, vector<1x256x128xf32>
      %swap3A_525 = vector.shape_cast %swap3A_524 : vector<1x256x128xf32> to vector<256x128xf32>
      %swap3A_526 = vector.shape_cast %add3A_520 : vector<256x128xf32> to vector<1x256x128xf32>
      tpu.vector_store %arg8[%swap3A_521, %swap3A_522, %swap3A_523], %swap3A_526 {strides = array<i32>} : memref<2x256x128xf32, #tpu.memory_space<vmem>>, vector<1x256x128xf32>,
    }
    %while3A_355 = arith.constant 1 : i32
    scf.for %while3A_489 = %while3A_353 to %while3A_349 step %while3A_355  : i32 {
      %get3A_490 = arith.index_cast %while3A_489 : i32 to index
      %get3A_491 = arith.constant 0 : index
      %get3A_492 = arith.constant 0 : index
      %get3A_493 = vector.load %arg9[%get3A_490, %get3A_491, %get3A_492] : memref<4x1x512xf32, #tpu.memory_space<vmem>>, vector<1x1x512xf32>
      %get3A_494 = vector.shape_cast %get3A_493 : vector<1x1x512xf32> to vector<1x512xf32>
      %get3A_495 = arith.constant 0 : index
      %get3A_496 = arith.constant 0 : index
      %get3A_497 = vector.load %arg10[%get3A_495, %get3A_496] : memref<256x128xf32, #tpu.memory_space<vmem>>, vector<256x128xf32>
      %slice3A = vector.extract_strided_slice %get3A_494 {offsets = [0, 0], sizes = [1, 128], strides = [1, 1]} : vector<1x512xf32> to vector<1x128xf32>
      %add3A = vector.broadcast %slice3A : vector<1x128xf32> to vector<256x128xf32>
      %add3A_498 = arith.addf %get3A_497, %add3A : vector<256x128xf32>
      %slice3A_499 = vector.extract_strided_slice %get3A_494 {offsets = [0, 128], sizes = [1, 128], strides = [1, 1]} : vector<1x512xf32> to vector<1x128xf32>
      %add3A_500 = vector.broadcast %slice3A_499 : vector<1x128xf32> to vector<256x128xf32>
      %add3A_501 = arith.addf %get3A_497, %add3A_500 : vector<256x128xf32>
      %mul3A = arith.mulf %add3A_498, %add3A_501 : vector<256x128xf32>
      %slice3A_502 = vector.extract_strided_slice %get3A_494 {offsets = [0, 256], sizes = [1, 128], strides = [1, 1]} : vector<1x512xf32> to vector<1x128xf32>
      %add3A_503 = vector.broadcast %slice3A_502 : vector<1x128xf32> to vector<256x128xf32>
      %add3A_504 = arith.addf %get3A_497, %add3A_503 : vector<256x128xf32>
      %mul3A_505 = arith.mulf %mul3A, %add3A_504 : vector<256x128xf32>
      %slice3A_506 = vector.extract_strided_slice %get3A_494 {offsets = [0, 384], sizes = [1, 128], strides = [1, 1]} : vector<1x512xf32> to vector<1x128xf32>
      %add3A_507 = vector.broadcast %slice3A_506 : vector<1x128xf32> to vector<256x128xf32>
      %add3A_508 = arith.addf %get3A_497, %add3A_507 : vector<256x128xf32>
      %mul3A_509 = arith.mulf %mul3A_505, %add3A_508 : vector<256x128xf32>
      %and3A = arith.constant 1 : i32
      %and3A_510 = arith.andi %while3A_489, %and3A : i32
      %get3A_511 = arith.index_cast %and3A_510 : i32 to index
      %get3A_512 = arith.constant 0 : index
      %get3A_513 = arith.constant 0 : index
      %get3A_514 = vector.load %arg8[%get3A_511, %get3A_512, %get3A_513] : memref<2x256x128xf32, #tpu.memory_space<vmem>>, vector<1x256x128xf32>
      %get3A_515 = vector.shape_cast %get3A_514 : vector<1x256x128xf32> to vector<256x128xf32>
      %log3A = math.log %mul3A_509 : vector<256x128xf32>
      %get3A_516 = arith.constant 0 : index
      %get3A_517 = arith.constant 0 : index
      %get3A_518 = vector.load %arg12[%get3A_516, %get3A_517] : memref<256x128xf32, #tpu.memory_space<vmem>>, vector<256x128xf32>
      %mul3A_519 = arith.mulf %log3A, %get3A_518 : vector<256x128xf32>
      %add3A_520 = arith.addf %get3A_515, %mul3A_519 : vector<256x128xf32>
      %swap3A_521 = arith.index_cast %and3A_510 : i32 to index
      %swap3A_522 = arith.constant 0 : index
      %swap3A_523 = arith.constant 0 : index
      %swap3A_524 = vector.load %arg8[%swap3A_521, %swap3A_522, %swap3A_523] : memref<2x256x128xf32, #tpu.memory_space<vmem>>, vector<1x256x128xf32>
      %swap3A_525 = vector.shape_cast %swap3A_524 : vector<1x256x128xf32> to vector<256x128xf32>
      %swap3A_526 = vector.shape_cast %add3A_520 : vector<256x128xf32> to vector<1x256x128xf32>
      tpu.vector_store %arg8[%swap3A_521, %swap3A_522, %swap3A_523], %swap3A_526 {strides = array<i32>} : memref<2x256x128xf32, #tpu.memory_space<vmem>>, vector<1x256x128xf32>,
    }
    %while3A_356 = arith.constant 0 : i32
    %while3A_357 = arith.constant 1.000000e+00 : f32
    %while3A_358 = arith.subi %get3A_342, %get3A_345 : i32
    %while3A_359 = arith.addi %get3A_345, %while3A_358 : i32
    %while3A_360 = arith.constant 1 : i32
    %while3A_361 = arith.divsi %while3A_358, %while3A_360 : i32
    %while3A_362 = arith.muli %while3A_361, %while3A_360 : i32
    %while3A_363 = arith.addi %get3A_345, %while3A_362 : i32
    %while3A_364 = arith.constant 1 : i32
    scf.for %while3A_489 = %get3A_345 to %while3A_363 step %while3A_364  : i32 {
      %get3A_490 = arith.index_cast %while3A_489 : i32 to index
      %get3A_491 = arith.constant 0 : index
      %get3A_492 = arith.constant 0 : index
      %get3A_493 = vector.load %arg9[%get3A_490, %get3A_491, %get3A_492] : memref<4x1x512xf32, #tpu.memory_space<vmem>>, vector<1x1x512xf32>
      %get3A_494 = vector.shape_cast %get3A_493 : vector<1x1x512xf32> to vector<1x512xf32>
      %get3A_495 = arith.constant 0 : index
      %get3A_496 = arith.constant 0 : index
      %get3A_497 = vector.load %arg10[%get3A_495, %get3A_496] : memref<256x128xf32, #tpu.memory_space<vmem>>, vector<256x128xf32>
      %get3A_498 = arith.constant 0 : index
      %get3A_499 = arith.constant 0 : index
      %get3A_500 = vector.load %arg11[%get3A_498, %get3A_499] : memref<256x128xi32, #tpu.memory_space<vmem>>, vector<256x128xi32>
      %broadcast_in_dim3A_501 = vector.broadcast %while3A_357 : f32 to vector<256x128xf32>
      %slice3A = vector.extract_strided_slice %get3A_494 {offsets = [0, 0], sizes = [1, 128], strides = [1, 1]} : vector<1x512xf32> to vector<1x128xf32>
      %mul3A = arith.constant 512 : i32
      %mul3A_502 = arith.muli %while3A_489, %mul3A : i32
      %add3A = arith.constant 0 : i32
      %add3A_503 = arith.addi %mul3A_502, %add3A : i32
      %add3A_504 = vector.broadcast %add3A_503 : i32 to vector<1x128xi32>
      %add3A_505 = arith.addi %iota3A, %add3A_504 : vector<1x128xi32>
      %lt3A = vector.broadcast %add3A_505 : vector<1x128xi32> to vector<256x128xi32>
      %lt3A_506 = arith.cmpi slt, %lt3A, %get3A_500 : vector<256x128xi32>
      %add3A_507 = vector.broadcast %slice3A : vector<1x128xf32> to vector<256x128xf32>
      %add3A_508 = arith.addf %get3A_497, %add3A_507 : vector<256x128xf32>
      %broadcast_in_dim3A_509 = vector.broadcast %while3A_357 : f32 to vector<256x128xf32>
      %select_n3A = arith.select %lt3A_506, %add3A_508, %broadcast_in_dim3A_509 : vector<256x128xi1>, vector<256x128xf32>
      %mul3A_510 = arith.mulf %broadcast_in_dim3A_501, %select_n3A : vector<256x128xf32>
      %slice3A_511 = vector.extract_strided_slice %get3A_494 {offsets = [0, 128], sizes = [1, 128], strides = [1, 1]} : vector<1x512xf32> to vector<1x128xf32>
      %mul3A_512 = arith.constant 512 : i32
      %mul3A_513 = arith.muli %while3A_489, %mul3A_512 : i32
      %add3A_514 = arith.constant 128 : i32
      %add3A_515 = arith.addi %mul3A_513, %add3A_514 : i32
      %add3A_516 = vector.broadcast %add3A_515 : i32 to vector<1x128xi32>
      %add3A_517 = arith.addi %iota3A, %add3A_516 : vector<1x128xi32>
      %lt3A_518 = vector.broadcast %add3A_517 : vector<1x128xi32> to vector<256x128xi32>
      %lt3A_519 = arith.cmpi slt, %lt3A_518, %get3A_500 : vector<256x128xi32>
      %add3A_520 = vector.broadcast %slice3A_511 : vector<1x128xf32> to vector<256x128xf32>
      %add3A_521 = arith.addf %get3A_497, %add3A_520 : vector<256x128xf32>
      %broadcast_in_dim3A_522 = vector.broadcast %while3A_357 : f32 to vector<256x128xf32>
      %select_n3A_523 = arith.select %lt3A_519, %add3A_521, %broadcast_in_dim3A_522 : vector<256x128xi1>, vector<256x128xf32>
      %mul3A_524 = arith.mulf %mul3A_510, %select_n3A_523 : vector<256x128xf32>
      %slice3A_525 = vector.extract_strided_slice %get3A_494 {offsets = [0, 256], sizes = [1, 128], strides = [1, 1]} : vector<1x512xf32> to vector<1x128xf32>
      %mul3A_526 = arith.constant 512 : i32
      %mul3A_527 = arith.muli %while3A_489, %mul3A_526 : i32
      %add3A_528 = arith.constant 256 : i32
      %add3A_529 = arith.addi %mul3A_527, %add3A_528 : i32
      %add3A_530 = vector.broadcast %add3A_529 : i32 to vector<1x128xi32>
      %add3A_531 = arith.addi %iota3A, %add3A_530 : vector<1x128xi32>
      %lt3A_532 = vector.broadcast %add3A_531 : vector<1x128xi32> to vector<256x128xi32>
      %lt3A_533 = arith.cmpi slt, %lt3A_532, %get3A_500 : vector<256x128xi32>
      %add3A_534 = vector.broadcast %slice3A_525 : vector<1x128xf32> to vector<256x128xf32>
      %add3A_535 = arith.addf %get3A_497, %add3A_534 : vector<256x128xf32>
      %broadcast_in_dim3A_536 = vector.broadcast %while3A_357 : f32 to vector<256x128xf32>
      %select_n3A_537 = arith.select %lt3A_533, %add3A_535, %broadcast_in_dim3A_536 : vector<256x128xi1>, vector<256x128xf32>
      %mul3A_538 = arith.mulf %mul3A_524, %select_n3A_537 : vector<256x128xf32>
      %slice3A_539 = vector.extract_strided_slice %get3A_494 {offsets = [0, 384], sizes = [1, 128], strides = [1, 1]} : vector<1x512xf32> to vector<1x128xf32>
      %mul3A_540 = arith.constant 512 : i32
      %mul3A_541 = arith.muli %while3A_489, %mul3A_540 : i32
      %add3A_542 = arith.constant 384 : i32
      %add3A_543 = arith.addi %mul3A_541, %add3A_542 : i32
      %add3A_544 = vector.broadcast %add3A_543 : i32 to vector<1x128xi32>
      %add3A_545 = arith.addi %iota3A, %add3A_544 : vector<1x128xi32>
      %lt3A_546 = vector.broadcast %add3A_545 : vector<1x128xi32> to vector<256x128xi32>
      %lt3A_547 = arith.cmpi slt, %lt3A_546, %get3A_500 : vector<256x128xi32>
      %add3A_548 = vector.broadcast %slice3A_539 : vector<1x128xf32> to vector<256x128xf32>
      %add3A_549 = arith.addf %get3A_497, %add3A_548 : vector<256x128xf32>
      %broadcast_in_dim3A_550 = vector.broadcast %while3A_357 : f32 to vector<256x128xf32>
      %select_n3A_551 = arith.select %lt3A_547, %add3A_549, %broadcast_in_dim3A_550 : vector<256x128xi1>, vector<256x128xf32>
      %mul3A_552 = arith.mulf %mul3A_538, %select_n3A_551 : vector<256x128xf32>
      %and3A = arith.constant 1 : i32
      %and3A_553 = arith.andi %while3A_489, %and3A : i32
      %get3A_554 = arith.index_cast %and3A_553 : i32 to index
      %get3A_555 = arith.constant 0 : index
      %get3A_556 = arith.constant 0 : index
      %get3A_557 = vector.load %arg8[%get3A_554, %get3A_555, %get3A_556] : memref<2x256x128xf32, #tpu.memory_space<vmem>>, vector<1x256x128xf32>
      %get3A_558 = vector.shape_cast %get3A_557 : vector<1x256x128xf32> to vector<256x128xf32>
      %log3A = math.log %mul3A_552 : vector<256x128xf32>
      %get3A_559 = arith.constant 0 : index
      %get3A_560 = arith.constant 0 : index
      %get3A_561 = vector.load %arg12[%get3A_559, %get3A_560] : memref<256x128xf32, #tpu.memory_space<vmem>>, vector<256x128xf32>
      %mul3A_562 = arith.mulf %log3A, %get3A_561 : vector<256x128xf32>
      %add3A_563 = arith.addf %get3A_558, %mul3A_562 : vector<256x128xf32>
      %swap3A_564 = arith.index_cast %and3A_553 : i32 to index
      %swap3A_565 = arith.constant 0 : index
      %swap3A_566 = arith.constant 0 : index
      %swap3A_567 = vector.load %arg8[%swap3A_564, %swap3A_565, %swap3A_566] : memref<2x256x128xf32, #tpu.memory_space<vmem>>, vector<1x256x128xf32>
      %swap3A_568 = vector.shape_cast %swap3A_567 : vector<1x256x128xf32> to vector<256x128xf32>
      %swap3A_569 = vector.shape_cast %add3A_563 : vector<256x128xf32> to vector<1x256x128xf32>
      tpu.vector_store %arg8[%swap3A_564, %swap3A_565, %swap3A_566], %swap3A_569 {strides = array<i32>} : memref<2x256x128xf32, #tpu.memory_space<vmem>>, vector<1x256x128xf32>,
    }
    %while3A_365 = arith.constant 1 : i32
    scf.for %while3A_489 = %while3A_363 to %while3A_359 step %while3A_365  : i32 {
      %get3A_490 = arith.index_cast %while3A_489 : i32 to index
      %get3A_491 = arith.constant 0 : index
      %get3A_492 = arith.constant 0 : index
      %get3A_493 = vector.load %arg9[%get3A_490, %get3A_491, %get3A_492] : memref<4x1x512xf32, #tpu.memory_space<vmem>>, vector<1x1x512xf32>
      %get3A_494 = vector.shape_cast %get3A_493 : vector<1x1x512xf32> to vector<1x512xf32>
      %get3A_495 = arith.constant 0 : index
      %get3A_496 = arith.constant 0 : index
      %get3A_497 = vector.load %arg10[%get3A_495, %get3A_496] : memref<256x128xf32, #tpu.memory_space<vmem>>, vector<256x128xf32>
      %get3A_498 = arith.constant 0 : index
      %get3A_499 = arith.constant 0 : index
      %get3A_500 = vector.load %arg11[%get3A_498, %get3A_499] : memref<256x128xi32, #tpu.memory_space<vmem>>, vector<256x128xi32>
      %broadcast_in_dim3A_501 = vector.broadcast %while3A_357 : f32 to vector<256x128xf32>
      %slice3A = vector.extract_strided_slice %get3A_494 {offsets = [0, 0], sizes = [1, 128], strides = [1, 1]} : vector<1x512xf32> to vector<1x128xf32>
      %mul3A = arith.constant 512 : i32
      %mul3A_502 = arith.muli %while3A_489, %mul3A : i32
      %add3A = arith.constant 0 : i32
      %add3A_503 = arith.addi %mul3A_502, %add3A : i32
      %add3A_504 = vector.broadcast %add3A_503 : i32 to vector<1x128xi32>
      %add3A_505 = arith.addi %iota3A, %add3A_504 : vector<1x128xi32>
      %lt3A = vector.broadcast %add3A_505 : vector<1x128xi32> to vector<256x128xi32>
      %lt3A_506 = arith.cmpi slt, %lt3A, %get3A_500 : vector<256x128xi32>
      %add3A_507 = vector.broadcast %slice3A : vector<1x128xf32> to vector<256x128xf32>
      %add3A_508 = arith.addf %get3A_497, %add3A_507 : vector<256x128xf32>
      %broadcast_in_dim3A_509 = vector.broadcast %while3A_357 : f32 to vector<256x128xf32>
      %select_n3A = arith.select %lt3A_506, %add3A_508, %broadcast_in_dim3A_509 : vector<256x128xi1>, vector<256x128xf32>
      %mul3A_510 = arith.mulf %broadcast_in_dim3A_501, %select_n3A : vector<256x128xf32>
      %slice3A_511 = vector.extract_strided_slice %get3A_494 {offsets = [0, 128], sizes = [1, 128], strides = [1, 1]} : vector<1x512xf32> to vector<1x128xf32>
      %mul3A_512 = arith.constant 512 : i32
      %mul3A_513 = arith.muli %while3A_489, %mul3A_512 : i32
      %add3A_514 = arith.constant 128 : i32
      %add3A_515 = arith.addi %mul3A_513, %add3A_514 : i32
      %add3A_516 = vector.broadcast %add3A_515 : i32 to vector<1x128xi32>
      %add3A_517 = arith.addi %iota3A, %add3A_516 : vector<1x128xi32>
      %lt3A_518 = vector.broadcast %add3A_517 : vector<1x128xi32> to vector<256x128xi32>
      %lt3A_519 = arith.cmpi slt, %lt3A_518, %get3A_500 : vector<256x128xi32>
      %add3A_520 = vector.broadcast %slice3A_511 : vector<1x128xf32> to vector<256x128xf32>
      %add3A_521 = arith.addf %get3A_497, %add3A_520 : vector<256x128xf32>
      %broadcast_in_dim3A_522 = vector.broadcast %while3A_357 : f32 to vector<256x128xf32>
      %select_n3A_523 = arith.select %lt3A_519, %add3A_521, %broadcast_in_dim3A_522 : vector<256x128xi1>, vector<256x128xf32>
      %mul3A_524 = arith.mulf %mul3A_510, %select_n3A_523 : vector<256x128xf32>
      %slice3A_525 = vector.extract_strided_slice %get3A_494 {offsets = [0, 256], sizes = [1, 128], strides = [1, 1]} : vector<1x512xf32> to vector<1x128xf32>
      %mul3A_526 = arith.constant 512 : i32
      %mul3A_527 = arith.muli %while3A_489, %mul3A_526 : i32
      %add3A_528 = arith.constant 256 : i32
      %add3A_529 = arith.addi %mul3A_527, %add3A_528 : i32
      %add3A_530 = vector.broadcast %add3A_529 : i32 to vector<1x128xi32>
      %add3A_531 = arith.addi %iota3A, %add3A_530 : vector<1x128xi32>
      %lt3A_532 = vector.broadcast %add3A_531 : vector<1x128xi32> to vector<256x128xi32>
      %lt3A_533 = arith.cmpi slt, %lt3A_532, %get3A_500 : vector<256x128xi32>
      %add3A_534 = vector.broadcast %slice3A_525 : vector<1x128xf32> to vector<256x128xf32>
      %add3A_535 = arith.addf %get3A_497, %add3A_534 : vector<256x128xf32>
      %broadcast_in_dim3A_536 = vector.broadcast %while3A_357 : f32 to vector<256x128xf32>
      %select_n3A_537 = arith.select %lt3A_533, %add3A_535, %broadcast_in_dim3A_536 : vector<256x128xi1>, vector<256x128xf32>
      %mul3A_538 = arith.mulf %mul3A_524, %select_n3A_537 : vector<256x128xf32>
      %slice3A_539 = vector.extract_strided_slice %get3A_494 {offsets = [0, 384], sizes = [1, 128], strides = [1, 1]} : vector<1x512xf32> to vector<1x128xf32>
      %mul3A_540 = arith.constant 512 : i32
      %mul3A_541 = arith.muli %while3A_489, %mul3A_540 : i32
      %add3A_542 = arith.constant 384 : i32
      %add3A_543 = arith.addi %mul3A_541, %add3A_542 : i32
      %add3A_544 = vector.broadcast %add3A_543 : i32 to vector<1x128xi32>
      %add3A_545 = arith.addi %iota3A, %add3A_544 : vector<1x128xi32>
      %lt3A_546 = vector.broadcast %add3A_545 : vector<1x128xi32> to vector<256x128xi32>
      %lt3A_547 = arith.cmpi slt, %lt3A_546, %get3A_500 : vector<256x128xi32>
      %add3A_548 = vector.broadcast %slice3A_539 : vector<1x128xf32> to vector<256x128xf32>
      %add3A_549 = arith.addf %get3A_497, %add3A_548 : vector<256x128xf32>
      %broadcast_in_dim3A_550 = vector.broadcast %while3A_357 : f32 to vector<256x128xf32>
      %select_n3A_551 = arith.select %lt3A_547, %add3A_549, %broadcast_in_dim3A_550 : vector<256x128xi1>, vector<256x128xf32>
      %mul3A_552 = arith.mulf %mul3A_538, %select_n3A_551 : vector<256x128xf32>
      %and3A = arith.constant 1 : i32
      %and3A_553 = arith.andi %while3A_489, %and3A : i32
      %get3A_554 = arith.index_cast %and3A_553 : i32 to index
      %get3A_555 = arith.constant 0 : index
      %get3A_556 = arith.constant 0 : index
      %get3A_557 = vector.load %arg8[%get3A_554, %get3A_555, %get3A_556] : memref<2x256x128xf32, #tpu.memory_space<vmem>>, vector<1x256x128xf32>
      %get3A_558 = vector.shape_cast %get3A_557 : vector<1x256x128xf32> to vector<256x128xf32>
      %log3A = math.log %mul3A_552 : vector<256x128xf32>
      %get3A_559 = arith.constant 0 : index
      %get3A_560 = arith.constant 0 : index
      %get3A_561 = vector.load %arg12[%get3A_559, %get3A_560] : memref<256x128xf32, #tpu.memory_space<vmem>>, vector<256x128xf32>
      %mul3A_562 = arith.mulf %log3A, %get3A_561 : vector<256x128xf32>
      %add3A_563 = arith.addf %get3A_558, %mul3A_562 : vector<256x128xf32>
      %swap3A_564 = arith.index_cast %and3A_553 : i32 to index
      %swap3A_565 = arith.constant 0 : index
      %swap3A_566 = arith.constant 0 : index
      %swap3A_567 = vector.load %arg8[%swap3A_564, %swap3A_565, %swap3A_566] : memref<2x256x128xf32, #tpu.memory_space<vmem>>, vector<1x256x128xf32>
      %swap3A_568 = vector.shape_cast %swap3A_567 : vector<1x256x128xf32> to vector<256x128xf32>
      %swap3A_569 = vector.shape_cast %add3A_563 : vector<256x128xf32> to vector<1x256x128xf32>
      tpu.vector_store %arg8[%swap3A_564, %swap3A_565, %swap3A_566], %swap3A_569 {strides = array<i32>} : memref<2x256x128xf32, #tpu.memory_space<vmem>>, vector<1x256x128xf32>,
    }
    %get3A_366 = arith.constant 0 : index
    %get3A_367 = arith.constant 1536 : index
    %get3A_368 = arith.constant 0 : index
    %get3A_369 = vector.load %arg5[%get3A_366, %get3A_367, %get3A_368] : memref<1x2048x1xi32, #tpu.memory_space<vmem>>, vector<1x256x1xi32>
    %get3A_370 = vector.shape_cast %get3A_369 : vector<1x256x1xi32> to vector<256x1xi32>
    %get3A_371 = arith.constant 0 : index
    %get3A_372 = arith.constant 1536 : index
    %get3A_373 = arith.constant 0 : index
    %get3A_374 = vector.load %arg6[%get3A_371, %get3A_372, %get3A_373] : memref<1x2048x1xf32, #tpu.memory_space<vmem>>, vector<1x256x1xf32>
    %get3A_375 = vector.shape_cast %get3A_374 : vector<1x256x1xf32> to vector<256x1xf32>
    %get3A_376 = arith.constant 0 : index
    %get3A_377 = arith.constant 1536 : index
    %get3A_378 = arith.constant 0 : index
    %get3A_379 = vector.load %arg4[%get3A_376, %get3A_377, %get3A_378] : memref<1x2048x1xf32, #tpu.memory_space<vmem>>, vector<1x256x1xf32>
    %get3A_380 = vector.shape_cast %get3A_379 : vector<1x256x1xf32> to vector<256x1xf32>
    %sub3A_381 = vector.broadcast %get3A_3 : f32 to vector<256x1xf32>
    %sub3A_382 = arith.subf %get3A_380, %sub3A_381 : vector<256x1xf32>
    %exp3A_383 = math.exp %sub3A_382 : vector<256x1xf32>
    %broadcast_in_dim3A_384 = vector.shape_cast %exp3A_383 : vector<256x1xf32> to vector<256x1xf32>
    %broadcast_in_dim3A_385 = vector.broadcast %broadcast_in_dim3A_384 : vector<256x1xf32> to vector<256x128xf32>
    %swap3A_386 = arith.constant 0 : index
    %swap3A_387 = arith.constant 0 : index
    %swap3A_388 = vector.load %arg10[%swap3A_386, %swap3A_387] : memref<256x128xf32, #tpu.memory_space<vmem>>, vector<256x128xf32>
    tpu.vector_store %arg10[%swap3A_386, %swap3A_387], %broadcast_in_dim3A_385 {strides = array<i32>} : memref<256x128xf32, #tpu.memory_space<vmem>>, vector<256x128xf32>,
    %broadcast_in_dim3A_389 = vector.shape_cast %get3A_370 : vector<256x1xi32> to vector<256x1xi32>
    %broadcast_in_dim3A_390 = vector.broadcast %broadcast_in_dim3A_389 : vector<256x1xi32> to vector<256x128xi32>
    %swap3A_391 = arith.constant 0 : index
    %swap3A_392 = arith.constant 0 : index
    %swap3A_393 = vector.load %arg11[%swap3A_391, %swap3A_392] : memref<256x128xi32, #tpu.memory_space<vmem>>, vector<256x128xi32>
    tpu.vector_store %arg11[%swap3A_391, %swap3A_392], %broadcast_in_dim3A_390 {strides = array<i32>} : memref<256x128xi32, #tpu.memory_space<vmem>>, vector<256x128xi32>,
    %broadcast_in_dim3A_394 = vector.shape_cast %get3A_375 : vector<256x1xf32> to vector<256x1xf32>
    %broadcast_in_dim3A_395 = vector.broadcast %broadcast_in_dim3A_394 : vector<256x1xf32> to vector<256x128xf32>
    %swap3A_396 = arith.constant 0 : index
    %swap3A_397 = arith.constant 0 : index
    %swap3A_398 = vector.load %arg12[%swap3A_396, %swap3A_397] : memref<256x128xf32, #tpu.memory_space<vmem>>, vector<256x128xf32>
    tpu.vector_store %arg12[%swap3A_396, %swap3A_397], %broadcast_in_dim3A_395 {strides = array<i32>} : memref<256x128xf32, #tpu.memory_space<vmem>>, vector<256x128xf32>,
    %get3A_399 = arith.index_cast %arg0 : i32 to index
    %get3A_400 = arith.constant 6 : index
    %get3A_401 = memref.load %arg1[%get3A_399, %get3A_400] : memref<16x16xi32, #tpu.memory_space<smem>>
    %get3A_402 = arith.index_cast %arg0 : i32 to index
    %get3A_403 = arith.constant 14 : index
    %get3A_404 = memref.load %arg1[%get3A_402, %get3A_403] : memref<16x16xi32, #tpu.memory_space<smem>>
    %while3A_405 = arith.constant 0 : i32
    %while3A_406 = arith.constant 0 : i32
    %while3A_407 = arith.subi %get3A_404, %while3A_406 : i32
    %while3A_408 = arith.addi %while3A_406, %while3A_407 : i32
    %while3A_409 = arith.constant 1 : i32
    %while3A_410 = arith.divsi %while3A_407, %while3A_409 : i32
    %while3A_411 = arith.muli %while3A_410, %while3A_409 : i32
    %while3A_412 = arith.addi %while3A_406, %while3A_411 : i32
    %while3A_413 = arith.constant 1 : i32
    scf.for %while3A_489 = %while3A_406 to %while3A_412 step %while3A_413  : i32 {
      %get3A_490 = arith.index_cast %while3A_489 : i32 to index
      %get3A_491 = arith.constant 0 : index
      %get3A_492 = arith.constant 0 : index
      %get3A_493 = vector.load %arg9[%get3A_490, %get3A_491, %get3A_492] : memref<4x1x512xf32, #tpu.memory_space<vmem>>, vector<1x1x512xf32>
      %get3A_494 = vector.shape_cast %get3A_493 : vector<1x1x512xf32> to vector<1x512xf32>
      %get3A_495 = arith.constant 0 : index
      %get3A_496 = arith.constant 0 : index
      %get3A_497 = vector.load %arg10[%get3A_495, %get3A_496] : memref<256x128xf32, #tpu.memory_space<vmem>>, vector<256x128xf32>
      %slice3A = vector.extract_strided_slice %get3A_494 {offsets = [0, 0], sizes = [1, 128], strides = [1, 1]} : vector<1x512xf32> to vector<1x128xf32>
      %add3A = vector.broadcast %slice3A : vector<1x128xf32> to vector<256x128xf32>
      %add3A_498 = arith.addf %get3A_497, %add3A : vector<256x128xf32>
      %slice3A_499 = vector.extract_strided_slice %get3A_494 {offsets = [0, 128], sizes = [1, 128], strides = [1, 1]} : vector<1x512xf32> to vector<1x128xf32>
      %add3A_500 = vector.broadcast %slice3A_499 : vector<1x128xf32> to vector<256x128xf32>
      %add3A_501 = arith.addf %get3A_497, %add3A_500 : vector<256x128xf32>
      %mul3A = arith.mulf %add3A_498, %add3A_501 : vector<256x128xf32>
      %slice3A_502 = vector.extract_strided_slice %get3A_494 {offsets = [0, 256], sizes = [1, 128], strides = [1, 1]} : vector<1x512xf32> to vector<1x128xf32>
      %add3A_503 = vector.broadcast %slice3A_502 : vector<1x128xf32> to vector<256x128xf32>
      %add3A_504 = arith.addf %get3A_497, %add3A_503 : vector<256x128xf32>
      %mul3A_505 = arith.mulf %mul3A, %add3A_504 : vector<256x128xf32>
      %slice3A_506 = vector.extract_strided_slice %get3A_494 {offsets = [0, 384], sizes = [1, 128], strides = [1, 1]} : vector<1x512xf32> to vector<1x128xf32>
      %add3A_507 = vector.broadcast %slice3A_506 : vector<1x128xf32> to vector<256x128xf32>
      %add3A_508 = arith.addf %get3A_497, %add3A_507 : vector<256x128xf32>
      %mul3A_509 = arith.mulf %mul3A_505, %add3A_508 : vector<256x128xf32>
      %and3A = arith.constant 1 : i32
      %and3A_510 = arith.andi %while3A_489, %and3A : i32
      %get3A_511 = arith.index_cast %and3A_510 : i32 to index
      %get3A_512 = arith.constant 0 : index
      %get3A_513 = arith.constant 0 : index
      %get3A_514 = vector.load %arg8[%get3A_511, %get3A_512, %get3A_513] : memref<2x256x128xf32, #tpu.memory_space<vmem>>, vector<1x256x128xf32>
      %get3A_515 = vector.shape_cast %get3A_514 : vector<1x256x128xf32> to vector<256x128xf32>
      %log3A = math.log %mul3A_509 : vector<256x128xf32>
      %get3A_516 = arith.constant 0 : index
      %get3A_517 = arith.constant 0 : index
      %get3A_518 = vector.load %arg12[%get3A_516, %get3A_517] : memref<256x128xf32, #tpu.memory_space<vmem>>, vector<256x128xf32>
      %mul3A_519 = arith.mulf %log3A, %get3A_518 : vector<256x128xf32>
      %add3A_520 = arith.addf %get3A_515, %mul3A_519 : vector<256x128xf32>
      %swap3A_521 = arith.index_cast %and3A_510 : i32 to index
      %swap3A_522 = arith.constant 0 : index
      %swap3A_523 = arith.constant 0 : index
      %swap3A_524 = vector.load %arg8[%swap3A_521, %swap3A_522, %swap3A_523] : memref<2x256x128xf32, #tpu.memory_space<vmem>>, vector<1x256x128xf32>
      %swap3A_525 = vector.shape_cast %swap3A_524 : vector<1x256x128xf32> to vector<256x128xf32>
      %swap3A_526 = vector.shape_cast %add3A_520 : vector<256x128xf32> to vector<1x256x128xf32>
      tpu.vector_store %arg8[%swap3A_521, %swap3A_522, %swap3A_523], %swap3A_526 {strides = array<i32>} : memref<2x256x128xf32, #tpu.memory_space<vmem>>, vector<1x256x128xf32>,
    }
    %while3A_414 = arith.constant 1 : i32
    scf.for %while3A_489 = %while3A_412 to %while3A_408 step %while3A_414  : i32 {
      %get3A_490 = arith.index_cast %while3A_489 : i32 to index
      %get3A_491 = arith.constant 0 : index
      %get3A_492 = arith.constant 0 : index
      %get3A_493 = vector.load %arg9[%get3A_490, %get3A_491, %get3A_492] : memref<4x1x512xf32, #tpu.memory_space<vmem>>, vector<1x1x512xf32>
      %get3A_494 = vector.shape_cast %get3A_493 : vector<1x1x512xf32> to vector<1x512xf32>
      %get3A_495 = arith.constant 0 : index
      %get3A_496 = arith.constant 0 : index
      %get3A_497 = vector.load %arg10[%get3A_495, %get3A_496] : memref<256x128xf32, #tpu.memory_space<vmem>>, vector<256x128xf32>
      %slice3A = vector.extract_strided_slice %get3A_494 {offsets = [0, 0], sizes = [1, 128], strides = [1, 1]} : vector<1x512xf32> to vector<1x128xf32>
      %add3A = vector.broadcast %slice3A : vector<1x128xf32> to vector<256x128xf32>
      %add3A_498 = arith.addf %get3A_497, %add3A : vector<256x128xf32>
      %slice3A_499 = vector.extract_strided_slice %get3A_494 {offsets = [0, 128], sizes = [1, 128], strides = [1, 1]} : vector<1x512xf32> to vector<1x128xf32>
      %add3A_500 = vector.broadcast %slice3A_499 : vector<1x128xf32> to vector<256x128xf32>
      %add3A_501 = arith.addf %get3A_497, %add3A_500 : vector<256x128xf32>
      %mul3A = arith.mulf %add3A_498, %add3A_501 : vector<256x128xf32>
      %slice3A_502 = vector.extract_strided_slice %get3A_494 {offsets = [0, 256], sizes = [1, 128], strides = [1, 1]} : vector<1x512xf32> to vector<1x128xf32>
      %add3A_503 = vector.broadcast %slice3A_502 : vector<1x128xf32> to vector<256x128xf32>
      %add3A_504 = arith.addf %get3A_497, %add3A_503 : vector<256x128xf32>
      %mul3A_505 = arith.mulf %mul3A, %add3A_504 : vector<256x128xf32>
      %slice3A_506 = vector.extract_strided_slice %get3A_494 {offsets = [0, 384], sizes = [1, 128], strides = [1, 1]} : vector<1x512xf32> to vector<1x128xf32>
      %add3A_507 = vector.broadcast %slice3A_506 : vector<1x128xf32> to vector<256x128xf32>
      %add3A_508 = arith.addf %get3A_497, %add3A_507 : vector<256x128xf32>
      %mul3A_509 = arith.mulf %mul3A_505, %add3A_508 : vector<256x128xf32>
      %and3A = arith.constant 1 : i32
      %and3A_510 = arith.andi %while3A_489, %and3A : i32
      %get3A_511 = arith.index_cast %and3A_510 : i32 to index
      %get3A_512 = arith.constant 0 : index
      %get3A_513 = arith.constant 0 : index
      %get3A_514 = vector.load %arg8[%get3A_511, %get3A_512, %get3A_513] : memref<2x256x128xf32, #tpu.memory_space<vmem>>, vector<1x256x128xf32>
      %get3A_515 = vector.shape_cast %get3A_514 : vector<1x256x128xf32> to vector<256x128xf32>
      %log3A = math.log %mul3A_509 : vector<256x128xf32>
      %get3A_516 = arith.constant 0 : index
      %get3A_517 = arith.constant 0 : index
      %get3A_518 = vector.load %arg12[%get3A_516, %get3A_517] : memref<256x128xf32, #tpu.memory_space<vmem>>, vector<256x128xf32>
      %mul3A_519 = arith.mulf %log3A, %get3A_518 : vector<256x128xf32>
      %add3A_520 = arith.addf %get3A_515, %mul3A_519 : vector<256x128xf32>
      %swap3A_521 = arith.index_cast %and3A_510 : i32 to index
      %swap3A_522 = arith.constant 0 : index
      %swap3A_523 = arith.constant 0 : index
      %swap3A_524 = vector.load %arg8[%swap3A_521, %swap3A_522, %swap3A_523] : memref<2x256x128xf32, #tpu.memory_space<vmem>>, vector<1x256x128xf32>
      %swap3A_525 = vector.shape_cast %swap3A_524 : vector<1x256x128xf32> to vector<256x128xf32>
      %swap3A_526 = vector.shape_cast %add3A_520 : vector<256x128xf32> to vector<1x256x128xf32>
      tpu.vector_store %arg8[%swap3A_521, %swap3A_522, %swap3A_523], %swap3A_526 {strides = array<i32>} : memref<2x256x128xf32, #tpu.memory_space<vmem>>, vector<1x256x128xf32>,
    }
    %while3A_415 = arith.constant 0 : i32
    %while3A_416 = arith.constant 1.000000e+00 : f32
    %while3A_417 = arith.subi %get3A_401, %get3A_404 : i32
    %while3A_418 = arith.addi %get3A_404, %while3A_417 : i32
    %while3A_419 = arith.constant 1 : i32
    %while3A_420 = arith.divsi %while3A_417, %while3A_419 : i32
    %while3A_421 = arith.muli %while3A_420, %while3A_419 : i32
    %while3A_422 = arith.addi %get3A_404, %while3A_421 : i32
    %while3A_423 = arith.constant 1 : i32
    scf.for %while3A_489 = %get3A_404 to %while3A_422 step %while3A_423  : i32 {
      %get3A_490 = arith.index_cast %while3A_489 : i32 to index
      %get3A_491 = arith.constant 0 : index
      %get3A_492 = arith.constant 0 : index
      %get3A_493 = vector.load %arg9[%get3A_490, %get3A_491, %get3A_492] : memref<4x1x512xf32, #tpu.memory_space<vmem>>, vector<1x1x512xf32>
      %get3A_494 = vector.shape_cast %get3A_493 : vector<1x1x512xf32> to vector<1x512xf32>
      %get3A_495 = arith.constant 0 : index
      %get3A_496 = arith.constant 0 : index
      %get3A_497 = vector.load %arg10[%get3A_495, %get3A_496] : memref<256x128xf32, #tpu.memory_space<vmem>>, vector<256x128xf32>
      %get3A_498 = arith.constant 0 : index
      %get3A_499 = arith.constant 0 : index
      %get3A_500 = vector.load %arg11[%get3A_498, %get3A_499] : memref<256x128xi32, #tpu.memory_space<vmem>>, vector<256x128xi32>
      %broadcast_in_dim3A_501 = vector.broadcast %while3A_416 : f32 to vector<256x128xf32>
      %slice3A = vector.extract_strided_slice %get3A_494 {offsets = [0, 0], sizes = [1, 128], strides = [1, 1]} : vector<1x512xf32> to vector<1x128xf32>
      %mul3A = arith.constant 512 : i32
      %mul3A_502 = arith.muli %while3A_489, %mul3A : i32
      %add3A = arith.constant 0 : i32
      %add3A_503 = arith.addi %mul3A_502, %add3A : i32
      %add3A_504 = vector.broadcast %add3A_503 : i32 to vector<1x128xi32>
      %add3A_505 = arith.addi %iota3A, %add3A_504 : vector<1x128xi32>
      %lt3A = vector.broadcast %add3A_505 : vector<1x128xi32> to vector<256x128xi32>
      %lt3A_506 = arith.cmpi slt, %lt3A, %get3A_500 : vector<256x128xi32>
      %add3A_507 = vector.broadcast %slice3A : vector<1x128xf32> to vector<256x128xf32>
      %add3A_508 = arith.addf %get3A_497, %add3A_507 : vector<256x128xf32>
      %broadcast_in_dim3A_509 = vector.broadcast %while3A_416 : f32 to vector<256x128xf32>
      %select_n3A = arith.select %lt3A_506, %add3A_508, %broadcast_in_dim3A_509 : vector<256x128xi1>, vector<256x128xf32>
      %mul3A_510 = arith.mulf %broadcast_in_dim3A_501, %select_n3A : vector<256x128xf32>
      %slice3A_511 = vector.extract_strided_slice %get3A_494 {offsets = [0, 128], sizes = [1, 128], strides = [1, 1]} : vector<1x512xf32> to vector<1x128xf32>
      %mul3A_512 = arith.constant 512 : i32
      %mul3A_513 = arith.muli %while3A_489, %mul3A_512 : i32
      %add3A_514 = arith.constant 128 : i32
      %add3A_515 = arith.addi %mul3A_513, %add3A_514 : i32
      %add3A_516 = vector.broadcast %add3A_515 : i32 to vector<1x128xi32>
      %add3A_517 = arith.addi %iota3A, %add3A_516 : vector<1x128xi32>
      %lt3A_518 = vector.broadcast %add3A_517 : vector<1x128xi32> to vector<256x128xi32>
      %lt3A_519 = arith.cmpi slt, %lt3A_518, %get3A_500 : vector<256x128xi32>
      %add3A_520 = vector.broadcast %slice3A_511 : vector<1x128xf32> to vector<256x128xf32>
      %add3A_521 = arith.addf %get3A_497, %add3A_520 : vector<256x128xf32>
      %broadcast_in_dim3A_522 = vector.broadcast %while3A_416 : f32 to vector<256x128xf32>
      %select_n3A_523 = arith.select %lt3A_519, %add3A_521, %broadcast_in_dim3A_522 : vector<256x128xi1>, vector<256x128xf32>
      %mul3A_524 = arith.mulf %mul3A_510, %select_n3A_523 : vector<256x128xf32>
      %slice3A_525 = vector.extract_strided_slice %get3A_494 {offsets = [0, 256], sizes = [1, 128], strides = [1, 1]} : vector<1x512xf32> to vector<1x128xf32>
      %mul3A_526 = arith.constant 512 : i32
      %mul3A_527 = arith.muli %while3A_489, %mul3A_526 : i32
      %add3A_528 = arith.constant 256 : i32
      %add3A_529 = arith.addi %mul3A_527, %add3A_528 : i32
      %add3A_530 = vector.broadcast %add3A_529 : i32 to vector<1x128xi32>
      %add3A_531 = arith.addi %iota3A, %add3A_530 : vector<1x128xi32>
      %lt3A_532 = vector.broadcast %add3A_531 : vector<1x128xi32> to vector<256x128xi32>
      %lt3A_533 = arith.cmpi slt, %lt3A_532, %get3A_500 : vector<256x128xi32>
      %add3A_534 = vector.broadcast %slice3A_525 : vector<1x128xf32> to vector<256x128xf32>
      %add3A_535 = arith.addf %get3A_497, %add3A_534 : vector<256x128xf32>
      %broadcast_in_dim3A_536 = vector.broadcast %while3A_416 : f32 to vector<256x128xf32>
      %select_n3A_537 = arith.select %lt3A_533, %add3A_535, %broadcast_in_dim3A_536 : vector<256x128xi1>, vector<256x128xf32>
      %mul3A_538 = arith.mulf %mul3A_524, %select_n3A_537 : vector<256x128xf32>
      %slice3A_539 = vector.extract_strided_slice %get3A_494 {offsets = [0, 384], sizes = [1, 128], strides = [1, 1]} : vector<1x512xf32> to vector<1x128xf32>
      %mul3A_540 = arith.constant 512 : i32
      %mul3A_541 = arith.muli %while3A_489, %mul3A_540 : i32
      %add3A_542 = arith.constant 384 : i32
      %add3A_543 = arith.addi %mul3A_541, %add3A_542 : i32
      %add3A_544 = vector.broadcast %add3A_543 : i32 to vector<1x128xi32>
      %add3A_545 = arith.addi %iota3A, %add3A_544 : vector<1x128xi32>
      %lt3A_546 = vector.broadcast %add3A_545 : vector<1x128xi32> to vector<256x128xi32>
      %lt3A_547 = arith.cmpi slt, %lt3A_546, %get3A_500 : vector<256x128xi32>
      %add3A_548 = vector.broadcast %slice3A_539 : vector<1x128xf32> to vector<256x128xf32>
      %add3A_549 = arith.addf %get3A_497, %add3A_548 : vector<256x128xf32>
      %broadcast_in_dim3A_550 = vector.broadcast %while3A_416 : f32 to vector<256x128xf32>
      %select_n3A_551 = arith.select %lt3A_547, %add3A_549, %broadcast_in_dim3A_550 : vector<256x128xi1>, vector<256x128xf32>
      %mul3A_552 = arith.mulf %mul3A_538, %select_n3A_551 : vector<256x128xf32>
      %and3A = arith.constant 1 : i32
      %and3A_553 = arith.andi %while3A_489, %and3A : i32
      %get3A_554 = arith.index_cast %and3A_553 : i32 to index
      %get3A_555 = arith.constant 0 : index
      %get3A_556 = arith.constant 0 : index
      %get3A_557 = vector.load %arg8[%get3A_554, %get3A_555, %get3A_556] : memref<2x256x128xf32, #tpu.memory_space<vmem>>, vector<1x256x128xf32>
      %get3A_558 = vector.shape_cast %get3A_557 : vector<1x256x128xf32> to vector<256x128xf32>
      %log3A = math.log %mul3A_552 : vector<256x128xf32>
      %get3A_559 = arith.constant 0 : index
      %get3A_560 = arith.constant 0 : index
      %get3A_561 = vector.load %arg12[%get3A_559, %get3A_560] : memref<256x128xf32, #tpu.memory_space<vmem>>, vector<256x128xf32>
      %mul3A_562 = arith.mulf %log3A, %get3A_561 : vector<256x128xf32>
      %add3A_563 = arith.addf %get3A_558, %mul3A_562 : vector<256x128xf32>
      %swap3A_564 = arith.index_cast %and3A_553 : i32 to index
      %swap3A_565 = arith.constant 0 : index
      %swap3A_566 = arith.constant 0 : index
      %swap3A_567 = vector.load %arg8[%swap3A_564, %swap3A_565, %swap3A_566] : memref<2x256x128xf32, #tpu.memory_space<vmem>>, vector<1x256x128xf32>
      %swap3A_568 = vector.shape_cast %swap3A_567 : vector<1x256x128xf32> to vector<256x128xf32>
      %swap3A_569 = vector.shape_cast %add3A_563 : vector<256x128xf32> to vector<1x256x128xf32>
      tpu.vector_store %arg8[%swap3A_564, %swap3A_565, %swap3A_566], %swap3A_569 {strides = array<i32>} : memref<2x256x128xf32, #tpu.memory_space<vmem>>, vector<1x256x128xf32>,
    }
    %while3A_424 = arith.constant 1 : i32
    scf.for %while3A_489 = %while3A_422 to %while3A_418 step %while3A_424  : i32 {
      %get3A_490 = arith.index_cast %while3A_489 : i32 to index
      %get3A_491 = arith.constant 0 : index
      %get3A_492 = arith.constant 0 : index
      %get3A_493 = vector.load %arg9[%get3A_490, %get3A_491, %get3A_492] : memref<4x1x512xf32, #tpu.memory_space<vmem>>, vector<1x1x512xf32>
      %get3A_494 = vector.shape_cast %get3A_493 : vector<1x1x512xf32> to vector<1x512xf32>
      %get3A_495 = arith.constant 0 : index
      %get3A_496 = arith.constant 0 : index
      %get3A_497 = vector.load %arg10[%get3A_495, %get3A_496] : memref<256x128xf32, #tpu.memory_space<vmem>>, vector<256x128xf32>
      %get3A_498 = arith.constant 0 : index
      %get3A_499 = arith.constant 0 : index
      %get3A_500 = vector.load %arg11[%get3A_498, %get3A_499] : memref<256x128xi32, #tpu.memory_space<vmem>>, vector<256x128xi32>
      %broadcast_in_dim3A_501 = vector.broadcast %while3A_416 : f32 to vector<256x128xf32>
      %slice3A = vector.extract_strided_slice %get3A_494 {offsets = [0, 0], sizes = [1, 128], strides = [1, 1]} : vector<1x512xf32> to vector<1x128xf32>
      %mul3A = arith.constant 512 : i32
      %mul3A_502 = arith.muli %while3A_489, %mul3A : i32
      %add3A = arith.constant 0 : i32
      %add3A_503 = arith.addi %mul3A_502, %add3A : i32
      %add3A_504 = vector.broadcast %add3A_503 : i32 to vector<1x128xi32>
      %add3A_505 = arith.addi %iota3A, %add3A_504 : vector<1x128xi32>
      %lt3A = vector.broadcast %add3A_505 : vector<1x128xi32> to vector<256x128xi32>
      %lt3A_506 = arith.cmpi slt, %lt3A, %get3A_500 : vector<256x128xi32>
      %add3A_507 = vector.broadcast %slice3A : vector<1x128xf32> to vector<256x128xf32>
      %add3A_508 = arith.addf %get3A_497, %add3A_507 : vector<256x128xf32>
      %broadcast_in_dim3A_509 = vector.broadcast %while3A_416 : f32 to vector<256x128xf32>
      %select_n3A = arith.select %lt3A_506, %add3A_508, %broadcast_in_dim3A_509 : vector<256x128xi1>, vector<256x128xf32>
      %mul3A_510 = arith.mulf %broadcast_in_dim3A_501, %select_n3A : vector<256x128xf32>
      %slice3A_511 = vector.extract_strided_slice %get3A_494 {offsets = [0, 128], sizes = [1, 128], strides = [1, 1]} : vector<1x512xf32> to vector<1x128xf32>
      %mul3A_512 = arith.constant 512 : i32
      %mul3A_513 = arith.muli %while3A_489, %mul3A_512 : i32
      %add3A_514 = arith.constant 128 : i32
      %add3A_515 = arith.addi %mul3A_513, %add3A_514 : i32
      %add3A_516 = vector.broadcast %add3A_515 : i32 to vector<1x128xi32>
      %add3A_517 = arith.addi %iota3A, %add3A_516 : vector<1x128xi32>
      %lt3A_518 = vector.broadcast %add3A_517 : vector<1x128xi32> to vector<256x128xi32>
      %lt3A_519 = arith.cmpi slt, %lt3A_518, %get3A_500 : vector<256x128xi32>
      %add3A_520 = vector.broadcast %slice3A_511 : vector<1x128xf32> to vector<256x128xf32>
      %add3A_521 = arith.addf %get3A_497, %add3A_520 : vector<256x128xf32>
      %broadcast_in_dim3A_522 = vector.broadcast %while3A_416 : f32 to vector<256x128xf32>
      %select_n3A_523 = arith.select %lt3A_519, %add3A_521, %broadcast_in_dim3A_522 : vector<256x128xi1>, vector<256x128xf32>
      %mul3A_524 = arith.mulf %mul3A_510, %select_n3A_523 : vector<256x128xf32>
      %slice3A_525 = vector.extract_strided_slice %get3A_494 {offsets = [0, 256], sizes = [1, 128], strides = [1, 1]} : vector<1x512xf32> to vector<1x128xf32>
      %mul3A_526 = arith.constant 512 : i32
      %mul3A_527 = arith.muli %while3A_489, %mul3A_526 : i32
      %add3A_528 = arith.constant 256 : i32
      %add3A_529 = arith.addi %mul3A_527, %add3A_528 : i32
      %add3A_530 = vector.broadcast %add3A_529 : i32 to vector<1x128xi32>
      %add3A_531 = arith.addi %iota3A, %add3A_530 : vector<1x128xi32>
      %lt3A_532 = vector.broadcast %add3A_531 : vector<1x128xi32> to vector<256x128xi32>
      %lt3A_533 = arith.cmpi slt, %lt3A_532, %get3A_500 : vector<256x128xi32>
      %add3A_534 = vector.broadcast %slice3A_525 : vector<1x128xf32> to vector<256x128xf32>
      %add3A_535 = arith.addf %get3A_497, %add3A_534 : vector<256x128xf32>
      %broadcast_in_dim3A_536 = vector.broadcast %while3A_416 : f32 to vector<256x128xf32>
      %select_n3A_537 = arith.select %lt3A_533, %add3A_535, %broadcast_in_dim3A_536 : vector<256x128xi1>, vector<256x128xf32>
      %mul3A_538 = arith.mulf %mul3A_524, %select_n3A_537 : vector<256x128xf32>
      %slice3A_539 = vector.extract_strided_slice %get3A_494 {offsets = [0, 384], sizes = [1, 128], strides = [1, 1]} : vector<1x512xf32> to vector<1x128xf32>
      %mul3A_540 = arith.constant 512 : i32
      %mul3A_541 = arith.muli %while3A_489, %mul3A_540 : i32
      %add3A_542 = arith.constant 384 : i32
      %add3A_543 = arith.addi %mul3A_541, %add3A_542 : i32
      %add3A_544 = vector.broadcast %add3A_543 : i32 to vector<1x128xi32>
      %add3A_545 = arith.addi %iota3A, %add3A_544 : vector<1x128xi32>
      %lt3A_546 = vector.broadcast %add3A_545 : vector<1x128xi32> to vector<256x128xi32>
      %lt3A_547 = arith.cmpi slt, %lt3A_546, %get3A_500 : vector<256x128xi32>
      %add3A_548 = vector.broadcast %slice3A_539 : vector<1x128xf32> to vector<256x128xf32>
      %add3A_549 = arith.addf %get3A_497, %add3A_548 : vector<256x128xf32>
      %broadcast_in_dim3A_550 = vector.broadcast %while3A_416 : f32 to vector<256x128xf32>
      %select_n3A_551 = arith.select %lt3A_547, %add3A_549, %broadcast_in_dim3A_550 : vector<256x128xi1>, vector<256x128xf32>
      %mul3A_552 = arith.mulf %mul3A_538, %select_n3A_551 : vector<256x128xf32>
      %and3A = arith.constant 1 : i32
      %and3A_553 = arith.andi %while3A_489, %and3A : i32
      %get3A_554 = arith.index_cast %and3A_553 : i32 to index
      %get3A_555 = arith.constant 0 : index
      %get3A_556 = arith.constant 0 : index
      %get3A_557 = vector.load %arg8[%get3A_554, %get3A_555, %get3A_556] : memref<2x256x128xf32, #tpu.memory_space<vmem>>, vector<1x256x128xf32>
      %get3A_558 = vector.shape_cast %get3A_557 : vector<1x256x128xf32> to vector<256x128xf32>
      %log3A = math.log %mul3A_552 : vector<256x128xf32>
      %get3A_559 = arith.constant 0 : index
      %get3A_560 = arith.constant 0 : index
      %get3A_561 = vector.load %arg12[%get3A_559, %get3A_560] : memref<256x128xf32, #tpu.memory_space<vmem>>, vector<256x128xf32>
      %mul3A_562 = arith.mulf %log3A, %get3A_561 : vector<256x128xf32>
      %add3A_563 = arith.addf %get3A_558, %mul3A_562 : vector<256x128xf32>
      %swap3A_564 = arith.index_cast %and3A_553 : i32 to index
      %swap3A_565 = arith.constant 0 : index
      %swap3A_566 = arith.constant 0 : index
      %swap3A_567 = vector.load %arg8[%swap3A_564, %swap3A_565, %swap3A_566] : memref<2x256x128xf32, #tpu.memory_space<vmem>>, vector<1x256x128xf32>
      %swap3A_568 = vector.shape_cast %swap3A_567 : vector<1x256x128xf32> to vector<256x128xf32>
      %swap3A_569 = vector.shape_cast %add3A_563 : vector<256x128xf32> to vector<1x256x128xf32>
      tpu.vector_store %arg8[%swap3A_564, %swap3A_565, %swap3A_566], %swap3A_569 {strides = array<i32>} : memref<2x256x128xf32, #tpu.memory_space<vmem>>, vector<1x256x128xf32>,
    }
    %get3A_425 = arith.constant 0 : index
    %get3A_426 = arith.constant 1792 : index
    %get3A_427 = arith.constant 0 : index
    %get3A_428 = vector.load %arg5[%get3A_425, %get3A_426, %get3A_427] : memref<1x2048x1xi32, #tpu.memory_space<vmem>>, vector<1x256x1xi32>
    %get3A_429 = vector.shape_cast %get3A_428 : vector<1x256x1xi32> to vector<256x1xi32>
    %get3A_430 = arith.constant 0 : index
    %get3A_431 = arith.constant 1792 : index
    %get3A_432 = arith.constant 0 : index
    %get3A_433 = vector.load %arg6[%get3A_430, %get3A_431, %get3A_432] : memref<1x2048x1xf32, #tpu.memory_space<vmem>>, vector<1x256x1xf32>
    %get3A_434 = vector.shape_cast %get3A_433 : vector<1x256x1xf32> to vector<256x1xf32>
    %get3A_435 = arith.constant 0 : index
    %get3A_436 = arith.constant 1792 : index
    %get3A_437 = arith.constant 0 : index
    %get3A_438 = vector.load %arg4[%get3A_435, %get3A_436, %get3A_437] : memref<1x2048x1xf32, #tpu.memory_space<vmem>>, vector<1x256x1xf32>
    %get3A_439 = vector.shape_cast %get3A_438 : vector<1x256x1xf32> to vector<256x1xf32>
    %sub3A_440 = vector.broadcast %get3A_3 : f32 to vector<256x1xf32>
    %sub3A_441 = arith.subf %get3A_439, %sub3A_440 : vector<256x1xf32>
    %exp3A_442 = math.exp %sub3A_441 : vector<256x1xf32>
    %broadcast_in_dim3A_443 = vector.shape_cast %exp3A_442 : vector<256x1xf32> to vector<256x1xf32>
    %broadcast_in_dim3A_444 = vector.broadcast %broadcast_in_dim3A_443 : vector<256x1xf32> to vector<256x128xf32>
    %swap3A_445 = arith.constant 0 : index
    %swap3A_446 = arith.constant 0 : index
    %swap3A_447 = vector.load %arg10[%swap3A_445, %swap3A_446] : memref<256x128xf32, #tpu.memory_space<vmem>>, vector<256x128xf32>
    tpu.vector_store %arg10[%swap3A_445, %swap3A_446], %broadcast_in_dim3A_444 {strides = array<i32>} : memref<256x128xf32, #tpu.memory_space<vmem>>, vector<256x128xf32>,
    %broadcast_in_dim3A_448 = vector.shape_cast %get3A_429 : vector<256x1xi32> to vector<256x1xi32>
    %broadcast_in_dim3A_449 = vector.broadcast %broadcast_in_dim3A_448 : vector<256x1xi32> to vector<256x128xi32>
    %swap3A_450 = arith.constant 0 : index
    %swap3A_451 = arith.constant 0 : index
    %swap3A_452 = vector.load %arg11[%swap3A_450, %swap3A_451] : memref<256x128xi32, #tpu.memory_space<vmem>>, vector<256x128xi32>
    tpu.vector_store %arg11[%swap3A_450, %swap3A_451], %broadcast_in_dim3A_449 {strides = array<i32>} : memref<256x128xi32, #tpu.memory_space<vmem>>, vector<256x128xi32>,
    %broadcast_in_dim3A_453 = vector.shape_cast %get3A_434 : vector<256x1xf32> to vector<256x1xf32>
    %broadcast_in_dim3A_454 = vector.broadcast %broadcast_in_dim3A_453 : vector<256x1xf32> to vector<256x128xf32>
    %swap3A_455 = arith.constant 0 : index
    %swap3A_456 = arith.constant 0 : index
    %swap3A_457 = vector.load %arg12[%swap3A_455, %swap3A_456] : memref<256x128xf32, #tpu.memory_space<vmem>>, vector<256x128xf32>
    tpu.vector_store %arg12[%swap3A_455, %swap3A_456], %broadcast_in_dim3A_454 {strides = array<i32>} : memref<256x128xf32, #tpu.memory_space<vmem>>, vector<256x128xf32>,
    %get3A_458 = arith.index_cast %arg0 : i32 to index
    %get3A_459 = arith.constant 7 : index
    %get3A_460 = memref.load %arg1[%get3A_458, %get3A_459] : memref<16x16xi32, #tpu.memory_space<smem>>
    %get3A_461 = arith.index_cast %arg0 : i32 to index
    %get3A_462 = arith.constant 15 : index
    %get3A_463 = memref.load %arg1[%get3A_461, %get3A_462] : memref<16x16xi32, #tpu.memory_space<smem>>
    %while3A_464 = arith.constant 0 : i32
    %while3A_465 = arith.constant 0 : i32
    %while3A_466 = arith.subi %get3A_463, %while3A_465 : i32
    %while3A_467 = arith.addi %while3A_465, %while3A_466 : i32
    %while3A_468 = arith.constant 1 : i32
    %while3A_469 = arith.divsi %while3A_466, %while3A_468 : i32
    %while3A_470 = arith.muli %while3A_469, %while3A_468 : i32
    %while3A_471 = arith.addi %while3A_465, %while3A_470 : i32
    %while3A_472 = arith.constant 1 : i32
    scf.for %while3A_489 = %while3A_465 to %while3A_471 step %while3A_472  : i32 {
      %get3A_490 = arith.index_cast %while3A_489 : i32 to index
      %get3A_491 = arith.constant 0 : index
      %get3A_492 = arith.constant 0 : index
      %get3A_493 = vector.load %arg9[%get3A_490, %get3A_491, %get3A_492] : memref<4x1x512xf32, #tpu.memory_space<vmem>>, vector<1x1x512xf32>
      %get3A_494 = vector.shape_cast %get3A_493 : vector<1x1x512xf32> to vector<1x512xf32>
      %get3A_495 = arith.constant 0 : index
      %get3A_496 = arith.constant 0 : index
      %get3A_497 = vector.load %arg10[%get3A_495, %get3A_496] : memref<256x128xf32, #tpu.memory_space<vmem>>, vector<256x128xf32>
      %slice3A = vector.extract_strided_slice %get3A_494 {offsets = [0, 0], sizes = [1, 128], strides = [1, 1]} : vector<1x512xf32> to vector<1x128xf32>
      %add3A = vector.broadcast %slice3A : vector<1x128xf32> to vector<256x128xf32>
      %add3A_498 = arith.addf %get3A_497, %add3A : vector<256x128xf32>
      %slice3A_499 = vector.extract_strided_slice %get3A_494 {offsets = [0, 128], sizes = [1, 128], strides = [1, 1]} : vector<1x512xf32> to vector<1x128xf32>
      %add3A_500 = vector.broadcast %slice3A_499 : vector<1x128xf32> to vector<256x128xf32>
      %add3A_501 = arith.addf %get3A_497, %add3A_500 : vector<256x128xf32>
      %mul3A = arith.mulf %add3A_498, %add3A_501 : vector<256x128xf32>
      %slice3A_502 = vector.extract_strided_slice %get3A_494 {offsets = [0, 256], sizes = [1, 128], strides = [1, 1]} : vector<1x512xf32> to vector<1x128xf32>
      %add3A_503 = vector.broadcast %slice3A_502 : vector<1x128xf32> to vector<256x128xf32>
      %add3A_504 = arith.addf %get3A_497, %add3A_503 : vector<256x128xf32>
      %mul3A_505 = arith.mulf %mul3A, %add3A_504 : vector<256x128xf32>
      %slice3A_506 = vector.extract_strided_slice %get3A_494 {offsets = [0, 384], sizes = [1, 128], strides = [1, 1]} : vector<1x512xf32> to vector<1x128xf32>
      %add3A_507 = vector.broadcast %slice3A_506 : vector<1x128xf32> to vector<256x128xf32>
      %add3A_508 = arith.addf %get3A_497, %add3A_507 : vector<256x128xf32>
      %mul3A_509 = arith.mulf %mul3A_505, %add3A_508 : vector<256x128xf32>
      %and3A = arith.constant 1 : i32
      %and3A_510 = arith.andi %while3A_489, %and3A : i32
      %get3A_511 = arith.index_cast %and3A_510 : i32 to index
      %get3A_512 = arith.constant 0 : index
      %get3A_513 = arith.constant 0 : index
      %get3A_514 = vector.load %arg8[%get3A_511, %get3A_512, %get3A_513] : memref<2x256x128xf32, #tpu.memory_space<vmem>>, vector<1x256x128xf32>
      %get3A_515 = vector.shape_cast %get3A_514 : vector<1x256x128xf32> to vector<256x128xf32>
      %log3A = math.log %mul3A_509 : vector<256x128xf32>
      %get3A_516 = arith.constant 0 : index
      %get3A_517 = arith.constant 0 : index
      %get3A_518 = vector.load %arg12[%get3A_516, %get3A_517] : memref<256x128xf32, #tpu.memory_space<vmem>>, vector<256x128xf32>
      %mul3A_519 = arith.mulf %log3A, %get3A_518 : vector<256x128xf32>
      %add3A_520 = arith.addf %get3A_515, %mul3A_519 : vector<256x128xf32>
      %swap3A_521 = arith.index_cast %and3A_510 : i32 to index
      %swap3A_522 = arith.constant 0 : index
      %swap3A_523 = arith.constant 0 : index
      %swap3A_524 = vector.load %arg8[%swap3A_521, %swap3A_522, %swap3A_523] : memref<2x256x128xf32, #tpu.memory_space<vmem>>, vector<1x256x128xf32>
      %swap3A_525 = vector.shape_cast %swap3A_524 : vector<1x256x128xf32> to vector<256x128xf32>
      %swap3A_526 = vector.shape_cast %add3A_520 : vector<256x128xf32> to vector<1x256x128xf32>
      tpu.vector_store %arg8[%swap3A_521, %swap3A_522, %swap3A_523], %swap3A_526 {strides = array<i32>} : memref<2x256x128xf32, #tpu.memory_space<vmem>>, vector<1x256x128xf32>,
    }
    %while3A_473 = arith.constant 1 : i32
    scf.for %while3A_489 = %while3A_471 to %while3A_467 step %while3A_473  : i32 {
      %get3A_490 = arith.index_cast %while3A_489 : i32 to index
      %get3A_491 = arith.constant 0 : index
      %get3A_492 = arith.constant 0 : index
      %get3A_493 = vector.load %arg9[%get3A_490, %get3A_491, %get3A_492] : memref<4x1x512xf32, #tpu.memory_space<vmem>>, vector<1x1x512xf32>
      %get3A_494 = vector.shape_cast %get3A_493 : vector<1x1x512xf32> to vector<1x512xf32>
      %get3A_495 = arith.constant 0 : index
      %get3A_496 = arith.constant 0 : index
      %get3A_497 = vector.load %arg10[%get3A_495, %get3A_496] : memref<256x128xf32, #tpu.memory_space<vmem>>, vector<256x128xf32>
      %slice3A = vector.extract_strided_slice %get3A_494 {offsets = [0, 0], sizes = [1, 128], strides = [1, 1]} : vector<1x512xf32> to vector<1x128xf32>
      %add3A = vector.broadcast %slice3A : vector<1x128xf32> to vector<256x128xf32>
      %add3A_498 = arith.addf %get3A_497, %add3A : vector<256x128xf32>
      %slice3A_499 = vector.extract_strided_slice %get3A_494 {offsets = [0, 128], sizes = [1, 128], strides = [1, 1]} : vector<1x512xf32> to vector<1x128xf32>
      %add3A_500 = vector.broadcast %slice3A_499 : vector<1x128xf32> to vector<256x128xf32>
      %add3A_501 = arith.addf %get3A_497, %add3A_500 : vector<256x128xf32>
      %mul3A = arith.mulf %add3A_498, %add3A_501 : vector<256x128xf32>
      %slice3A_502 = vector.extract_strided_slice %get3A_494 {offsets = [0, 256], sizes = [1, 128], strides = [1, 1]} : vector<1x512xf32> to vector<1x128xf32>
      %add3A_503 = vector.broadcast %slice3A_502 : vector<1x128xf32> to vector<256x128xf32>
      %add3A_504 = arith.addf %get3A_497, %add3A_503 : vector<256x128xf32>
      %mul3A_505 = arith.mulf %mul3A, %add3A_504 : vector<256x128xf32>
      %slice3A_506 = vector.extract_strided_slice %get3A_494 {offsets = [0, 384], sizes = [1, 128], strides = [1, 1]} : vector<1x512xf32> to vector<1x128xf32>
      %add3A_507 = vector.broadcast %slice3A_506 : vector<1x128xf32> to vector<256x128xf32>
      %add3A_508 = arith.addf %get3A_497, %add3A_507 : vector<256x128xf32>
      %mul3A_509 = arith.mulf %mul3A_505, %add3A_508 : vector<256x128xf32>
      %and3A = arith.constant 1 : i32
      %and3A_510 = arith.andi %while3A_489, %and3A : i32
      %get3A_511 = arith.index_cast %and3A_510 : i32 to index
      %get3A_512 = arith.constant 0 : index
      %get3A_513 = arith.constant 0 : index
      %get3A_514 = vector.load %arg8[%get3A_511, %get3A_512, %get3A_513] : memref<2x256x128xf32, #tpu.memory_space<vmem>>, vector<1x256x128xf32>
      %get3A_515 = vector.shape_cast %get3A_514 : vector<1x256x128xf32> to vector<256x128xf32>
      %log3A = math.log %mul3A_509 : vector<256x128xf32>
      %get3A_516 = arith.constant 0 : index
      %get3A_517 = arith.constant 0 : index
      %get3A_518 = vector.load %arg12[%get3A_516, %get3A_517] : memref<256x128xf32, #tpu.memory_space<vmem>>, vector<256x128xf32>
      %mul3A_519 = arith.mulf %log3A, %get3A_518 : vector<256x128xf32>
      %add3A_520 = arith.addf %get3A_515, %mul3A_519 : vector<256x128xf32>
      %swap3A_521 = arith.index_cast %and3A_510 : i32 to index
      %swap3A_522 = arith.constant 0 : index
      %swap3A_523 = arith.constant 0 : index
      %swap3A_524 = vector.load %arg8[%swap3A_521, %swap3A_522, %swap3A_523] : memref<2x256x128xf32, #tpu.memory_space<vmem>>, vector<1x256x128xf32>
      %swap3A_525 = vector.shape_cast %swap3A_524 : vector<1x256x128xf32> to vector<256x128xf32>
      %swap3A_526 = vector.shape_cast %add3A_520 : vector<256x128xf32> to vector<1x256x128xf32>
      tpu.vector_store %arg8[%swap3A_521, %swap3A_522, %swap3A_523], %swap3A_526 {strides = array<i32>} : memref<2x256x128xf32, #tpu.memory_space<vmem>>, vector<1x256x128xf32>,
    }
    %while3A_474 = arith.constant 0 : i32
    %while3A_475 = arith.constant 1.000000e+00 : f32
    %while3A_476 = arith.subi %get3A_460, %get3A_463 : i32
    %while3A_477 = arith.addi %get3A_463, %while3A_476 : i32
    %while3A_478 = arith.constant 1 : i32
    %while3A_479 = arith.divsi %while3A_476, %while3A_478 : i32
    %while3A_480 = arith.muli %while3A_479, %while3A_478 : i32
    %while3A_481 = arith.addi %get3A_463, %while3A_480 : i32
    %while3A_482 = arith.constant 1 : i32
    scf.for %while3A_489 = %get3A_463 to %while3A_481 step %while3A_482  : i32 {
      %get3A_490 = arith.index_cast %while3A_489 : i32 to index
      %get3A_491 = arith.constant 0 : index
      %get3A_492 = arith.constant 0 : index
      %get3A_493 = vector.load %arg9[%get3A_490, %get3A_491, %get3A_492] : memref<4x1x512xf32, #tpu.memory_space<vmem>>, vector<1x1x512xf32>
      %get3A_494 = vector.shape_cast %get3A_493 : vector<1x1x512xf32> to vector<1x512xf32>
      %get3A_495 = arith.constant 0 : index
      %get3A_496 = arith.constant 0 : index
      %get3A_497 = vector.load %arg10[%get3A_495, %get3A_496] : memref<256x128xf32, #tpu.memory_space<vmem>>, vector<256x128xf32>
      %get3A_498 = arith.constant 0 : index
      %get3A_499 = arith.constant 0 : index
      %get3A_500 = vector.load %arg11[%get3A_498, %get3A_499] : memref<256x128xi32, #tpu.memory_space<vmem>>, vector<256x128xi32>
      %broadcast_in_dim3A_501 = vector.broadcast %while3A_475 : f32 to vector<256x128xf32>
      %slice3A = vector.extract_strided_slice %get3A_494 {offsets = [0, 0], sizes = [1, 128], strides = [1, 1]} : vector<1x512xf32> to vector<1x128xf32>
      %mul3A = arith.constant 512 : i32
      %mul3A_502 = arith.muli %while3A_489, %mul3A : i32
      %add3A = arith.constant 0 : i32
      %add3A_503 = arith.addi %mul3A_502, %add3A : i32
      %add3A_504 = vector.broadcast %add3A_503 : i32 to vector<1x128xi32>
      %add3A_505 = arith.addi %iota3A, %add3A_504 : vector<1x128xi32>
      %lt3A = vector.broadcast %add3A_505 : vector<1x128xi32> to vector<256x128xi32>
      %lt3A_506 = arith.cmpi slt, %lt3A, %get3A_500 : vector<256x128xi32>
      %add3A_507 = vector.broadcast %slice3A : vector<1x128xf32> to vector<256x128xf32>
      %add3A_508 = arith.addf %get3A_497, %add3A_507 : vector<256x128xf32>
      %broadcast_in_dim3A_509 = vector.broadcast %while3A_475 : f32 to vector<256x128xf32>
      %select_n3A = arith.select %lt3A_506, %add3A_508, %broadcast_in_dim3A_509 : vector<256x128xi1>, vector<256x128xf32>
      %mul3A_510 = arith.mulf %broadcast_in_dim3A_501, %select_n3A : vector<256x128xf32>
      %slice3A_511 = vector.extract_strided_slice %get3A_494 {offsets = [0, 128], sizes = [1, 128], strides = [1, 1]} : vector<1x512xf32> to vector<1x128xf32>
      %mul3A_512 = arith.constant 512 : i32
      %mul3A_513 = arith.muli %while3A_489, %mul3A_512 : i32
      %add3A_514 = arith.constant 128 : i32
      %add3A_515 = arith.addi %mul3A_513, %add3A_514 : i32
      %add3A_516 = vector.broadcast %add3A_515 : i32 to vector<1x128xi32>
      %add3A_517 = arith.addi %iota3A, %add3A_516 : vector<1x128xi32>
      %lt3A_518 = vector.broadcast %add3A_517 : vector<1x128xi32> to vector<256x128xi32>
      %lt3A_519 = arith.cmpi slt, %lt3A_518, %get3A_500 : vector<256x128xi32>
      %add3A_520 = vector.broadcast %slice3A_511 : vector<1x128xf32> to vector<256x128xf32>
      %add3A_521 = arith.addf %get3A_497, %add3A_520 : vector<256x128xf32>
      %broadcast_in_dim3A_522 = vector.broadcast %while3A_475 : f32 to vector<256x128xf32>
      %select_n3A_523 = arith.select %lt3A_519, %add3A_521, %broadcast_in_dim3A_522 : vector<256x128xi1>, vector<256x128xf32>
      %mul3A_524 = arith.mulf %mul3A_510, %select_n3A_523 : vector<256x128xf32>
      %slice3A_525 = vector.extract_strided_slice %get3A_494 {offsets = [0, 256], sizes = [1, 128], strides = [1, 1]} : vector<1x512xf32> to vector<1x128xf32>
      %mul3A_526 = arith.constant 512 : i32
      %mul3A_527 = arith.muli %while3A_489, %mul3A_526 : i32
      %add3A_528 = arith.constant 256 : i32
      %add3A_529 = arith.addi %mul3A_527, %add3A_528 : i32
      %add3A_530 = vector.broadcast %add3A_529 : i32 to vector<1x128xi32>
      %add3A_531 = arith.addi %iota3A, %add3A_530 : vector<1x128xi32>
      %lt3A_532 = vector.broadcast %add3A_531 : vector<1x128xi32> to vector<256x128xi32>
      %lt3A_533 = arith.cmpi slt, %lt3A_532, %get3A_500 : vector<256x128xi32>
      %add3A_534 = vector.broadcast %slice3A_525 : vector<1x128xf32> to vector<256x128xf32>
      %add3A_535 = arith.addf %get3A_497, %add3A_534 : vector<256x128xf32>
      %broadcast_in_dim3A_536 = vector.broadcast %while3A_475 : f32 to vector<256x128xf32>
      %select_n3A_537 = arith.select %lt3A_533, %add3A_535, %broadcast_in_dim3A_536 : vector<256x128xi1>, vector<256x128xf32>
      %mul3A_538 = arith.mulf %mul3A_524, %select_n3A_537 : vector<256x128xf32>
      %slice3A_539 = vector.extract_strided_slice %get3A_494 {offsets = [0, 384], sizes = [1, 128], strides = [1, 1]} : vector<1x512xf32> to vector<1x128xf32>
      %mul3A_540 = arith.constant 512 : i32
      %mul3A_541 = arith.muli %while3A_489, %mul3A_540 : i32
      %add3A_542 = arith.constant 384 : i32
      %add3A_543 = arith.addi %mul3A_541, %add3A_542 : i32
      %add3A_544 = vector.broadcast %add3A_543 : i32 to vector<1x128xi32>
      %add3A_545 = arith.addi %iota3A, %add3A_544 : vector<1x128xi32>
      %lt3A_546 = vector.broadcast %add3A_545 : vector<1x128xi32> to vector<256x128xi32>
      %lt3A_547 = arith.cmpi slt, %lt3A_546, %get3A_500 : vector<256x128xi32>
      %add3A_548 = vector.broadcast %slice3A_539 : vector<1x128xf32> to vector<256x128xf32>
      %add3A_549 = arith.addf %get3A_497, %add3A_548 : vector<256x128xf32>
      %broadcast_in_dim3A_550 = vector.broadcast %while3A_475 : f32 to vector<256x128xf32>
      %select_n3A_551 = arith.select %lt3A_547, %add3A_549, %broadcast_in_dim3A_550 : vector<256x128xi1>, vector<256x128xf32>
      %mul3A_552 = arith.mulf %mul3A_538, %select_n3A_551 : vector<256x128xf32>
      %and3A = arith.constant 1 : i32
      %and3A_553 = arith.andi %while3A_489, %and3A : i32
      %get3A_554 = arith.index_cast %and3A_553 : i32 to index
      %get3A_555 = arith.constant 0 : index
      %get3A_556 = arith.constant 0 : index
      %get3A_557 = vector.load %arg8[%get3A_554, %get3A_555, %get3A_556] : memref<2x256x128xf32, #tpu.memory_space<vmem>>, vector<1x256x128xf32>
      %get3A_558 = vector.shape_cast %get3A_557 : vector<1x256x128xf32> to vector<256x128xf32>
      %log3A = math.log %mul3A_552 : vector<256x128xf32>
      %get3A_559 = arith.constant 0 : index
      %get3A_560 = arith.constant 0 : index
      %get3A_561 = vector.load %arg12[%get3A_559, %get3A_560] : memref<256x128xf32, #tpu.memory_space<vmem>>, vector<256x128xf32>
      %mul3A_562 = arith.mulf %log3A, %get3A_561 : vector<256x128xf32>
      %add3A_563 = arith.addf %get3A_558, %mul3A_562 : vector<256x128xf32>
      %swap3A_564 = arith.index_cast %and3A_553 : i32 to index
      %swap3A_565 = arith.constant 0 : index
      %swap3A_566 = arith.constant 0 : index
      %swap3A_567 = vector.load %arg8[%swap3A_564, %swap3A_565, %swap3A_566] : memref<2x256x128xf32, #tpu.memory_space<vmem>>, vector<1x256x128xf32>
      %swap3A_568 = vector.shape_cast %swap3A_567 : vector<1x256x128xf32> to vector<256x128xf32>
      %swap3A_569 = vector.shape_cast %add3A_563 : vector<256x128xf32> to vector<1x256x128xf32>
      tpu.vector_store %arg8[%swap3A_564, %swap3A_565, %swap3A_566], %swap3A_569 {strides = array<i32>} : memref<2x256x128xf32, #tpu.memory_space<vmem>>, vector<1x256x128xf32>,
    }
    %while3A_483 = arith.constant 1 : i32
    scf.for %while3A_489 = %while3A_481 to %while3A_477 step %while3A_483  : i32 {
      %get3A_490 = arith.index_cast %while3A_489 : i32 to index
      %get3A_491 = arith.constant 0 : index
      %get3A_492 = arith.constant 0 : index
      %get3A_493 = vector.load %arg9[%get3A_490, %get3A_491, %get3A_492] : memref<4x1x512xf32, #tpu.memory_space<vmem>>, vector<1x1x512xf32>
      %get3A_494 = vector.shape_cast %get3A_493 : vector<1x1x512xf32> to vector<1x512xf32>
      %get3A_495 = arith.constant 0 : index
      %get3A_496 = arith.constant 0 : index
      %get3A_497 = vector.load %arg10[%get3A_495, %get3A_496] : memref<256x128xf32, #tpu.memory_space<vmem>>, vector<256x128xf32>
      %get3A_498 = arith.constant 0 : index
      %get3A_499 = arith.constant 0 : index
      %get3A_500 = vector.load %arg11[%get3A_498, %get3A_499] : memref<256x128xi32, #tpu.memory_space<vmem>>, vector<256x128xi32>
      %broadcast_in_dim3A_501 = vector.broadcast %while3A_475 : f32 to vector<256x128xf32>
      %slice3A = vector.extract_strided_slice %get3A_494 {offsets = [0, 0], sizes = [1, 128], strides = [1, 1]} : vector<1x512xf32> to vector<1x128xf32>
      %mul3A = arith.constant 512 : i32
      %mul3A_502 = arith.muli %while3A_489, %mul3A : i32
      %add3A = arith.constant 0 : i32
      %add3A_503 = arith.addi %mul3A_502, %add3A : i32
      %add3A_504 = vector.broadcast %add3A_503 : i32 to vector<1x128xi32>
      %add3A_505 = arith.addi %iota3A, %add3A_504 : vector<1x128xi32>
      %lt3A = vector.broadcast %add3A_505 : vector<1x128xi32> to vector<256x128xi32>
      %lt3A_506 = arith.cmpi slt, %lt3A, %get3A_500 : vector<256x128xi32>
      %add3A_507 = vector.broadcast %slice3A : vector<1x128xf32> to vector<256x128xf32>
      %add3A_508 = arith.addf %get3A_497, %add3A_507 : vector<256x128xf32>
      %broadcast_in_dim3A_509 = vector.broadcast %while3A_475 : f32 to vector<256x128xf32>
      %select_n3A = arith.select %lt3A_506, %add3A_508, %broadcast_in_dim3A_509 : vector<256x128xi1>, vector<256x128xf32>
      %mul3A_510 = arith.mulf %broadcast_in_dim3A_501, %select_n3A : vector<256x128xf32>
      %slice3A_511 = vector.extract_strided_slice %get3A_494 {offsets = [0, 128], sizes = [1, 128], strides = [1, 1]} : vector<1x512xf32> to vector<1x128xf32>
      %mul3A_512 = arith.constant 512 : i32
      %mul3A_513 = arith.muli %while3A_489, %mul3A_512 : i32
      %add3A_514 = arith.constant 128 : i32
      %add3A_515 = arith.addi %mul3A_513, %add3A_514 : i32
      %add3A_516 = vector.broadcast %add3A_515 : i32 to vector<1x128xi32>
      %add3A_517 = arith.addi %iota3A, %add3A_516 : vector<1x128xi32>
      %lt3A_518 = vector.broadcast %add3A_517 : vector<1x128xi32> to vector<256x128xi32>
      %lt3A_519 = arith.cmpi slt, %lt3A_518, %get3A_500 : vector<256x128xi32>
      %add3A_520 = vector.broadcast %slice3A_511 : vector<1x128xf32> to vector<256x128xf32>
      %add3A_521 = arith.addf %get3A_497, %add3A_520 : vector<256x128xf32>
      %broadcast_in_dim3A_522 = vector.broadcast %while3A_475 : f32 to vector<256x128xf32>
      %select_n3A_523 = arith.select %lt3A_519, %add3A_521, %broadcast_in_dim3A_522 : vector<256x128xi1>, vector<256x128xf32>
      %mul3A_524 = arith.mulf %mul3A_510, %select_n3A_523 : vector<256x128xf32>
      %slice3A_525 = vector.extract_strided_slice %get3A_494 {offsets = [0, 256], sizes = [1, 128], strides = [1, 1]} : vector<1x512xf32> to vector<1x128xf32>
      %mul3A_526 = arith.constant 512 : i32
      %mul3A_527 = arith.muli %while3A_489, %mul3A_526 : i32
      %add3A_528 = arith.constant 256 : i32
      %add3A_529 = arith.addi %mul3A_527, %add3A_528 : i32
      %add3A_530 = vector.broadcast %add3A_529 : i32 to vector<1x128xi32>
      %add3A_531 = arith.addi %iota3A, %add3A_530 : vector<1x128xi32>
      %lt3A_532 = vector.broadcast %add3A_531 : vector<1x128xi32> to vector<256x128xi32>
      %lt3A_533 = arith.cmpi slt, %lt3A_532, %get3A_500 : vector<256x128xi32>
      %add3A_534 = vector.broadcast %slice3A_525 : vector<1x128xf32> to vector<256x128xf32>
      %add3A_535 = arith.addf %get3A_497, %add3A_534 : vector<256x128xf32>
      %broadcast_in_dim3A_536 = vector.broadcast %while3A_475 : f32 to vector<256x128xf32>
      %select_n3A_537 = arith.select %lt3A_533, %add3A_535, %broadcast_in_dim3A_536 : vector<256x128xi1>, vector<256x128xf32>
      %mul3A_538 = arith.mulf %mul3A_524, %select_n3A_537 : vector<256x128xf32>
      %slice3A_539 = vector.extract_strided_slice %get3A_494 {offsets = [0, 384], sizes = [1, 128], strides = [1, 1]} : vector<1x512xf32> to vector<1x128xf32>
      %mul3A_540 = arith.constant 512 : i32
      %mul3A_541 = arith.muli %while3A_489, %mul3A_540 : i32
      %add3A_542 = arith.constant 384 : i32
      %add3A_543 = arith.addi %mul3A_541, %add3A_542 : i32
      %add3A_544 = vector.broadcast %add3A_543 : i32 to vector<1x128xi32>
      %add3A_545 = arith.addi %iota3A, %add3A_544 : vector<1x128xi32>
      %lt3A_546 = vector.broadcast %add3A_545 : vector<1x128xi32> to vector<256x128xi32>
      %lt3A_547 = arith.cmpi slt, %lt3A_546, %get3A_500 : vector<256x128xi32>
      %add3A_548 = vector.broadcast %slice3A_539 : vector<1x128xf32> to vector<256x128xf32>
      %add3A_549 = arith.addf %get3A_497, %add3A_548 : vector<256x128xf32>
      %broadcast_in_dim3A_550 = vector.broadcast %while3A_475 : f32 to vector<256x128xf32>
      %select_n3A_551 = arith.select %lt3A_547, %add3A_549, %broadcast_in_dim3A_550 : vector<256x128xi1>, vector<256x128xf32>
      %mul3A_552 = arith.mulf %mul3A_538, %select_n3A_551 : vector<256x128xf32>
      %and3A = arith.constant 1 : i32
      %and3A_553 = arith.andi %while3A_489, %and3A : i32
      %get3A_554 = arith.index_cast %and3A_553 : i32 to index
      %get3A_555 = arith.constant 0 : index
      %get3A_556 = arith.constant 0 : index
      %get3A_557 = vector.load %arg8[%get3A_554, %get3A_555, %get3A_556] : memref<2x256x128xf32, #tpu.memory_space<vmem>>, vector<1x256x128xf32>
      %get3A_558 = vector.shape_cast %get3A_557 : vector<1x256x128xf32> to vector<256x128xf32>
      %log3A = math.log %mul3A_552 : vector<256x128xf32>
      %get3A_559 = arith.constant 0 : index
      %get3A_560 = arith.constant 0 : index
      %get3A_561 = vector.load %arg12[%get3A_559, %get3A_560] : memref<256x128xf32, #tpu.memory_space<vmem>>, vector<256x128xf32>
      %mul3A_562 = arith.mulf %log3A, %get3A_561 : vector<256x128xf32>
      %add3A_563 = arith.addf %get3A_558, %mul3A_562 : vector<256x128xf32>
      %swap3A_564 = arith.index_cast %and3A_553 : i32 to index
      %swap3A_565 = arith.constant 0 : index
      %swap3A_566 = arith.constant 0 : index
      %swap3A_567 = vector.load %arg8[%swap3A_564, %swap3A_565, %swap3A_566] : memref<2x256x128xf32, #tpu.memory_space<vmem>>, vector<1x256x128xf32>
      %swap3A_568 = vector.shape_cast %swap3A_567 : vector<1x256x128xf32> to vector<256x128xf32>
      %swap3A_569 = vector.shape_cast %add3A_563 : vector<256x128xf32> to vector<1x256x128xf32>
      tpu.vector_store %arg8[%swap3A_564, %swap3A_565, %swap3A_566], %swap3A_569 {strides = array<i32>} : memref<2x256x128xf32, #tpu.memory_space<vmem>>, vector<1x256x128xf32>,
    }
    %eq3A_484 = arith.constant 15 : i32
    %eq3A_485 = arith.cmpi eq, %arg0, %eq3A_484 : i32
    %convert_element_type3A_486 = arith.extui %eq3A_485 : i1 to i32
    %cond3A_487 = arith.constant 0 : i32
    %cond3A_488 = arith.cmpi ne, %convert_element_type3A_486, %cond3A_487 : i32
    scf.if %cond3A_488 {
      %get3A_489 = arith.constant 0 : index
      %get3A_490 = arith.constant 0 : index
      %get3A_491 = memref.load %arg2[%get3A_489, %get3A_490] : memref<16x16xf32, #tpu.memory_space<smem>>
      %get3A_492 = arith.constant 1 : index
      %get3A_493 = arith.constant 0 : index
      %get3A_494 = memref.load %arg2[%get3A_492, %get3A_493] : memref<16x16xf32, #tpu.memory_space<smem>>
      %add3A = arith.addf %get3A_491, %get3A_494 : f32
      %get3A_495 = arith.constant 2 : index
      %get3A_496 = arith.constant 0 : index
      %get3A_497 = memref.load %arg2[%get3A_495, %get3A_496] : memref<16x16xf32, #tpu.memory_space<smem>>
      %add3A_498 = arith.addf %add3A, %get3A_497 : f32
      %get3A_499 = arith.constant 3 : index
      %get3A_500 = arith.constant 0 : index
      %get3A_501 = memref.load %arg2[%get3A_499, %get3A_500] : memref<16x16xf32, #tpu.memory_space<smem>>
      %add3A_502 = arith.addf %add3A_498, %get3A_501 : f32
      %get3A_503 = arith.constant 4 : index
      %get3A_504 = arith.constant 0 : index
      %get3A_505 = memref.load %arg2[%get3A_503, %get3A_504] : memref<16x16xf32, #tpu.memory_space<smem>>
      %add3A_506 = arith.addf %add3A_502, %get3A_505 : f32
      %get3A_507 = arith.constant 5 : index
      %get3A_508 = arith.constant 0 : index
      %get3A_509 = memref.load %arg2[%get3A_507, %get3A_508] : memref<16x16xf32, #tpu.memory_space<smem>>
      %add3A_510 = arith.addf %add3A_506, %get3A_509 : f32
      %get3A_511 = arith.constant 6 : index
      %get3A_512 = arith.constant 0 : index
      %get3A_513 = memref.load %arg2[%get3A_511, %get3A_512] : memref<16x16xf32, #tpu.memory_space<smem>>
      %add3A_514 = arith.addf %add3A_510, %get3A_513 : f32
      %get3A_515 = arith.constant 7 : index
      %get3A_516 = arith.constant 0 : index
      %get3A_517 = memref.load %arg2[%get3A_515, %get3A_516] : memref<16x16xf32, #tpu.memory_space<smem>>
      %add3A_518 = arith.addf %add3A_514, %get3A_517 : f32
      %get3A_519 = arith.constant 8 : index
      %get3A_520 = arith.constant 0 : index
      %get3A_521 = memref.load %arg2[%get3A_519, %get3A_520] : memref<16x16xf32, #tpu.memory_space<smem>>
      %add3A_522 = arith.addf %add3A_518, %get3A_521 : f32
      %get3A_523 = arith.constant 9 : index
      %get3A_524 = arith.constant 0 : index
      %get3A_525 = memref.load %arg2[%get3A_523, %get3A_524] : memref<16x16xf32, #tpu.memory_space<smem>>
      %add3A_526 = arith.addf %add3A_522, %get3A_525 : f32
      %get3A_527 = arith.constant 10 : index
      %get3A_528 = arith.constant 0 : index
      %get3A_529 = memref.load %arg2[%get3A_527, %get3A_528] : memref<16x16xf32, #tpu.memory_space<smem>>
      %add3A_530 = arith.addf %add3A_526, %get3A_529 : f32
      %get3A_531 = arith.constant 11 : index
      %get3A_532 = arith.constant 0 : index
      %get3A_533 = memref.load %arg2[%get3A_531, %get3A_532] : memref<16x16xf32, #tpu.memory_space<smem>>
      %add3A_534 = arith.addf %add3A_530, %get3A_533 : f32
      %get3A_535 = arith.constant 12 : index
      %get3A_536 = arith.constant 0 : index
      %get3A_537 = memref.load %arg2[%get3A_535, %get3A_536] : memref<16x16xf32, #tpu.memory_space<smem>>
      %add3A_538 = arith.addf %add3A_534, %get3A_537 : f32
      %get3A_539 = arith.constant 13 : index
      %get3A_540 = arith.constant 0 : index
      %get3A_541 = memref.load %arg2[%get3A_539, %get3A_540] : memref<16x16xf32, #tpu.memory_space<smem>>
      %add3A_542 = arith.addf %add3A_538, %get3A_541 : f32
      %get3A_543 = arith.constant 14 : index
      %get3A_544 = arith.constant 0 : index
      %get3A_545 = memref.load %arg2[%get3A_543, %get3A_544] : memref<16x16xf32, #tpu.memory_space<smem>>
      %add3A_546 = arith.addf %add3A_542, %get3A_545 : f32
      %get3A_547 = arith.constant 15 : index
      %get3A_548 = arith.constant 0 : index
      %get3A_549 = memref.load %arg2[%get3A_547, %get3A_548] : memref<16x16xf32, #tpu.memory_space<smem>>
      %add3A_550 = arith.addf %add3A_546, %get3A_549 : f32
      %get3A_551 = arith.constant 0 : index
      %get3A_552 = arith.constant 0 : index
      %get3A_553 = arith.constant 0 : index
      %get3A_554 = vector.load %arg8[%get3A_551, %get3A_552, %get3A_553] : memref<2x256x128xf32, #tpu.memory_space<vmem>>, vector<2x256x128xf32>
      %reduce_sum3A = vector.shape_cast %get3A_554 : vector<2x256x128xf32> to vector<1x2x256x128xf32>
      %reduce_sum3A_555 = arith.constant dense<0.000000e+00> : vector<1xf32>
      %reduce_sum3A_556 = vector.multi_reduction <add>, %reduce_sum3A, %reduce_sum3A_555 [1, 2, 3] : vector<1x2x256x128xf32> to vector<1xf32>
      %reduce_sum3A_557 = vector.shape_cast %reduce_sum3A_556 : vector<1xf32> to vector<1x1x1x1xf32>
      %reduce_sum3A_558 = vector.extract %reduce_sum3A_557[0, 0, 0, 0] : f32 from vector<1x1x1x1xf32>
      %sub3A_559 = arith.subf %reduce_sum3A_558, %add3A_550 : f32
      %broadcast_in_dim3A_560 = vector.broadcast %sub3A_559 : f32 to vector<1x1xf32>
      %swap3A_561 = arith.constant 0 : index
      %swap3A_562 = arith.constant 0 : index
      %swap3A_563 = vector.load %arg7[%swap3A_561, %swap3A_562] : memref<1x1xf32, #tpu.memory_space<vmem>>, vector<1x1xf32>
      tpu.vector_store %arg7[%swap3A_561, %swap3A_562], %broadcast_in_dim3A_560 {strides = array<i32>} : memref<1x1xf32, #tpu.memory_space<vmem>>, vector<1x1xf32>,
    } else {
    }
    return
  }
  func.func @transform_0(%arg0: i32) -> (i32, i32) {
    %c0_i32 = arith.constant 0 : i32
    %c0_i32_0 = arith.constant 0 : i32
    %c0_i32_1 = arith.constant 0 : i32
    return %c0_i32, %c0_i32_0 : i32, i32
  }
  func.func @transform_1(%arg0: i32) -> (i32, i32) {
    %c0_i32 = arith.constant 0 : i32
    %c0_i32_0 = arith.constant 0 : i32
    %c0_i32_1 = arith.constant 0 : i32
    return %c0_i32, %c0_i32_0 : i32, i32
  }
  func.func @transform_2(%arg0: i32) -> (i32, i32, i32, i32) {
    %c0_i32 = arith.constant 0 : i32
    %c0_i32_0 = arith.constant 0 : i32
    %c0_i32_1 = arith.constant 0 : i32
    %c0_i32_2 = arith.constant 0 : i32
    return %arg0, %c0_i32, %c0_i32_0, %c0_i32_1 : i32, i32, i32, i32
  }
  func.func @transform_3(%arg0: i32) -> (i32, i32, i32) {
    %c0_i32 = arith.constant 0 : i32
    %c0_i32_0 = arith.constant 0 : i32
    %c0_i32_1 = arith.constant 0 : i32
    return %arg0, %c0_i32, %c0_i32_0 : i32, i32, i32
  }
  func.func @transform_4(%arg0: i32) -> (i32, i32, i32) {
    %c0_i32 = arith.constant 0 : i32
    %c0_i32_0 = arith.constant 0 : i32
    %c0_i32_1 = arith.constant 0 : i32
    return %arg0, %c0_i32, %c0_i32_0 : i32, i32, i32
  }
  func.func @transform_5(%arg0: i32) -> (i32, i32, i32) {
    %c0_i32 = arith.constant 0 : i32
    %c0_i32_0 = arith.constant 0 : i32
    %c0_i32_1 = arith.constant 0 : i32
    return %arg0, %c0_i32, %c0_i32_0 : i32, i32, i32
  }
  func.func @transform_6(%arg0: i32) -> (i32, i32) {
    %c0_i32 = arith.constant 0 : i32
    %c0_i32_0 = arith.constant 0 : i32
    %c0_i32_1 = arith.constant 0 : i32
    return %c0_i32, %c0_i32_0 : i32, i32
  }
}

</mosaic_0001>

<sc_bundles>
// kernel: _bpr_loss.4.cloned.1.call-start
scs
__scs_entry_jumppad:
0x0: {  	(pc) =	sbr.rel $0x88, $3  }
0x1: {  	(tag) =	ssettag $0x0;
	lr =	simm.s32 $0x1  }
0x2: {  	[smem:$0x3F9F] =	sst lr;
	_ =	strace $0xD0000000  }
0x3: {  	_ = 	snop  }
0x4: {  	_ = 	snop  }
0x5: {  	_ = 	snop  }
0x6: {  	_ = 	snop  }
0x7: {  	_ = 	snop  }
__scs_overlays_trampoline_lowered:
0x8: {  	[smem:$0x3FAE] =	sst s0  }
0x9: {  	[smem:$0x3FAF] =	sst s1  }
0xa: {  	[smem:$0x3FB0] =	sst s2  }
0xb: {  	[smem:$0x3FB1] =	sst s3  }
0xc: {  	[smem:$0x3FB2] =	sst s4  }
0xd: {  	[smem:$0x3FB3] =	sst s5  }
0xe: {  	[smem:$0x3FB4] =	sst s6  }
0xf: {  	[smem:$0x3FB5] =	sst s7  }
0x10: {  	[smem:$0x3FB6] =	sst s8  }
0x11: {  	[smem:$0x3FB7] =	sst s9;
	s0 =	simm.s32 @!p0 $0x0  }
0x12: {  	s1 =	sld [smem:$0x3F9D];
	s0 =	simm.s32 @p0 $0x1  }
0x13: {  	[smem:$0x3FB8] =	sst s0;
	s0 =	simm.s32 @!p1 $0x0  }
0x14: {  	s2 =	sld [smem:$0x3F9C];
	s0 =	simm.s32 @p1 $0x1  }
0x15: {  	[smem:$0x3FB9] =	sst s0;
	s0 =	simm.s32 @!p2 $0x0  }
0x16: {  	s3 =	sld [smem:$0x3FDB];
	s0 =	simm.s32 @p2 $0x1  }
0x17: {  	s4 =	simm.s32 $0x1BF5;
	[smem:$0x3FBB] =	sst s0  }
0x18: {  	s0 =	sld [smem:$0x3F9E];
	_ =	swait.ge [sflag:s4], $0x0  }
0x19: {  	s7 =	sld [smem:$0x3F9F]  }
0x1a: {  	s8 =	sadd.s32 $0xFFFFE003, lr  }
0x1b: {  	s9 =	sadd.s32 $0xFFFFFEF7, lr;
	s5 =	simm.s32 $0xFFFFFFFF;
	p2 =	slt.u32 s8, $0xFFFFF086  }
0x1c: {  	p1 =	slt.u32 s9, $0xF7A;
	s5 =	simm.s32 @!p2 $0x0  }
0x1d: {  	s5 =	simm.s32 @p1 $0x1;
	p0 =	seq.s32 s7, s2  }
0x1e: {  	s7 =	smul.u32 @!p0 $0xF7A, s2;
	p2 =	seq.s32 @!p0 s5, $0x0  }
0x1f: {  	s9 =	smul.u32 $0xF7A, s1;
	s8 =	simm.s32 @!p0 $0x1BF5;
	p2 =	por !p2, p0  }
0x20: {  	[sflag:s8] =	ssyncset.s32 @!p0 $0xFFFFF086;
	s6 =	sadd.s32 @!p0 s3, s7;
	s7 =	simm.s32 @!p0 $0x108  }
0x21: {  	s3 =	sadd.s32 s3, s9;
	s6 =	sadd.s32 @!p0 $0x88, s6;
	s7 =	simm.s32 @p2 $0x1082  }
0x22: {  	[simem:s7], [sflag:s8] =	dma.local @!p0 [hbm:s6], $0xF7A  }
0x23: {  	s9 =	sor.u32 $0xD0000000, s2;
	s6 =	simm.s32 $0x108;
	_ =	swait.ge @!p0 [sflag:s8], $0x0  }
0x24: {  	s3 =	sadd.s32 $0x88, s3;
	s6 =	simm.s32 @!p1 $0x1082;
	[sflag:s4] =	ssyncset.s32 $0xFFFFF086  }
0x25: {  	[simem:s6], [sflag:s4] =	dma.local [hbm:s3], $0xF7A  }
0x26: {  	[smem:$0x3F9F] =	sst s1;
	(tag) =	ssettag s2;
	_ =	strace s9  }
0x27: {  	s1 =	sld [smem:$0x3FAF]  }
0x28: {  	s2 =	sld [smem:$0x3FB0]  }
0x29: {  	s4 =	sld [smem:$0x3FB2]  }
0x2a: {  	p0 =	seq.s32 s5, $0x0;
	s5 =	sld [smem:$0x3FB3]  }
0x2b: {  	s6 =	sld [smem:$0x3FB4]  }
0x2c: {  	s7 =	sld [smem:$0x3FB5]  }
0x2d: {  	s3 =	simm.s32 $0x108;
	s8 =	sld [smem:$0x3FB6]  }
0x2e: {  	s3 =	simm.s32 @!p0 $0x1082;
	s9 =	sld [smem:$0x3FB7]  }
0x2f: {  	lr =	sadd.s32 s0, s3;
	s0 =	sld [smem:$0x3FAE]  }
0x30: {  	s3 =	sld [smem:$0x3FB1]  }
0x31: {  	[smem:$0x3FBA] =	sst s10  }
0x32: {  	s10 =	sld [smem:$0x3FB8];
	_ =	sdelay $0x3  }
0x33: {  	p0 =	seq.s32 s10, $0x1;
	s10 =	sld [smem:$0x3FBA];
	_ =	sdelay $0x3  }
0x34: {  	[smem:$0x3FBA] =	sst s10  }
0x35: {  	s10 =	sld [smem:$0x3FB9];
	_ =	sdelay $0x3  }
0x36: {  	p1 =	seq.s32 s10, $0x1;
	s10 =	sld [smem:$0x3FBA];
	_ =	sdelay $0x3  }
0x37: {  	[smem:$0x3FBA] =	sst s10  }
0x38: {  	s10 =	sld [smem:$0x3FBB]  }
0x39: {  	_ = 	snop;
	(pc) =	sbr.ind lr, $3  }
0x3a: {  	_ = 	snop  }
0x3b: {  	_ = 	snop  }
0x3c: {  	p2 =	seq.s32 s10, $0x1;
	s10 =	sld [smem:$0x3FBA]  }
0x3d: {  	_ =	shalt  }
0x3e: {  	_ =	shalt  }
0x3f: {  	_ =	shalt  }
0x40: {  	_ =	shalt  }
0x41: {  	_ =	shalt  }
0x42: {  	_ =	shalt  }
0x43: {  	_ =	shalt  }
0x44: {  	_ =	shalt  }
0x45: {  	_ =	shalt  }
0x46: {  	_ =	shalt  }
0x47: {  	_ =	shalt  }
0x48: {  	_ =	shalt  }
0x49: {  	_ =	shalt  }
0x4a: {  	_ =	shalt  }
0x4b: {  	_ =	shalt  }
0x4c: {  	_ =	shalt  }
0x4d: {  	_ =	shalt  }
0x4e: {  	_ =	shalt  }
0x4f: {  	_ =	shalt  }
0x50: {  	_ =	shalt  }
0x51: {  	_ =	shalt  }
0x52: {  	_ =	shalt  }
0x53: {  	_ =	shalt  }
0x54: {  	_ =	shalt  }
0x55: {  	_ =	shalt  }
0x56: {  	_ =	shalt  }
0x57: {  	_ =	shalt  }
0x58: {  	_ =	shalt  }
0x59: {  	_ =	shalt  }
0x5a: {  	_ =	shalt  }
0x5b: {  	_ =	shalt  }
0x5c: {  	_ =	shalt  }
0x5d: {  	_ =	shalt  }
0x5e: {  	_ =	shalt  }
0x5f: {  	_ =	shalt  }
0x60: {  	_ =	shalt  }
0x61: {  	_ =	shalt  }
0x62: {  	_ =	shalt  }
0x63: {  	_ =	shalt  }
0x64: {  	_ =	shalt  }
0x65: {  	_ =	shalt  }
0x66: {  	_ =	shalt  }
0x67: {  	_ =	shalt  }
0x68: {  	_ =	shalt  }
0x69: {  	_ =	shalt  }
0x6a: {  	_ =	shalt  }
0x6b: {  	_ =	shalt  }
0x6c: {  	_ =	shalt  }
0x6d: {  	_ =	shalt  }
0x6e: {  	_ =	shalt  }
0x6f: {  	_ =	shalt  }
0x70: {  	_ =	shalt  }
0x71: {  	_ =	shalt  }
0x72: {  	_ =	shalt  }
0x73: {  	_ =	shalt  }
0x74: {  	_ =	shalt  }
0x75: {  	_ =	shalt  }
0x76: {  	_ =	shalt  }
0x77: {  	_ =	shalt  }
0x78: {  	_ =	shalt  }
0x79: {  	_ =	shalt  }
0x7a: {  	_ =	shalt  }
0x7b: {  	_ =	shalt  }
0x7c: {  	_ =	shalt  }
0x7d: {  	_ =	shalt  }
0x7e: {  	_ =	shalt  }
0x7f: {  	_ =	shalt  }
0x80: {  	_ =	shalt  }
0x81: {  	_ =	shalt  }
0x82: {  	_ =	shalt  }
0x83: {  	_ =	shalt  }
0x84: {  	_ =	shalt  }
0x85: {  	_ =	shalt  }
0x86: {  	_ =	shalt  }
0x87: {  	_ =	shalt  }
.Lfunc_end0:
.L_simem_size_0:
called_computation_lowered:
.L_overlay_start_0:
0x88: {  	s2 =	sld [smem:$0x3FD9]  }
0x89: {  	s3 =	sld [smem:$0x3FFE];
	_ =	sdelay $0x1  }
0x8a: {  	s1 =	srdreg.scid  }
0x8b: {  	s0 =	sand.u32 $0x1, s1  }
0x8c: {  	s16 =	sshll.u32 s0, $0xA;
	s2 =	sadd.s32 s3, s2  }
0x8d: {  	s2 =	sadd.s32 s2, s16  }
0x8e: {  	[smem:$0x3FC6] =	sst s2  }
0x8f: {  	_ = 	snop  }
0x90: {  	(tm) =	ssettm $0x1  }
0x91: {  	s17 =	sld [smem:$0x3FFB];
	_ =	sdelay $0x3  }
0x92: {  	_ =	strace s17  }
0x93: {  	s2 =	sld [smem:$0x3FFC];
	_ =	sdelay $0x3  }
0x94: {  	_ =	strace s2  }
0x95: {  	s2 =	sld [smem:$0x3FFD];
	_ =	sdelay $0x3  }
0x96: {  	_ =	strace s2  }
0x97: {  	_ =	strace $0x8FFFFFFF  }
0x98: {  	s18 =	sld [smem:$0x3FDB];
	_ =	sdelay $0x1  }
0x99: {  	s19 =	simm.s32 $_scs_section_size  }
0x9a: {  	s4 =	simm.s32 $_size__tile_overlayer_lowered;
	s5 =	simm.s32 $_tile_overlayer_lowered  }
0x9b: {  	s22 =	simm.s32 $0x1BFF;
	s21 =	sshll.u32 s5, $0x1;
	s2 =	sadd.s32 s19, s18  }
0x9c: {  	s6 =	simm.s32 $0x0;
	s20 =	sshll.u32 s4, $0x1;
	s4 =	sadd.s32 s21, s2  }
0x9d: {  	[timem:s6], [sflag:s22] =	dma.local [hbm:s4], s20  }
0x9e: {  	_ =	swait.ge [sflag:s22], s20  }
0x9f: {  	s3 =	ssub.s32 $0x0, s20;
	[sflag:s22] =	ssyncset.done $0x0  }
0xa0: {  	[sflag:s22] =	ssyncadd.s32 s3;
	_ =	sdelay $0x1  }
0xa1: {  	s23 =	simm.s32 $0x1B8B  }
0xa2: {  	_ =	swait.ge [sflag:s23], $0x1  }
0xa3: {  	[sflag:s23] =	ssyncset.done $0x0  }
0xa4: {  	s25 =	simm.s32 $0x1B8E;
	s24 =	sld [smem:$0x3FFE];
	[sflag:s23] =	ssyncadd.s32 $0xFFFFFFFF  }
0xa5: {  	s26 =	simm.s32 $execute0_lowered;
	[smem:$0x3FD2] =	sst s25  }
0xa6: {  	s4 =	sshll.u32 s26, $0x1;
	_ =	strace $0x80000046;
	[dreg:$0x1] =	wrdreg $0xFFFFFFFF  }
0xa7: {  	s28 =	simm.s32 $_size_execute0_lowered;
	s2 =	sadd.s32 s2, s4;
	[dreg:$0x0] =	wrdreg $0x0  }
0xa8: {  	s4 =	sshll.u32 s28, $0x1;
	[dreg:$0x2] =	wrdreg s2  }
0xa9: {  	[dreg:$0x3] =	wrdreg s4  }
0xaa: {  	[dreg:$0x4] =	wrdreg $0xC0  }
0xab: {  	_ =	task [dreg:s6], $0x5FFFF  }
0xac: {  	[dreg:$0x1] =	wrdreg $0xFFFFFFFF  }
0xad: {  	[dreg:$0x0] =	wrdreg $0x60  }
0xae: {  	[dreg:$0x2] =	wrdreg s24  }
0xaf: {  	[dreg:$0x3] =	wrdreg $0x9  }
0xb0: {  	_ =	task.clear_ibuf [dreg:s6], $0x4FFFF;
	_ =	strace $0x90000046  }
0xb1: {  	s29 =	simm.s32 $0x9;
	_ =	strace $0x80000048  }
0xb2: {  	_ =	swait.ge [sflag:s29], $0x1  }
0xb3: {  	[sflag:s29] =	ssyncadd.s32 $0xFFFFFFFF  }
0xb4: {  	_ =	strace $0x90000048  }
0xb5: {  	_ =	sfence  }
0xb6: {  	s30 =	sld [smem:$0x0];
	_ =	sdelay $0x2  }
0xb7: {  	s31 =	sshll.u32 s1, $0xD;
	s1 =	sshrl.u32 s1, $0x2  }
0xb8: {  	s3 =	sand.u32 $0x4000, s31;
	s1 =	sadd.s32 s1, s30  }
0xb9: {  	s0 =	sor.u32 s3, s0;
	s1 =	sshll.u32 s1, $0x11  }
0xba: {  	s0 =	sor.u32 s1, s0  }
0xbb: {  	s0 =	sadd.s32 $0x8F2B, s0  }
0xbc: {  	[sflag:s0] =	ssyncadd.remote.s32 $0x1  }
0xbd: {  	_ =	sfence.sel $0xFFFF  }
0xbe: {  	[dreg:$0x0] =	wrdreg $0xFFFFFFFF;
	(pc) =	sbr.abs _section_cstart, $3  }
0xbf: {  	[dreg:$0x1] =	wrdreg $0xFFFFFFFF  }
0xc0: {  	_ =	task.clear_ibuf [dreg:s6], $0x2FFFF;
	_ =	strace $0x9FFFFFFF  }
0xc1: {  	(tm) =	ssettm $0x7FFFFFFF  }
tec
execute0_lowered:
.L_overlay_start_1:
0x0: {  	(tag) =	ssettag $0x1  }
0x1: {  	s1 =	stileid.u32  }
0x2: {  	p0 =	sgt.u32 s1, $0x7  }
.Ltmp0:
0x3: {  	_ = 	snop;
	(pc) =	sbr.rel @p0 .LBB2_9-.Ltmp0, $4  }
0x4: {  	_ = 	snop  }
0x5: {  	s3 =	rddreg [dreg:$0x0];
	s2 =	simm.s32 $0x0  }
0x6: {  	[smem:$0x7FF] =	sst s2  }
0x7: {  	s0 =	rddreg [dreg:$0x1];
	_ =	strace $0x80000047  }
0x8: {  	s4 =	srdreg.scid;
	s31 =	sshll.u32 s1, $0x7;
	s10 =	sadd.s32 $0x2000, s3  }
0x9: {  	s13 =	simm.s32 $0x1;
	s14 =	simm.s32 $0x800;
	s15 =	simm.s32 $0x1000  }
0xa: {  	s16 =	simm.s32 $0x1800;
	s17 =	simm.s32 $0x1880;
	s18 =	simm.s32 $0x1900  }
0xb: {  	s19 =	simm.s32 $0x2100;
	s20 =	simm.s32 $0x0;
	s5 =	sand.u32 $0x1, s4  }
0xc: {  	s6 =	sshll.u32 s5, $0xA;
	s7 =	sshll.u32 s5, $0xE;
	s11 =	ssub.s32 $0x2, s5  }
0xd: {  	s6 =	sadd.s32 s31, s6;
	s4 =	sor.u32 s31, s7;
	s12 =	sshrl.u32 s11, $0x1  }
0xe: {  	v0 =	vlaneseq.u32;
	s6 =	sshrl.u32 s6, $0x3;
	s9 =	sshrl.u32 s4, $0x3;
	s11 =	ssub.s32 s11, s12  }
0xf: {  	v1 =	vand.u32 $0x7, v0;
	s12 =	simm.s32 $0x400;
	s6 =	sadd.s32 s6, s3;
	s8 =	sadd.s32 s9, s3  }
0x10: {  	v1 =	vmul.u32 $0x100, v1;
	s9 =	sadd.s32 s10, s9;
	s10 =	smax.u32 s11, $0x1;
	s11 =	simm.s32 $0x80  }
0x11: {  	v2 =	vimm.s32 $0x0;
	v3 =	vimm.f32 $0.0e+00;
	vm0 =	vmmov $0xff;
	s3 =	sadd.s32 $0x1000, s8;
	s4 =	sadd.s32 $0x5000, s8;
	s5 =	sadd.s32 $0x6000, s6  }
0x12: {  	vm1 =	vmmov $0x1;
	vm2 =	vcmask $0x704;
	v4 =	vadd.s32 $0x100, v1;
	s6 =	sadd.s32 $0x6200, s6;
	s7 =	sadd.s32 $0x3000, s8;
	s8 =	sadd.s32 $0x4000, s8  }
.LBB2_2:
0x13: {  	s21 =	simm.s32 $0x0  }
0x14: {  	[tilespmem:s21], [sflag:$0x1] =	stream.strided.gather [hbm4b:s9+s11], $0x800, s12, s11, $0x38;
	[tilespmem:$0x2900] =	vst v63  }
0x15: {  	_ =	swait.ge [sflag:s13], $0x800  }
0x16: {  	[sflag:s13] =	ssyncset.done $0x0  }
0x17: {  	[sflag:s13] =	ssyncadd.s32 $0xFFFFF800  }
0x18: {  	[tilespmem:s14], [sflag:$0x1] =	stream.strided.gather [hbm4b:s3+s11], $0x800, s12, s11, $0x38;
	[tilespmem:$0x2900] =	vst v63  }
0x19: {  	_ =	swait.ge [sflag:s13], $0x800  }
0x1a: {  	[sflag:s13] =	ssyncset.done $0x0  }
0x1b: {  	s22 =	simm.s32 $0x0;
	[sflag:s13] =	ssyncadd.s32 $0xFFFFF800  }
0x1c: {  	v8 =	vld [tilespmem:s22+$0x0];
	_ =	sdelay $0x1  }
0x1d: {  	v6 =	vimm.s32 $0x0  }
0x1e: {  	v5 =	vimm.s32 $0x0;
	v9 =	vimm.s32 $0x0;
	v7 =	vimm.s32 $0x0;
	s21 =	simm.s32 $0x40  }
.LBB2_3:
0x1f: {  	p0 =	sne.s32 s21, $0x1FC0  }
.Ltmp1:
0x20: {  	s22 =	sshra.s32 s21, $0x2;
	s21 =	sadd.s32 $0x40, s21;
	vm3 =	veq.s32 v8, $0x0;
	vm4 =	veq.s32 v8, $0x1;
	vm5 =	veq.s32 v8, $0x3;
	(pc) =	sbr.rel @p0 .LBB2_3-.Ltmp1, $4  }
0x21: {  	v10 =	vmpcnt.ones.xlane vm3;
	vm3 =	veq.s32 v8, $0x2;
	v8 =	vld [tilespmem:s22+$0x0];
	v11 =	vmpcnt.ones.xlane vm5  }
0x22: {  	v12 =	vmpcnt.ones.xlane vm4;
	v13 =	vmpcnt.ones.xlane vm3  }
0x23: {  	v6 =	vadd.s32 v6, v10;
	v5 =	vadd.s32 v5, v11  }
0x24: {  	v9 =	vadd.s32 v9, v12;
	v7 =	vadd.s32 v7, v13  }
0x25: {  	s21 =	simm.s32 $0x0  }
0x26: {  	v11 =	vld [tilespmem:s21+$0x0];
	_ =	sdelay $0x4  }
0x27: {  	vm7 =	veq.s32 v11, $0x0  }
0x28: {  	vm3 =	veq.s32 v8, $0x0;
	vm4 =	veq.s32 v8, $0x1;
	v12 =	vsel vm7, $0x1, v2  }
0x29: {  	vm8 =	veq.s32 v8, $0x2;
	v10 =	vmpcnt.ones.xlane vm3;
	vm6 =	veq.s32 v11, $0x1;
	(xrf0) =	vadd.scan.msk.s32 $0xffff, v12  }
0x2a: {  	vm5 =	veq.s32 v11, $0x2;
	vm3 =	veq.s32 v11, $0x3;
	v13 =	vsel vm6, $0x1, v2  }
0x2b: {  	v25 =	vld [tilespmem:s21+$0x800];
	v14 =	vsel vm5, $0x1, v2;
	v15 =	vsel vm3, $0x1, v2;
	v18 =	vmpcnt.ones.xlane vm6;
	(xrf0) =	vadd.scan.msk.s32 $0xffff, v13  }
0x2c: {  	v16 =	vmpcnt.ones.xlane vm5;
	v12 =	vmpcnt.ones.xlane vm4;
	vm4 =	veq.s32 v8, $0x3;
	(xrf0) =	vadd.scan.msk.s32 $0xffff, v14  }
0x2d: {  	v13 =	vmpcnt.ones.xlane vm8;
	v14 =	vmpcnt.ones.xlane vm4;
	(xrf0) =	vadd.scan.msk.s32 $0xffff, v15  }
0x2e: {  	v8 =	vadd.s32 v6, v10;
	v19 =	vadd.s32 v9, v12;
	vm4 =	veq.s32 v11, $0x4  }
0x2f: {  	v11 =	vsel vm4, $0x1, v2;
	v10 =	vadd.s32 v5, v14;
	v14 =	vimm.s32 $0x0;
	v9, _, _ =	vpop (xrf0)  }
0x30: {  	v17 =	vnsel vm3, $0x0, v25;
	v24 =	vnsel vm6, $0x0, v25;
	(xrf0) =	vadd.scan.msk.s32 $0xffff, v11;
	v9 =	vadd.s32 v9, v14  }
0x31: {  	v26 =	vnsel vm5, $0x0, v25;
	v20 =	vadd.s32 v7, v13;
	v13, _, _ =	vpop (xrf0);
	v9 =	vadd.s32 $0xFFFFFFFF, v9  }
0x32: {  	v27 =	vmpcnt.ones.xlane vm7;
	v6 =	vadd.s32 v8, v19;
	v11 =	vadd.s32 v13, v8;
	v13, _, _ =	vpop (xrf0)  }
0x33: {  	v5 =	vadd.s32 v20, v6;
	v21 =	vadd.s32 $0xFFFFFFFF, v11;
	v11 =	vadd.s32 v13, v6;
	v13, _, _ =	vpop (xrf0)  }
0x34: {  	v22 =	vadd.s32 $0xFFFFFFFF, v11;
	v11 =	vadd.s32 v13, v5;
	v13 =	vmpcnt.ones.xlane vm4  }
0x35: {  	v12 =	vimm.f32 $0.0e+00;
	v15 =	vmpcnt.ones.xlane vm3;
	v7 =	vadd.s32 v10, v5  }
0x36: {  	v23 =	vadd.s32 $0xFFFFFFFF, v11;
	v11 =	vadd.f32 v17, v12;
	v17 =	vadd.s32 v7, v13;
	[tilespmem:v9+s15+$0x0] =	vst.idx.msk vm7, v25;
	v9, _, _ =	vpop (xrf0)  }
0x37: {  	v13 =	vadd.f32 v24, v12;
	v24 =	vadd.s32 v8, v18;
	v18 =	vadd.s32 v9, v7  }
0x38: {  	v12 =	vadd.f32 v26, v12;
	[tilespmem:v21+s15+$0x0] =	vst.idx.msk vm6, v25;
	v21 =	vimm.f32 $-3.000000010e+38;
	v26 =	vadd.s32 $0xFFFFFFFF, v18  }
0x39: {  	v16 =	vadd.s32 v6, v16;
	v15 =	vadd.s32 v5, v15  }
0x3a: {  	[tilespmem:v22+s15+$0x0] =	vst.idx.msk vm5, v25;
	v9 =	vmax.f32 v21, v25;
	v22 =	vadd.s32 v14, v27  }
0x3b: {  	s22 =	simm.s32 $0x80;
	s21 =	simm.s32 $0x40;
	v14 =	vmovc v17;
	[tilespmem:v23+s15+$0x0] =	vst.idx.msk vm3, v25;
	v23 =	vmov v24;
	v21 =	vmov v16;
	v18 =	vmov v15  }
.LBB2_5:
0x3c: {  	p0 =	sne.s32 s22, $0x1FC0  }
0x3d: {  	s23 =	sshra.s32 s21, $0x2;
	[tilespmem:v26+s15+$0x0] =	vst.idx.msk vm4, v25;
	s21 =	smov.u32 s22;
	s22 =	sadd.s32 $0x40, s22  }
0x3e: {  	v26 =	vld [tilespmem:s23+$0x0];
	_ =	sdelay $0x4  }
0x3f: {  	v25 =	vld [tilespmem:s23+$0x800];
	vm3 =	veq.s32 v26, $0x0  }
0x40: {  	vm5 =	veq.s32 v26, $0x1;
	v27 =	vsel vm3, $0x1, v2;
	v28 =	vmpcnt.ones.xlane vm3  }
0x41: {  	vm6 =	veq.s32 v26, $0x2;
	v29 =	vsel vm5, $0x1, v2;
	v30 =	vmpcnt.ones.xlane vm5;
	(xrf0) =	vadd.scan.msk.s32 $0xffff, v27  }
0x42: {  	vm7 =	veq.s32 v26, $0x3;
	v31 =	vmpcnt.ones.xlane vm6;
	v27 =	vsel vm6, $0x1, v2;
	(xrf0) =	vadd.scan.msk.s32 $0xffff, v29  }
0x43: {  	vm4 =	veq.s32 v26, $0x4;
	v32 =	vmpcnt.ones.xlane vm7;
	v29 =	vsel vm7, $0x1, v2;
	(xrf0) =	vadd.scan.msk.s32 $0xffff, v27  }
0x44: {  	v26 =	vsel vm4, $0x1, v2;
	v27 =	vmpcnt.ones.xlane vm4;
	v33 =	vnsel vm7, $0x0, v25;
	(xrf0) =	vadd.scan.msk.s32 $0xffff, v29  }
0x45: {  	v15 =	vadd.s32 v15, v32;
	v29 =	vnsel vm5, $0x0, v25;
	v11 =	vadd.f32 v33, v11;
	(xrf0) =	vadd.scan.msk.s32 $0xffff, v26  }
0x46: {  	v16 =	vadd.s32 v16, v31;
	v31 =	vnsel vm6, $0x0, v25;
	v17 =	vadd.s32 v17, v27  }
0x47: {  	v9 =	vmax.f32 v9, v25;
	v13 =	vadd.f32 v29, v13;
	v12 =	vadd.f32 v31, v12;
	v26, _, _ =	vpop (xrf0)  }
0x48: {  	v24 =	vadd.s32 v24, v30;
	v26 =	vadd.s32 v26, v22;
	v22 =	vadd.s32 v22, v28;
	v27, _, _ =	vpop (xrf0)  }
0x49: {  	v28 =	vadd.s32 $0xFFFFFFFF, v26;
	v26 =	vadd.s32 v27, v23;
	v27, _, _ =	vpop (xrf0);
	v23 =	vmov v24  }
0x4a: {  	v29 =	vadd.s32 $0xFFFFFFFF, v26;
	v26 =	vadd.s32 v27, v21;
	v27, _, _ =	vpop (xrf0);
	v21 =	vmov v16  }
0x4b: {  	v30 =	vadd.s32 $0xFFFFFFFF, v26;
	v26 =	vadd.s32 v27, v18;
	v27, _, _ =	vpop (xrf0);
	v18 =	vmov v15  }
0x4c: {  	v31 =	vadd.s32 $0xFFFFFFFF, v26;
	v26 =	vadd.s32 v27, v14;
	v14 =	vmov v17  }
.Ltmp2:
0x4d: {  	v26 =	vadd.s32 $0xFFFFFFFF, v26;
	(pc) =	sbr.rel @p0 .LBB2_5-.Ltmp2, $4  }
0x4e: {  	[tilespmem:v28+s15+$0x0] =	vst.idx.msk vm3, v25  }
0x4f: {  	[tilespmem:v29+s15+$0x0] =	vst.idx.msk vm5, v25  }
0x50: {  	[tilespmem:v30+s15+$0x0] =	vst.idx.msk vm6, v25  }
0x51: {  	[tilespmem:v31+s15+$0x0] =	vst.idx.msk vm7, v25  }
0x52: {  	vm5 =	vgt.s32 v19, $0x0;
	vm3 =	vgt.s32 v8, $0x0  }
0x53: {  	vm6 =	vgt.s32 v20, $0x0;
	vm7 =	vgt.s32 v6, $0x0;
	vm5 =	vmand vm3, vm5  }
0x54: {  	v16 =	vsel vm5, $0x3F800000, v3;
	vm5 =	vmand vm6, vm7  }
0x55: {  	vm6 =	vgt.s32 v5, $0x0;
	v15 =	vsel vm5, $0x3F800000, v3;
	vm5 =	vgt.s32 v10, $0x0  }
0x56: {  	vm5 =	vmand vm5, vm6;
	v24 =	vadd.f32 v15, v16  }
0x57: {  	v17 =	vsel vm5, $0x3F800000, v3  }
0x58: {  	v27 =	vadd.f32 v17, v24;
	_ =	sdelay $0x1  }
0x59: {  	v28 =	vcvt.s32.f32 v8;
	s21 =	sshra.s32 s21, $0x2;
	[tilespmem:v26+s15+$0x0] =	vst.idx.msk vm4, v25;
	v27 =	vmax.f32 v27, $1.000000000e+00  }
0x5a: {  	v24 =	vcvt.s32.f32 v19;
	v25 =	vmul.f32 $1.600000000e+01, v27;
	v27 =	vld [tilespmem:s21+$0x0]  }
0x5b: {  	v19 =	vcvt.s32.f32 v20;
	v20 =	vcvt.s32.f32 v6  }
0x5c: {  	v26 =	vmul.f32 v24, v28  }
0x5d: {  	v20 =	vmul.f32 v20, v19  }
0x5e: {  	(erf) = vrcp.f32 v25;
	v25 =	vmax.f32 v26, $1.000000000e+00  }
0x5f: {  	v20 =	vmax.f32 v20, $1.000000000e+00;
	(erf) = vrcp.f32 v25;
	vm8 =	veq.s32 v27, $0x0  }
0x60: {  	(erf) = vrcp.f32 v20;
	vm7 =	veq.s32 v27, $0x1;
	v25 =	vsel vm8, $0x1, v2  }
0x61: {  	v20 =	vcvt.s32.f32 v10;
	v10 =	vcvt.s32.f32 v5;
	v54 =	vsel vm7, $0x1, v2;
	(xrf0) =	vadd.scan.msk.s32 $0xffff, v25  }
0x62: {  	vm6 =	veq.s32 v27, $0x2;
	(xrf0) =	vadd.scan.msk.s32 $0xffff, v54  }
0x63: {  	v10 =	vmul.f32 v10, v20;
	v25 =	vsel vm6, $0x1, v2  }
0x64: {  	vm4 =	veq.s32 v27, $0x3;
	(xrf0) =	vadd.scan.msk.s32 $0xffff, v25  }
0x65: {  	v26 =	vld [tilespmem:s21+$0x800];
	v55 =	vsel vm4, $0x1, v2;
	v10 =	vmax.f32 v10, $1.000000000e+00  }
0x66: {  	vm5 =	veq.s32 v27, $0x4;
	(erf) = vrcp.f32 v10;
	(xrf0) =	vadd.scan.msk.s32 $0xffff, v55  }
0x67: {  	v25 =	vsel vm5, $0x1, v2;
	v57, _, _ =	vpop (xrf0)  }
0x68: {  	s30 =	simm.s32 $0x10;
	(xrf0) =	vadd.scan.msk.s32 $0xffff, v25;
	v22 =	vadd.s32 v57, v22;
	v58, _, _ =	vpop (xrf0)  }
0x69: {  	v62 =	vor.u32 s30, v0;
	v10 =	vpop (erf);
	v59 =	vadd.s32 $0xFFFFFFFF, v22;
	v22 =	vadd.s32 v58, v23  }
0x6a: {  	vm15 =	vlt.s32 v62, v5;
	v56 =	vnsel vm4, $0x0, v26;
	v23, _, _ =	vpop (xrf0)  }
0x6b: {  	v29 =	vnsel vm7, $0x0, v26;
	v27 =	vpop (erf);
	v21 =	vadd.s32 v23, v21;
	v23 =	vmul.f32 v10, v16  }
0x6c: {  	v30 =	vnsel vm6, $0x0, v26;
	v11 =	vadd.f32 v56, v11;
	v28 =	vadd.s32 $0xFFFFFFFF, v22;
	v22, _, _ =	vpop (xrf0)  }
0x6d: {  	v13 =	vadd.f32 v29, v13;
	v25 =	vpop (erf);
	v60 =	vadd.s32 v22, v18;
	v22 =	vmul.f32 v10, v15  }
0x6e: {  	v12 =	vadd.f32 v30, v12;
	v31 =	vmul.f32 v10, v17;
	v32 =	vadd.s32 $0xFFFFFFFF, v21;
	v18, _, _ =	vpop (xrf0)  }
0x6f: {  	s29 =	simm.s32 $0x0;
	v14 =	vadd.s32 v18, v14;
	v18 =	vmul.f32 v23, v27;
	v23 =	vpop (erf);
	v21 =	vmul.f32 v22, v25  }
0x70: {  	v22 =	vmul.f32 v31, v23;
	v23 =	vor.u32 s29, v0;
	v25 =	vadd.s32 $0xFFFFFFFF, v60  }
0x71: {  	[tilespmem:v59+s15+$0x0] =	vst.idx.msk vm8, v26;
	v14 =	vadd.s32 $0xFFFFFFFF, v14;
	vm9 =	vlt.s32 v23, v7;
	vm14 =	vlt.s32 v23, v5  }
0x72: {  	[tilespmem:v28+s15+$0x0] =	vst.idx.msk vm7, v26;
	vm10 =	vlt.s32 v23, v6;
	vm7 =	vlt.s32 v23, v8;
	v27 =	vnsel vm9, $0x0, v5  }
0x73: {  	[tilespmem:v32+s15+$0x0] =	vst.idx.msk vm6, v26;
	vm6 =	vlt.s32 v62, v7;
	v61 =	vnsel vm9, $0x0, v22;
	v27 =	vsel vm14, v6, v27  }
0x74: {  	v63 =	vnsel vm6, $0x0, v22;
	v23 =	vsel vm10, v8, v27;
	v27 =	vsel vm14, v21, v61  }
0x75: {  	v27 =	vsel vm10, v18, v27;
	[tilespmem:v25+s15+$0x0] =	vst.idx.msk vm4, v26;
	v25 =	vnsel vm6, $0x0, v5;
	vm6 =	vlt.s32 v62, v6  }
0x76: {  	s31 =	simm.s32 $0x1900;
	vm4 =	vlt.s32 v62, v8;
	[tilespmem:v14+s15+$0x0] =	vst.idx.msk vm5, v26;
	v14 =	vsel vm7, $0x0, v23;
	v23 =	vsel vm15, v6, v25  }
0x77: {  	s21 =	simm.s32 $0x2100;
	v25 =	vsel vm15, v21, v63;
	[tilespmem:s31+$0x0] =	vst v14;
	v14 =	vsel vm7, $0x0, v27;
	v27 =	vsel vm6, v8, v23  }
0x78: {  	s23 =	simm.s32 $0x20;
	s22 =	simm.s32 $0x1910;
	v23 =	vmax.f32 v9, v26;
	[tilespmem:s21+$0x0] =	vst v14;
	v9 =	vsel vm4, $0x0, v27;
	v14 =	vsel vm6, v18, v25  }
.LBB2_7:
0x79: {  	v25 =	vor.u32 s23, v0;
	v14 =	vsel vm4, $0x0, v14;
	[tilespmem:s22+$0x0] =	vst v9;
	s21 =	sadd.s32 $0x10, s21;
	p0 =	sne.s32 s23, $0x7F0  }
.Ltmp3:
0x7a: {  	s23 =	sadd.s32 $0x10, s23;
	vm4 =	vlt.s32 v25, v7;
	[tilespmem:s21+$0x0] =	vst v14;
	(pc) =	sbr.rel @p0 .LBB2_7-.Ltmp3, $4  }
0x7b: {  	vm5 =	vlt.s32 v25, v5;
	v9 =	vnsel vm4, $0x0, v5  }
0x7c: {  	vm6 =	vlt.s32 v25, v6;
	v14 =	vnsel vm4, $0x0, v22;
	v9 =	vsel vm5, v6, v9  }
0x7d: {  	vm4 =	vlt.s32 v25, v8;
	v14 =	vsel vm5, v21, v14;
	v9 =	vsel vm6, v8, v9  }
0x7e: {  	s22 =	sadd.s32 $0x10, s22;
	v14 =	vsel vm6, v18, v14;
	v9 =	vsel vm4, $0x0, v9  }
0x7f: {  	(xrf2) =	vadd.scan.msk.f32 $0xffff, v13  }
0x80: {  	(xrf2) =	vadd.scan.msk.f32 $0xffff, v12  }
0x81: {  	v48 =	vmax.f32 v24, $1.000000000e+00  }
0x82: {  	v49 =	vmax.f32 v19, $1.000000000e+00;
	(xrf0) =	vmax.scan.msk.f32 $0xffff, v23;
	(erf) = vrcp.f32 v48  }
0x83: {  	(erf) = vrcp.f32 v49  }
0x84: {  	(xrf2) =	vadd.scan.msk.f32 $0xffff, v11;
	_ =	sdelay $0x1  }
0x85: {  	v50 =	vmax.f32 v20, $1.000000000e+00  }
0x86: {  	vm5 =	vlt.s32 v8, v4;
	(erf) = vrcp.f32 v50  }
0x87: {  	vm6 =	vgt.s32 v6, v1;
	vm9 =	vlt.s32 v8, $0x40000000;
	v57 =	vnsel vm3, $0x0, v8;
	v53, _, _ =	vpop (xrf0)  }
0x88: {  	vm3 =	vlt.s32 v6, v4;
	vm10 =	vgt.s32 v5, v1;
	v13 =	vbroadcast v53, $0xF;
	v51, _, _ =	vpop (xrf2)  }
0x89: {  	vm13 =	vlt.s32 v5, v4;
	vm14 =	vgt.s32 v7, v1;
	vm5 =	vmand vm5, vm6;
	v52, _, _ =	vpop (xrf2)  }
0x8a: {  	v58 =	vnsel vm9, $0x40000000, v8;
	v56 =	vmul.f32 v19, v13;
	v18 =	vpop (erf);
	v12 =	vbroadcast v52, $0xF  }
0x8b: {  	vm3 =	vmand vm3, vm10;
	v22 =	vmul.f32 v24, v13;
	v21 =	vpop (erf);
	v11 =	vbroadcast v51, $0xF  }
0x8c: {  	v8 =	vnsel vm5, $0x40000000, v58;
	v15 =	vmul.f32 v21, v15;
	v12 =	vsub.f32 v12, v56  }
0x8d: {  	v59 =	vmul.f32 v20, v13;
	v16 =	vmul.f32 v18, v16;
	v54, _, _ =	vpop (xrf2);
	v11 =	vsub.f32 v11, v22  }
0x8e: {  	v18 =	vbroadcast v54, $0xF;
	v12 =	vmul.f32 v12, v15;
	v15 =	vnsel vm5, $0x0, v57  }
0x8f: {  	vm12 =	vlt.s32 v8, v6;
	v55 =	vpop (erf);
	v11 =	vmul.f32 v11, v16;
	vm11 =	vgt.s32 v15, v6  }
0x90: {  	v17 =	vmul.f32 v55, v17;
	v16 =	vsub.f32 v18, v59;
	v60 =	vsel vm11, v15, v6  }
0x91: {  	vm5 =	vmand vm13, vm14;
	v11 =	vadd.f32 v12, v11;
	v12 =	vsel vm3, v60, v15  }
0x92: {  	v7 =	vmul.f32 v16, v17;
	v6 =	vsel vm12, v8, v6;
	vm15 =	vgt.s32 v12, v5  }
0x93: {  	v6 =	vsel vm3, v6, v8;
	v61 =	vsel vm15, v12, v5;
	v5 =	vnsel vm5, $0x40000000, v5  }
0x94: {  	v7 =	vadd.f32 v11, v7;
	v8 =	vsel vm5, v61, v12;
	vm3 =	vlt.s32 v6, v5  }
0x95: {  	v5 =	vsel vm3, v6, v5;
	v6 =	vadd.s32 $0x1FF, v8  }
0x96: {  	v7 =	vmul.f32 v7, v10;
	v6 =	vshra.s32 v6, $0x9;
	v5 =	vshra.s32 v5, $0x9  }
0x97: {  	v62 =	vsel vm4, $0x0, v14;
	vm3 =	vlt.s32 v5, v6  }
0x98: {  	[tilespmem:s22+$0x0] =	vst v9;
	s21 =	sadd.s32 $0x10, s21;
	v63 =	vnsel vm2, $0x0, v13;
	v7 =	vnsel vm1, $0x0, v7;
	v5 =	vsel vm3, v5, v6  }
0x99: {  	[tilespmem:s21+$0x0] =	vst v62;
	v5 =	vsel vm0, v6, v5;
	v6 =	vadd.f32 v7, v63  }
0x9a: {  	[tilespmem:$0x1800] =	vst v5  }
0x9b: {  	[tilespmem:$0x1880] =	vst v6  }
0x9c: {  	[hbm4b:s4+s11] =	stream.strided.scatter [tilespmem:s15], [sflag:$0x1], $0x800, s12, s11, $0x38;
	[tilespmem:$0x2900] =	vst v63  }
0x9d: {  	_ =	swait.ge [sflag:s13], $0x800  }
0x9e: {  	[sflag:s13] =	ssyncset.done $0x0  }
0x9f: {  	[sflag:s13] =	ssyncadd.s32 $0xFFFFF800  }
0xa0: {  	[hbm4b:s5+s2] =	stream.linear.scatter [tilespmem:s16], [sflag:$0x1], $0x80, $0x38;
	[tilespmem:$0x2900] =	vst v63  }
0xa1: {  	_ =	swait.ge [sflag:s13], $0x80  }
0xa2: {  	[sflag:s13] =	ssyncset.done $0x0  }
0xa3: {  	[sflag:s13] =	ssyncadd.s32 $0xFFFFFF80  }
0xa4: {  	[hbm4b:s6+s2] =	stream.linear.scatter [tilespmem:s17], [sflag:$0x1], $0x80, $0x38;
	[tilespmem:$0x2900] =	vst v63  }
0xa5: {  	_ =	swait.ge [sflag:s13], $0x80  }
0xa6: {  	[sflag:s13] =	ssyncset.done $0x0  }
0xa7: {  	[sflag:s13] =	ssyncadd.s32 $0xFFFFFF80  }
0xa8: {  	[hbm4b:s7+s11] =	stream.strided.scatter [tilespmem:s18], [sflag:$0x1], $0x800, s12, s11, $0x38;
	[tilespmem:$0x2900] =	vst v63  }
0xa9: {  	s20 =	sadd.s32 $0x1, s20;
	_ =	swait.ge [sflag:s13], $0x800  }
0xaa: {  	p0 =	sne.s32 s20, s10;
	[sflag:s13] =	ssyncset.done $0x0  }
.Ltmp4:
0xab: {  	[sflag:s13] =	ssyncadd.s32 $0xFFFFF800;
	(pc) =	sbr.rel @p0 .LBB2_2-.Ltmp4, $4  }
0xac: {  	[hbm4b:s8+s11] =	stream.strided.scatter [tilespmem:s19], [sflag:$0x1], $0x800, s12, s11, $0x38;
	[tilespmem:$0x2900] =	vst v63  }
0xad: {  	_ =	swait.ge [sflag:s13], $0x800  }
0xae: {  	[sflag:s13] =	ssyncset.done $0x0  }
0xaf: {  	[sflag:s13] =	ssyncadd.s32 $0xFFFFF800  }
.LBB2_9:
0xb0: {  	_ =	sfence.sel $0x180000  }
0xb1: {  	[bflag:$0x0] =	sbarrier.arrive $0xFFFF  }
0xb2: {  	p0 =	sne.s32 s1, $0x0;
	_ =	strace $0x90000047  }
0xb3: {  	s0 =	sadd.s32 @!p0 $0x100000, s0;
	[bflag:$0x2] =	sbarrier.arrive $0xFFFF  }
0xb4: {  	[sflag:s0] =	ssyncadd.tile.s32 @!p0 $0x1;
	_ =	shalt  }
.Lfunc_end2:
_tile_overlayer_lowered:
.L_overlay_start_2:
0xb5: {  	(tag) =	ssettag $0x2  }
0xb6: {  	s0 =	rddreg [dreg:$0x0];
	s2 =	stileid.u32  }
0xb7: {  	s1 =	rddreg [dreg:$0x1];
	p0 =	sne.s32 s2, $0x0  }
0xb8: {  	s3 =	rddreg [dreg:$0x2];
	[bflag:$0x3] =	sbarrier.arrive $0xFFFF;
	s2 =	simm.s32 @!p0 $0x1C01  }
0xb9: {  	[timem:s3], [sflag:s2] =	dma.local @!p0 [hbm:s0], s1  }
0xba: {  	s0 =	simm.s32 @!p0 $0x1  }
0xbb: {  	_ =	swait.ge @!p0 [sflag:s0], s1  }
0xbc: {  	s1 =	ssub.s32 @!p0 $0x0, s1;
	[sflag:s0] =	ssyncset.done @!p0 $0x0  }
0xbd: {  	[sflag:s0] =	ssyncadd.s32 @!p0 s1  }
0xbe: {  	[bflag:$0x3] =	sbarrier.arrive $0xFFFF  }
0xbf: {  	_ =	shalt  }

</sc_bundles>
